<compile_context>
chip_gen: v7x
topology: tpu7x:2x2x1
jax: 0.10.2.dev20260603
libtpu: 0.0.44.dev20260713+nightly
codegen_flags: <defaults>
</compile_context>

<pallas_src>
import functools
import math

import jax
import jax.numpy as jnp
from jax import lax
from jax.experimental import pallas as pl
from jax.experimental.pallas import tpu as pltpu
from jax.experimental.pallas import tpu_sc as plsc

VOCAB = 1000000
EMB = 64
BATCH = 16384
SEQ = 50
SCALE = math.sqrt(EMB)

NC = 2
NS = 16
NW = NC * NS
BCOLS = BATCH // NW
CHUNK = 256
NCHUNK = SEQ * 2
NBLK = (CHUNK // 16) * (EMB // 16)
SCR_STRIDE = 16 * 17

_mesh = plsc.VectorSubcoreMesh(core_axis_name="c", subcore_axis_name="s")


@functools.partial(
    pl.kernel,
    mesh=_mesh,
    out_type=jax.ShapeDtypeStruct((SEQ * 8, 128, 1024), jnp.float32),
    scratch_types=[
        pltpu.VMEM((CHUNK,), jnp.int32),
        pltpu.VMEM((CHUNK,), jnp.int32),
        pltpu.VMEM((CHUNK, EMB), jnp.float32),
        pltpu.VMEM((CHUNK, EMB), jnp.float32),
        pltpu.VMEM((2, 8, 1, 1024), jnp.float32),
        pltpu.VMEM((2, 8, 1, 1024), jnp.float32),
        pltpu.VMEM((NBLK * SCR_STRIDE,), jnp.float32),
        pltpu.SemaphoreType.DMA,
        pltpu.SemaphoreType.DMA,
        pltpu.SemaphoreType.DMA,
        pltpu.SemaphoreType.DMA,
        pltpu.SemaphoreType.DMA,
        pltpu.SemaphoreType.DMA,
    ],
    compiler_params=pltpu.CompilerParams(
        use_tc_tiling_on_sc=False, needs_layout_passes=False),
)
def _emb_lookup(tokens2_hbm, table_hbm, out_hbm, i0, i1, g0, g1, o0, o1,
                scr, si0, si1, sg0, sg1, ow0, ow1):
    wid = lax.axis_index("s") * NC + lax.axis_index("c")
    col0 = wid * BCOLS
    tc0 = wid * (BCOLS // 128)
    lane = lax.iota(jnp.int32, 16)
    i17 = lane * 17
    i17jj = [i17 + jj for jj in range(16)]

    bufs = ((i0, g0, o0, si0, sg0, ow0), (i1, g1, o1, si1, sg1, ow1))

    def start_idx(c, ibuf, sem):
        pltpu.async_copy(
            tokens2_hbm.at[c // 2, pl.ds(col0 + (c % 2) * CHUNK, CHUNK)],
            ibuf, sem)

    def wait_idx(ibuf, sem):
        pltpu.make_async_copy(
            tokens2_hbm.at[0, pl.ds(0, CHUNK)], ibuf, sem).wait()

    def start_gather(ibuf, gbuf, sem):
        pltpu.async_copy(table_hbm.at[ibuf], gbuf, sem)

    def wait_gather(gbuf, sem):
        pltpu.make_async_copy(table_hbm.at[i0], gbuf, sem).wait()

    def start_write(c, obuf, sem):
        s = c // 2
        tc = tc0 + (c % 2) * 2
        for k in range(2):
            pltpu.async_copy(
                obuf.at[k],
                out_hbm.at[pl.ds(s * 8, 8), pl.ds(tc + k, 1), :], sem)

    def wait_write(obuf, sem):
        for k in range(2):
            pltpu.make_async_copy(
                obuf.at[k], out_hbm.at[pl.ds(0, 8), pl.ds(0, 1), :],
                sem).wait()

    start_idx(0, i0, si0)
    start_idx(1, i1, si1)
    wait_idx(i0, si0)
    start_gather(i0, g0, sg0)

    def loop_body(it, carry):
        for b in range(2):
            c = it * 2 + b
            ibuf, gbuf, obuf, sis, sgs, ows = bufs[b]
            nibuf, ngbuf, _, nsis, nsgs, _ = bufs[1 - b]
            wait_gather(gbuf, sgs)

            @pl.when(c + 2 < NCHUNK)
            def _():
                start_idx(c + 2, ibuf, sis)

            @pl.when(c >= 2)
            def _():
                wait_write(obuf, ows)

            @plsc.parallel_loop(0, NBLK, 1, unroll=16)
            def _transpose(blk):
                bb = lax.bitwise_and(blk, 15)
                eg = lax.shift_right_logical(blk, 4)
                e0 = eg * 16
                sbase = blk * SCR_STRIDE
                k = lax.shift_right_logical(bb, 3)
                c0 = lax.bitwise_and(bb, 7) * 16
                for j in range(16):
                    v = gbuf[bb * 16 + j, pl.ds(e0, 16)]
                    scr[pl.ds(sbase + j * 17, 16)] = v
                sub = scr.at[pl.ds(sbase, SCR_STRIDE)]
                for jj in range(16):
                    vt = plsc.load_gather(sub, [i17jj[jj]])
                    tr2 = 2 * eg + jj // 8
                    off = (jj % 8) * 128 + c0
                    obuf[k, tr2, 0, pl.ds(off, 16)] = vt * SCALE

            start_write(c, obuf, ows)

            @pl.when(c + 1 < NCHUNK)
            def _():
                wait_idx(nibuf, nsis)
                start_gather(nibuf, ngbuf, nsgs)

        return carry

    lax.fori_loop(0, NCHUNK // 2, loop_body, 0)
    wait_write(o0, ow0)
    wait_write(o1, ow1)


def kernel(tokens, table):
    out5 = _emb_lookup(tokens.T, table)
    out5 = out5.reshape(SEQ, 8, 128, 8, 128)
    return out5.transpose(2, 4, 0, 1, 3).reshape(BATCH, SEQ, EMB)

# --- scband reference (transcript-rebuilt; emitter-appended) ---
"""Pipeline reference for scband-token-embedding-3667902071349 (READ-ONLY COPY).

The authoritative reference and input builder live on the scoring server;
editing this copy changes nothing except your own understanding.
"""

import jax, jax.numpy as jnp
import numpy as np
import math

VOCAB = 1000000
EMB = 64
BATCH = 16384
SEQ = 50

def setup_inputs(seed: int = 0) -> dict:
    key = jax.random.key(seed)
    k1, k2 = jax.random.split(key)
    tokens = jax.random.randint(k1, (BATCH, SEQ), 0, VOCAB, dtype=jnp.int64 if jax.config.jax_enable_x64 else jnp.int32)
    table = jax.random.normal(k2, (VOCAB, EMB), dtype=jnp.float32)
    return {"tokens": tokens, "table": table}

def reference(tokens, table):
    # TokenEmbedding.forward: embedding(tokens) * sqrt(emb_size)
    emb = jnp.take(table, tokens, axis=0)
    return emb * math.sqrt(EMB)

if __name__ == "__main__":
    import jax
    _d = setup_inputs()
    print(jax.jit(kernel)(*tuple(_d.values())))

</pallas_src>

<mosaic_0001>
#map = affine_map<(d0, d1) -> (0, 0)>
#map1 = affine_map<(d0, d1) -> (0, 0, 0)>
module attributes {stable_mosaic.version = 14 : i64} {
  func.func @_emb_lookup(%arg0: i32, %arg1: i32, %arg2: memref<50x16384xi32, #tpu.memory_space<hbm>>, %arg3: memref<1000000x64xf32, #tpu.memory_space<hbm>>, %arg4: memref<400x128x1024xf32, #tpu.memory_space<hbm>>, %arg5: memref<256xi32, #tpu.memory_space<vmem>>, %arg6: memref<256xi32, #tpu.memory_space<vmem>>, %arg7: memref<256x64xf32, #tpu.memory_space<vmem>>, %arg8: memref<256x64xf32, #tpu.memory_space<vmem>>, %arg9: memref<2x8x1x1024xf32, #tpu.memory_space<vmem>>, %arg10: memref<2x8x1x1024xf32, #tpu.memory_space<vmem>>, %arg11: memref<17408xf32, #tpu.memory_space<vmem>>, %arg12: memref<!tpu.dma_semaphore, #tpu.memory_space<semaphore_mem>>, %arg13: memref<!tpu.dma_semaphore, #tpu.memory_space<semaphore_mem>>, %arg14: memref<!tpu.dma_semaphore, #tpu.memory_space<semaphore_mem>>, %arg15: memref<!tpu.dma_semaphore, #tpu.memory_space<semaphore_mem>>, %arg16: memref<!tpu.dma_semaphore, #tpu.memory_space<semaphore_mem>>, %arg17: memref<!tpu.dma_semaphore, #tpu.memory_space<semaphore_mem>>) attributes {dimension_semantics = [#tpu.dimension_semantics<core_parallel>, #tpu.dimension_semantics<subcore_parallel>], iteration_bounds = array<i64: 2, 16>, scalar_prefetch = 0 : i64, scratch_operands = 13 : i64, tpu.core_type = #tpu.core_type<sc_vector_subcore>, window_params = [{transform_indices = #map}, {transform_indices = #map}, {transform_indices = #map1}]} {
    %mul3A = arith.constant 2 : i32
    %mul3A_0 = arith.muli %arg1, %mul3A : i32
    %add3A = arith.addi %mul3A_0, %arg0 : i32
    %mul3A_1 = arith.constant 512 : i32
    %mul3A_2 = arith.muli %add3A, %mul3A_1 : i32
    %mul3A_3 = arith.constant 4 : i32
    %mul3A_4 = arith.muli %add3A, %mul3A_3 : i32
    %iota3A = tpu.iota {dimensions = array<i32: 0>} : vector<16xi32>
    %mul3A_5 = arith.constant 17 : i32
    %mul3A_6 = vector.broadcast %mul3A_5 : i32 to vector<16xi32>
    %mul3A_7 = arith.muli %iota3A, %mul3A_6 : vector<16xi32>
    %add3A_8 = arith.constant 0 : i32
    %add3A_9 = vector.broadcast %add3A_8 : i32 to vector<16xi32>
    %add3A_10 = arith.addi %mul3A_7, %add3A_9 : vector<16xi32>
    %add3A_11 = arith.constant 1 : i32
    %add3A_12 = vector.broadcast %add3A_11 : i32 to vector<16xi32>
    %add3A_13 = arith.addi %mul3A_7, %add3A_12 : vector<16xi32>
    %add3A_14 = arith.constant 2 : i32
    %add3A_15 = vector.broadcast %add3A_14 : i32 to vector<16xi32>
    %add3A_16 = arith.addi %mul3A_7, %add3A_15 : vector<16xi32>
    %add3A_17 = arith.constant 3 : i32
    %add3A_18 = vector.broadcast %add3A_17 : i32 to vector<16xi32>
    %add3A_19 = arith.addi %mul3A_7, %add3A_18 : vector<16xi32>
    %add3A_20 = arith.constant 4 : i32
    %add3A_21 = vector.broadcast %add3A_20 : i32 to vector<16xi32>
    %add3A_22 = arith.addi %mul3A_7, %add3A_21 : vector<16xi32>
    %add3A_23 = arith.constant 5 : i32
    %add3A_24 = vector.broadcast %add3A_23 : i32 to vector<16xi32>
    %add3A_25 = arith.addi %mul3A_7, %add3A_24 : vector<16xi32>
    %add3A_26 = arith.constant 6 : i32
    %add3A_27 = vector.broadcast %add3A_26 : i32 to vector<16xi32>
    %add3A_28 = arith.addi %mul3A_7, %add3A_27 : vector<16xi32>
    %add3A_29 = arith.constant 7 : i32
    %add3A_30 = vector.broadcast %add3A_29 : i32 to vector<16xi32>
    %add3A_31 = arith.addi %mul3A_7, %add3A_30 : vector<16xi32>
    %add3A_32 = arith.constant 8 : i32
    %add3A_33 = vector.broadcast %add3A_32 : i32 to vector<16xi32>
    %add3A_34 = arith.addi %mul3A_7, %add3A_33 : vector<16xi32>
    %add3A_35 = arith.constant 9 : i32
    %add3A_36 = vector.broadcast %add3A_35 : i32 to vector<16xi32>
    %add3A_37 = arith.addi %mul3A_7, %add3A_36 : vector<16xi32>
    %add3A_38 = arith.constant 10 : i32
    %add3A_39 = vector.broadcast %add3A_38 : i32 to vector<16xi32>
    %add3A_40 = arith.addi %mul3A_7, %add3A_39 : vector<16xi32>
    %add3A_41 = arith.constant 11 : i32
    %add3A_42 = vector.broadcast %add3A_41 : i32 to vector<16xi32>
    %add3A_43 = arith.addi %mul3A_7, %add3A_42 : vector<16xi32>
    %add3A_44 = arith.constant 12 : i32
    %add3A_45 = vector.broadcast %add3A_44 : i32 to vector<16xi32>
    %add3A_46 = arith.addi %mul3A_7, %add3A_45 : vector<16xi32>
    %add3A_47 = arith.constant 13 : i32
    %add3A_48 = vector.broadcast %add3A_47 : i32 to vector<16xi32>
    %add3A_49 = arith.addi %mul3A_7, %add3A_48 : vector<16xi32>
    %add3A_50 = arith.constant 14 : i32
    %add3A_51 = vector.broadcast %add3A_50 : i32 to vector<16xi32>
    %add3A_52 = arith.addi %mul3A_7, %add3A_51 : vector<16xi32>
    %add3A_53 = arith.constant 15 : i32
    %add3A_54 = vector.broadcast %add3A_53 : i32 to vector<16xi32>
    %add3A_55 = arith.addi %mul3A_7, %add3A_54 : vector<16xi32>
    %add3A_56 = arith.constant 0 : i32
    %add3A_57 = arith.addi %mul3A_2, %add3A_56 : i32
    %dma_start3A = arith.constant 0 : i32
    %dma_start3A_58 = tpu.memref_slice %arg2[%dma_start3A, %add3A_57] : memref<50x16384xi32, #tpu.memory_space<hbm>> -> memref<1x256xi32, #tpu.memory_space<hbm>>
    %dma_start3A_59 = tpu.memref_squeeze %dma_start3A_58 : memref<1x256xi32, #tpu.memory_space<hbm>> -> memref<256xi32, #tpu.memory_space<hbm>>
    %dma_start3A_60 = tpu.memref_slice %arg2[%dma_start3A, %add3A_57] : memref<50x16384xi32, #tpu.memory_space<hbm>> -> memref<1x256xi32, #tpu.memory_space<hbm>>
    %dma_start3A_61 = tpu.memref_squeeze %dma_start3A_60 : memref<1x256xi32, #tpu.memory_space<hbm>> -> memref<256xi32, #tpu.memory_space<hbm>>
    tpu.enqueue_dma source(%dma_start3A_61 : memref<256xi32, #tpu.memory_space<hbm>>) target(%arg5 : memref<256xi32, #tpu.memory_space<vmem>>) target_semaphore(%arg12 : memref<!tpu.dma_semaphore, #tpu.memory_space<semaphore_mem>>)
    %add3A_62 = arith.constant 256 : i32
    %add3A_63 = arith.addi %mul3A_2, %add3A_62 : i32
    %dma_start3A_64 = arith.constant 0 : i32
    %dma_start3A_65 = tpu.memref_slice %arg2[%dma_start3A_64, %add3A_63] : memref<50x16384xi32, #tpu.memory_space<hbm>> -> memref<1x256xi32, #tpu.memory_space<hbm>>
    %dma_start3A_66 = tpu.memref_squeeze %dma_start3A_65 : memref<1x256xi32, #tpu.memory_space<hbm>> -> memref<256xi32, #tpu.memory_space<hbm>>
    %dma_start3A_67 = tpu.memref_slice %arg2[%dma_start3A_64, %add3A_63] : memref<50x16384xi32, #tpu.memory_space<hbm>> -> memref<1x256xi32, #tpu.memory_space<hbm>>
    %dma_start3A_68 = tpu.memref_squeeze %dma_start3A_67 : memref<1x256xi32, #tpu.memory_space<hbm>> -> memref<256xi32, #tpu.memory_space<hbm>>
    tpu.enqueue_dma source(%dma_start3A_68 : memref<256xi32, #tpu.memory_space<hbm>>) target(%arg6 : memref<256xi32, #tpu.memory_space<vmem>>) target_semaphore(%arg13 : memref<!tpu.dma_semaphore, #tpu.memory_space<semaphore_mem>>)
    %dma_wait3A = arith.constant 0 : i32
    %dma_wait3A_69 = arith.constant 0 : i32
    %dma_wait3A_70 = tpu.memref_slice %arg2[%dma_wait3A, %dma_wait3A_69] : memref<50x16384xi32, #tpu.memory_space<hbm>> -> memref<1x256xi32, #tpu.memory_space<hbm>>
    %dma_wait3A_71 = tpu.memref_squeeze %dma_wait3A_70 : memref<1x256xi32, #tpu.memory_space<hbm>> -> memref<256xi32, #tpu.memory_space<hbm>>
    %dma_wait3A_72 = arith.constant 0 : i32
    %dma_wait3A_73 = tpu.memref_slice %arg2[%dma_wait3A, %dma_wait3A_72] : memref<50x16384xi32, #tpu.memory_space<hbm>> -> memref<1x256xi32, #tpu.memory_space<hbm>>
    %dma_wait3A_74 = tpu.memref_squeeze %dma_wait3A_73 : memref<1x256xi32, #tpu.memory_space<hbm>> -> memref<256xi32, #tpu.memory_space<hbm>>
    tpu.wait_dma2 semaphore(%arg12 : memref<!tpu.dma_semaphore, #tpu.memory_space<semaphore_mem>>) src(%dma_wait3A_74 : memref<256xi32, #tpu.memory_space<hbm>>) dst(%arg5 : memref<256xi32, #tpu.memory_space<vmem>>)
    %dma_start3A_75 = arith.constant 0 : i32
    %dma_start3A_76 = arith.constant 0 : i32
    %dma_start3A_77 = tpu.memref_slice %arg3[%dma_start3A_75, %dma_start3A_76] : memref<1000000x64xf32, #tpu.memory_space<hbm>> -> memref<1000000x64xf32, #tpu.memory_space<hbm>>
    tpu.enqueue_indirect_dma source(%dma_start3A_77 : memref<1000000x64xf32, #tpu.memory_space<hbm>>) target(%arg7 : memref<256x64xf32, #tpu.memory_space<vmem>>) offsets(%arg5 : memref<256xi32, #tpu.memory_space<vmem>>) semaphore(%arg14 : memref<!tpu.dma_semaphore, #tpu.memory_space<semaphore_mem>>)
    %scan3A = arith.constant 0 : i32
    %scan3A_78 = arith.constant 0 : i32
    %scan3A_79 = arith.constant 50 : i32
    %scan3A_80 = arith.addi %scan3A_78, %scan3A_79 : i32
    %scan3A_81 = arith.constant 1 : i32
    scf.for %scan3A_159 = %scan3A_78 to %scan3A_80 step %scan3A_81  : i32 {
      %mul3A_160 = arith.constant 2 : i32
      %mul3A_161 = arith.muli %scan3A_159, %mul3A_160 : i32
      %add3A_162 = arith.constant 0 : i32
      %add3A_163 = arith.addi %mul3A_161, %add3A_162 : i32
      %dma_wait3A_164 = arith.constant 0 : i32
      %dma_wait3A_165 = arith.constant 0 : i32
      %dma_wait3A_166 = tpu.memref_slice %arg3[%dma_wait3A_164, %dma_wait3A_165] : memref<1000000x64xf32, #tpu.memory_space<hbm>> -> memref<1000000x64xf32, #tpu.memory_space<hbm>>
      tpu.wait_indirect_dma semaphore(%arg14 : memref<!tpu.dma_semaphore, #tpu.memory_space<semaphore_mem>>) src(%dma_wait3A_166 : memref<1000000x64xf32, #tpu.memory_space<hbm>>) dst(%arg7 : memref<256x64xf32, #tpu.memory_space<vmem>>)
      %add3A_167 = arith.constant 2 : i32
      %add3A_168 = arith.addi %add3A_163, %add3A_167 : i32
      %lt3A = arith.constant 100 : i32
      %lt3A_169 = arith.cmpi slt, %add3A_168, %lt3A : i32
      %convert_element_type3A = arith.extui %lt3A_169 : i1 to i32
      %cond3A = arith.constant 0 : i32
      %cond3A_170 = arith.cmpi ne, %convert_element_type3A, %cond3A : i32
      scf.if %cond3A_170 {
        %add3A_366 = arith.constant 2 : i32
        %add3A_367 = arith.addi %add3A_163, %add3A_366 : i32
        %jit3A_368 = arith.constant 2 : i32
        %div3A_369 = arith.divsi %add3A_367, %jit3A_368 : i32
        %sign3A_370 = arith.constant 0 : i32
        %sign3A_371 = arith.cmpi sgt, %add3A_367, %sign3A_370 : i32
        %sign3A_372 = arith.extui %sign3A_371 : i1 to i32
        %sign3A_373 = arith.constant 0 : i32
        %sign3A_374 = arith.cmpi slt, %add3A_367, %sign3A_373 : i32
        %sign3A_375 = arith.extui %sign3A_374 : i1 to i32
        %sign3A_376 = arith.subi %sign3A_372, %sign3A_375 : i32
        %sign3A_377 = arith.constant 0 : i32
        %sign3A_378 = arith.cmpi sgt, %jit3A_368, %sign3A_377 : i32
        %sign3A_379 = arith.extui %sign3A_378 : i1 to i32
        %sign3A_380 = arith.constant 0 : i32
        %sign3A_381 = arith.cmpi slt, %jit3A_368, %sign3A_380 : i32
        %sign3A_382 = arith.extui %sign3A_381 : i1 to i32
        %sign3A_383 = arith.subi %sign3A_379, %sign3A_382 : i32
        %ne3A_384 = arith.cmpi ne, %sign3A_376, %sign3A_383 : i32
        %rem3A_385 = arith.remsi %add3A_367, %jit3A_368 : i32
        %ne3A_386 = arith.constant 0 : i32
        %ne3A_387 = arith.cmpi ne, %rem3A_385, %ne3A_386 : i32
        %and3A_388 = arith.andi %ne3A_384, %ne3A_387 : i1
        %sub3A_389 = arith.constant 1 : i32
        %sub3A_390 = arith.subi %div3A_369, %sub3A_389 : i32
        %select_n3A_391 = arith.select %and3A_388, %sub3A_390, %div3A_369 : i32
        %jit3A_392 = arith.constant 2 : i32
        %eq3A_393 = arith.constant 0 : i32
        %eq3A_394 = arith.cmpi eq, %jit3A_392, %eq3A_393 : i32
        %jit3A_395 = arith.constant 1 : i32
        %select_n3A_396 = arith.select %eq3A_394, %jit3A_395, %jit3A_392 : i32
        %rem3A_397 = arith.remsi %add3A_367, %select_n3A_396 : i32
        %ne3A_398 = arith.constant 0 : i32
        %ne3A_399 = arith.cmpi ne, %rem3A_397, %ne3A_398 : i32
        %lt3A_400 = arith.constant 0 : i32
        %lt3A_401 = arith.cmpi slt, %rem3A_397, %lt3A_400 : i32
        %lt3A_402 = arith.constant 0 : i32
        %lt3A_403 = arith.cmpi slt, %select_n3A_396, %lt3A_402 : i32
        %ne3A_404 = arith.xori %lt3A_401, %lt3A_403 : i1
        %and3A_405 = arith.andi %ne3A_404, %ne3A_399 : i1
        %add3A_406 = arith.addi %rem3A_397, %select_n3A_396 : i32
        %select_n3A_407 = arith.select %and3A_405, %add3A_406, %rem3A_397 : i32
        %mul3A_408 = arith.constant 256 : i32
        %mul3A_409 = arith.muli %select_n3A_407, %mul3A_408 : i32
        %add3A_410 = arith.addi %mul3A_2, %mul3A_409 : i32
        %dma_start3A_411 = tpu.memref_slice %arg2[%select_n3A_391, %add3A_410] : memref<50x16384xi32, #tpu.memory_space<hbm>> -> memref<1x256xi32, #tpu.memory_space<hbm>>
        %dma_start3A_412 = tpu.memref_squeeze %dma_start3A_411 : memref<1x256xi32, #tpu.memory_space<hbm>> -> memref<256xi32, #tpu.memory_space<hbm>>
        %dma_start3A_413 = tpu.memref_slice %arg2[%select_n3A_391, %add3A_410] : memref<50x16384xi32, #tpu.memory_space<hbm>> -> memref<1x256xi32, #tpu.memory_space<hbm>>
        %dma_start3A_414 = tpu.memref_squeeze %dma_start3A_413 : memref<1x256xi32, #tpu.memory_space<hbm>> -> memref<256xi32, #tpu.memory_space<hbm>>
        tpu.enqueue_dma source(%dma_start3A_414 : memref<256xi32, #tpu.memory_space<hbm>>) target(%arg5 : memref<256xi32, #tpu.memory_space<vmem>>) target_semaphore(%arg12 : memref<!tpu.dma_semaphore, #tpu.memory_space<semaphore_mem>>)
      } else {
      }
      %ge3A = arith.constant 2 : i32
      %ge3A_171 = arith.cmpi sge, %add3A_163, %ge3A : i32
      %convert_element_type3A_172 = arith.extui %ge3A_171 : i1 to i32
      %cond3A_173 = arith.constant 0 : i32
      %cond3A_174 = arith.cmpi ne, %convert_element_type3A_172, %cond3A_173 : i32
      scf.if %cond3A_174 {
        %dma_wait3A_366 = arith.constant 0 : i32
        %dma_wait3A_367 = arith.constant 0 : i32
        %dma_wait3A_368 = arith.constant 0 : i32
        %dma_wait3A_369 = arith.constant 0 : i32
        %dma_wait3A_370 = tpu.memref_slice %arg9[%dma_wait3A_366, %dma_wait3A_367, %dma_wait3A_368, %dma_wait3A_369] : memref<2x8x1x1024xf32, #tpu.memory_space<vmem>> -> memref<1x8x1x1024xf32, #tpu.memory_space<vmem>>
        %dma_wait3A_371 = tpu.memref_squeeze %dma_wait3A_370 : memref<1x8x1x1024xf32, #tpu.memory_space<vmem>> -> memref<8x1x1024xf32, #tpu.memory_space<vmem>>
        %dma_wait3A_372 = arith.constant 0 : i32
        %dma_wait3A_373 = arith.constant 0 : i32
        %dma_wait3A_374 = arith.constant 0 : i32
        %dma_wait3A_375 = tpu.memref_slice %arg4[%dma_wait3A_372, %dma_wait3A_373, %dma_wait3A_374] : memref<400x128x1024xf32, #tpu.memory_space<hbm>> -> memref<8x1x1024xf32, #tpu.memory_space<hbm>>
        %dma_wait3A_376 = arith.constant 0 : i32
        %dma_wait3A_377 = arith.constant 0 : i32
        %dma_wait3A_378 = arith.constant 0 : i32
        %dma_wait3A_379 = tpu.memref_slice %arg4[%dma_wait3A_376, %dma_wait3A_377, %dma_wait3A_378] : memref<400x128x1024xf32, #tpu.memory_space<hbm>> -> memref<8x1x1024xf32, #tpu.memory_space<hbm>>
        %dma_wait3A_380 = arith.constant 0 : i32
        %dma_wait3A_381 = arith.constant 0 : i32
        %dma_wait3A_382 = arith.constant 0 : i32
        %dma_wait3A_383 = tpu.memref_slice %arg9[%dma_wait3A_366, %dma_wait3A_380, %dma_wait3A_381, %dma_wait3A_382] : memref<2x8x1x1024xf32, #tpu.memory_space<vmem>> -> memref<1x8x1x1024xf32, #tpu.memory_space<vmem>>
        %dma_wait3A_384 = tpu.memref_squeeze %dma_wait3A_383 : memref<1x8x1x1024xf32, #tpu.memory_space<vmem>> -> memref<8x1x1024xf32, #tpu.memory_space<vmem>>
        tpu.wait_dma2 semaphore(%arg16 : memref<!tpu.dma_semaphore, #tpu.memory_space<semaphore_mem>>) src(%dma_wait3A_384 : memref<8x1x1024xf32, #tpu.memory_space<vmem>>) dst(%dma_wait3A_379 : memref<8x1x1024xf32, #tpu.memory_space<hbm>>)
        %dma_wait3A_385 = arith.constant 1 : i32
        %dma_wait3A_386 = arith.constant 0 : i32
        %dma_wait3A_387 = arith.constant 0 : i32
        %dma_wait3A_388 = arith.constant 0 : i32
        %dma_wait3A_389 = tpu.memref_slice %arg9[%dma_wait3A_385, %dma_wait3A_386, %dma_wait3A_387, %dma_wait3A_388] : memref<2x8x1x1024xf32, #tpu.memory_space<vmem>> -> memref<1x8x1x1024xf32, #tpu.memory_space<vmem>>
        %dma_wait3A_390 = tpu.memref_squeeze %dma_wait3A_389 : memref<1x8x1x1024xf32, #tpu.memory_space<vmem>> -> memref<8x1x1024xf32, #tpu.memory_space<vmem>>
        %dma_wait3A_391 = arith.constant 0 : i32
        %dma_wait3A_392 = arith.constant 0 : i32
        %dma_wait3A_393 = arith.constant 0 : i32
        %dma_wait3A_394 = tpu.memref_slice %arg4[%dma_wait3A_391, %dma_wait3A_392, %dma_wait3A_393] : memref<400x128x1024xf32, #tpu.memory_space<hbm>> -> memref<8x1x1024xf32, #tpu.memory_space<hbm>>
        %dma_wait3A_395 = arith.constant 0 : i32
        %dma_wait3A_396 = arith.constant 0 : i32
        %dma_wait3A_397 = arith.constant 0 : i32
        %dma_wait3A_398 = tpu.memref_slice %arg4[%dma_wait3A_395, %dma_wait3A_396, %dma_wait3A_397] : memref<400x128x1024xf32, #tpu.memory_space<hbm>> -> memref<8x1x1024xf32, #tpu.memory_space<hbm>>
        %dma_wait3A_399 = arith.constant 0 : i32
        %dma_wait3A_400 = arith.constant 0 : i32
        %dma_wait3A_401 = arith.constant 0 : i32
        %dma_wait3A_402 = tpu.memref_slice %arg9[%dma_wait3A_385, %dma_wait3A_399, %dma_wait3A_400, %dma_wait3A_401] : memref<2x8x1x1024xf32, #tpu.memory_space<vmem>> -> memref<1x8x1x1024xf32, #tpu.memory_space<vmem>>
        %dma_wait3A_403 = tpu.memref_squeeze %dma_wait3A_402 : memref<1x8x1x1024xf32, #tpu.memory_space<vmem>> -> memref<8x1x1024xf32, #tpu.memory_space<vmem>>
        tpu.wait_dma2 semaphore(%arg16 : memref<!tpu.dma_semaphore, #tpu.memory_space<semaphore_mem>>) src(%dma_wait3A_403 : memref<8x1x1024xf32, #tpu.memory_space<vmem>>) dst(%dma_wait3A_398 : memref<8x1x1024xf32, #tpu.memory_space<hbm>>)
      } else {
      }
      %parallel_loop3A = arith.constant 0 : i32
      %parallel_loop3A_175 = arith.constant 64 : i32
      %parallel_loop3A_176 = arith.constant 1 : i32
      scf.for %parallel_loop3A_366 = %parallel_loop3A to %parallel_loop3A_175 step %parallel_loop3A_176  : i32 {
        %parallel_loop3A_367 = arith.constant 15 : i32
        %parallel_loop3A_368 = arith.andi %parallel_loop3A_366, %parallel_loop3A_367 : i32
        %parallel_loop3A_369 = arith.constant 4 : i32
        %parallel_loop3A_370 = arith.shrui %parallel_loop3A_366, %parallel_loop3A_369 : i32
        %parallel_loop3A_371 = arith.constant 16 : i32
        %parallel_loop3A_372 = arith.muli %parallel_loop3A_370, %parallel_loop3A_371 : i32
        %parallel_loop3A_373 = arith.constant 272 : i32
        %parallel_loop3A_374 = arith.muli %parallel_loop3A_366, %parallel_loop3A_373 : i32
        %parallel_loop3A_375 = arith.constant 3 : i32
        %parallel_loop3A_376 = arith.shrui %parallel_loop3A_368, %parallel_loop3A_375 : i32
        %parallel_loop3A_377 = arith.constant 7 : i32
        %parallel_loop3A_378 = arith.andi %parallel_loop3A_368, %parallel_loop3A_377 : i32
        %parallel_loop3A_379 = arith.constant 16 : i32
        %parallel_loop3A_380 = arith.muli %parallel_loop3A_378, %parallel_loop3A_379 : i32
        %parallel_loop3A_381 = arith.constant 16 : i32
        %parallel_loop3A_382 = arith.muli %parallel_loop3A_368, %parallel_loop3A_381 : i32
        %parallel_loop3A_383 = arith.constant 0 : i32
        %parallel_loop3A_384 = arith.addi %parallel_loop3A_382, %parallel_loop3A_383 : i32
        %parallel_loop3A_385 = arith.index_cast %parallel_loop3A_384 : i32 to index
        %parallel_loop3A_386 = arith.index_cast %parallel_loop3A_372 : i32 to index
        %parallel_loop3A_387 = tpu.vector_load %arg7[%parallel_loop3A_385, %parallel_loop3A_386] {strides = array<i32>} : memref<256x64xf32, #tpu.memory_space<vmem>>, vector<16xf32>,
        %parallel_loop3A_388 = arith.constant 0 : i32
        %parallel_loop3A_389 = arith.addi %parallel_loop3A_374, %parallel_loop3A_388 : i32
        %parallel_loop3A_390 = arith.index_cast %parallel_loop3A_389 : i32 to index
        %parallel_loop3A_391 = tpu.vector_load %arg11[%parallel_loop3A_390] {strides = array<i32>} : memref<17408xf32, #tpu.memory_space<vmem>>, vector<16xf32>,
        tpu.vector_store %arg11[%parallel_loop3A_390], %parallel_loop3A_387 {strides = array<i32>} : memref<17408xf32, #tpu.memory_space<vmem>>, vector<16xf32>,
        %parallel_loop3A_392 = arith.constant 16 : i32
        %parallel_loop3A_393 = arith.muli %parallel_loop3A_368, %parallel_loop3A_392 : i32
        %parallel_loop3A_394 = arith.constant 1 : i32
        %parallel_loop3A_395 = arith.addi %parallel_loop3A_393, %parallel_loop3A_394 : i32
        %parallel_loop3A_396 = arith.index_cast %parallel_loop3A_395 : i32 to index
        %parallel_loop3A_397 = arith.index_cast %parallel_loop3A_372 : i32 to index
        %parallel_loop3A_398 = tpu.vector_load %arg7[%parallel_loop3A_396, %parallel_loop3A_397] {strides = array<i32>} : memref<256x64xf32, #tpu.memory_space<vmem>>, vector<16xf32>,
        %parallel_loop3A_399 = arith.constant 17 : i32
        %parallel_loop3A_400 = arith.addi %parallel_loop3A_374, %parallel_loop3A_399 : i32
        %parallel_loop3A_401 = arith.index_cast %parallel_loop3A_400 : i32 to index
        %parallel_loop3A_402 = tpu.vector_load %arg11[%parallel_loop3A_401] {strides = array<i32>} : memref<17408xf32, #tpu.memory_space<vmem>>, vector<16xf32>,
        tpu.vector_store %arg11[%parallel_loop3A_401], %parallel_loop3A_398 {strides = array<i32>} : memref<17408xf32, #tpu.memory_space<vmem>>, vector<16xf32>,
        %parallel_loop3A_403 = arith.constant 16 : i32
        %parallel_loop3A_404 = arith.muli %parallel_loop3A_368, %parallel_loop3A_403 : i32
        %parallel_loop3A_405 = arith.constant 2 : i32
        %parallel_loop3A_406 = arith.addi %parallel_loop3A_404, %parallel_loop3A_405 : i32
        %parallel_loop3A_407 = arith.index_cast %parallel_loop3A_406 : i32 to index
        %parallel_loop3A_408 = arith.index_cast %parallel_loop3A_372 : i32 to index
        %parallel_loop3A_409 = tpu.vector_load %arg7[%parallel_loop3A_407, %parallel_loop3A_408] {strides = array<i32>} : memref<256x64xf32, #tpu.memory_space<vmem>>, vector<16xf32>,
        %parallel_loop3A_410 = arith.constant 34 : i32
        %parallel_loop3A_411 = arith.addi %parallel_loop3A_374, %parallel_loop3A_410 : i32
        %parallel_loop3A_412 = arith.index_cast %parallel_loop3A_411 : i32 to index
        %parallel_loop3A_413 = tpu.vector_load %arg11[%parallel_loop3A_412] {strides = array<i32>} : memref<17408xf32, #tpu.memory_space<vmem>>, vector<16xf32>,
        tpu.vector_store %arg11[%parallel_loop3A_412], %parallel_loop3A_409 {strides = array<i32>} : memref<17408xf32, #tpu.memory_space<vmem>>, vector<16xf32>,
        %parallel_loop3A_414 = arith.constant 16 : i32
        %parallel_loop3A_415 = arith.muli %parallel_loop3A_368, %parallel_loop3A_414 : i32
        %parallel_loop3A_416 = arith.constant 3 : i32
        %parallel_loop3A_417 = arith.addi %parallel_loop3A_415, %parallel_loop3A_416 : i32
        %parallel_loop3A_418 = arith.index_cast %parallel_loop3A_417 : i32 to index
        %parallel_loop3A_419 = arith.index_cast %parallel_loop3A_372 : i32 to index
        %parallel_loop3A_420 = tpu.vector_load %arg7[%parallel_loop3A_418, %parallel_loop3A_419] {strides = array<i32>} : memref<256x64xf32, #tpu.memory_space<vmem>>, vector<16xf32>,
        %parallel_loop3A_421 = arith.constant 51 : i32
        %parallel_loop3A_422 = arith.addi %parallel_loop3A_374, %parallel_loop3A_421 : i32
        %parallel_loop3A_423 = arith.index_cast %parallel_loop3A_422 : i32 to index
        %parallel_loop3A_424 = tpu.vector_load %arg11[%parallel_loop3A_423] {strides = array<i32>} : memref<17408xf32, #tpu.memory_space<vmem>>, vector<16xf32>,
        tpu.vector_store %arg11[%parallel_loop3A_423], %parallel_loop3A_420 {strides = array<i32>} : memref<17408xf32, #tpu.memory_space<vmem>>, vector<16xf32>,
        %parallel_loop3A_425 = arith.constant 16 : i32
        %parallel_loop3A_426 = arith.muli %parallel_loop3A_368, %parallel_loop3A_425 : i32
        %parallel_loop3A_427 = arith.constant 4 : i32
        %parallel_loop3A_428 = arith.addi %parallel_loop3A_426, %parallel_loop3A_427 : i32
        %parallel_loop3A_429 = arith.index_cast %parallel_loop3A_428 : i32 to index
        %parallel_loop3A_430 = arith.index_cast %parallel_loop3A_372 : i32 to index
        %parallel_loop3A_431 = tpu.vector_load %arg7[%parallel_loop3A_429, %parallel_loop3A_430] {strides = array<i32>} : memref<256x64xf32, #tpu.memory_space<vmem>>, vector<16xf32>,
        %parallel_loop3A_432 = arith.constant 68 : i32
        %parallel_loop3A_433 = arith.addi %parallel_loop3A_374, %parallel_loop3A_432 : i32
        %parallel_loop3A_434 = arith.index_cast %parallel_loop3A_433 : i32 to index
        %parallel_loop3A_435 = tpu.vector_load %arg11[%parallel_loop3A_434] {strides = array<i32>} : memref<17408xf32, #tpu.memory_space<vmem>>, vector<16xf32>,
        tpu.vector_store %arg11[%parallel_loop3A_434], %parallel_loop3A_431 {strides = array<i32>} : memref<17408xf32, #tpu.memory_space<vmem>>, vector<16xf32>,
        %parallel_loop3A_436 = arith.constant 16 : i32
        %parallel_loop3A_437 = arith.muli %parallel_loop3A_368, %parallel_loop3A_436 : i32
        %parallel_loop3A_438 = arith.constant 5 : i32
        %parallel_loop3A_439 = arith.addi %parallel_loop3A_437, %parallel_loop3A_438 : i32
        %parallel_loop3A_440 = arith.index_cast %parallel_loop3A_439 : i32 to index
        %parallel_loop3A_441 = arith.index_cast %parallel_loop3A_372 : i32 to index
        %parallel_loop3A_442 = tpu.vector_load %arg7[%parallel_loop3A_440, %parallel_loop3A_441] {strides = array<i32>} : memref<256x64xf32, #tpu.memory_space<vmem>>, vector<16xf32>,
        %parallel_loop3A_443 = arith.constant 85 : i32
        %parallel_loop3A_444 = arith.addi %parallel_loop3A_374, %parallel_loop3A_443 : i32
        %parallel_loop3A_445 = arith.index_cast %parallel_loop3A_444 : i32 to index
        %parallel_loop3A_446 = tpu.vector_load %arg11[%parallel_loop3A_445] {strides = array<i32>} : memref<17408xf32, #tpu.memory_space<vmem>>, vector<16xf32>,
        tpu.vector_store %arg11[%parallel_loop3A_445], %parallel_loop3A_442 {strides = array<i32>} : memref<17408xf32, #tpu.memory_space<vmem>>, vector<16xf32>,
        %parallel_loop3A_447 = arith.constant 16 : i32
        %parallel_loop3A_448 = arith.muli %parallel_loop3A_368, %parallel_loop3A_447 : i32
        %parallel_loop3A_449 = arith.constant 6 : i32
        %parallel_loop3A_450 = arith.addi %parallel_loop3A_448, %parallel_loop3A_449 : i32
        %parallel_loop3A_451 = arith.index_cast %parallel_loop3A_450 : i32 to index
        %parallel_loop3A_452 = arith.index_cast %parallel_loop3A_372 : i32 to index
        %parallel_loop3A_453 = tpu.vector_load %arg7[%parallel_loop3A_451, %parallel_loop3A_452] {strides = array<i32>} : memref<256x64xf32, #tpu.memory_space<vmem>>, vector<16xf32>,
        %parallel_loop3A_454 = arith.constant 102 : i32
        %parallel_loop3A_455 = arith.addi %parallel_loop3A_374, %parallel_loop3A_454 : i32
        %parallel_loop3A_456 = arith.index_cast %parallel_loop3A_455 : i32 to index
        %parallel_loop3A_457 = tpu.vector_load %arg11[%parallel_loop3A_456] {strides = array<i32>} : memref<17408xf32, #tpu.memory_space<vmem>>, vector<16xf32>,
        tpu.vector_store %arg11[%parallel_loop3A_456], %parallel_loop3A_453 {strides = array<i32>} : memref<17408xf32, #tpu.memory_space<vmem>>, vector<16xf32>,
        %parallel_loop3A_458 = arith.constant 16 : i32
        %parallel_loop3A_459 = arith.muli %parallel_loop3A_368, %parallel_loop3A_458 : i32
        %parallel_loop3A_460 = arith.constant 7 : i32
        %parallel_loop3A_461 = arith.addi %parallel_loop3A_459, %parallel_loop3A_460 : i32
        %parallel_loop3A_462 = arith.index_cast %parallel_loop3A_461 : i32 to index
        %parallel_loop3A_463 = arith.index_cast %parallel_loop3A_372 : i32 to index
        %parallel_loop3A_464 = tpu.vector_load %arg7[%parallel_loop3A_462, %parallel_loop3A_463] {strides = array<i32>} : memref<256x64xf32, #tpu.memory_space<vmem>>, vector<16xf32>,
        %parallel_loop3A_465 = arith.constant 119 : i32
        %parallel_loop3A_466 = arith.addi %parallel_loop3A_374, %parallel_loop3A_465 : i32
        %parallel_loop3A_467 = arith.index_cast %parallel_loop3A_466 : i32 to index
        %parallel_loop3A_468 = tpu.vector_load %arg11[%parallel_loop3A_467] {strides = array<i32>} : memref<17408xf32, #tpu.memory_space<vmem>>, vector<16xf32>,
        tpu.vector_store %arg11[%parallel_loop3A_467], %parallel_loop3A_464 {strides = array<i32>} : memref<17408xf32, #tpu.memory_space<vmem>>, vector<16xf32>,
        %parallel_loop3A_469 = arith.constant 16 : i32
        %parallel_loop3A_470 = arith.muli %parallel_loop3A_368, %parallel_loop3A_469 : i32
        %parallel_loop3A_471 = arith.constant 8 : i32
        %parallel_loop3A_472 = arith.addi %parallel_loop3A_470, %parallel_loop3A_471 : i32
        %parallel_loop3A_473 = arith.index_cast %parallel_loop3A_472 : i32 to index
        %parallel_loop3A_474 = arith.index_cast %parallel_loop3A_372 : i32 to index
        %parallel_loop3A_475 = tpu.vector_load %arg7[%parallel_loop3A_473, %parallel_loop3A_474] {strides = array<i32>} : memref<256x64xf32, #tpu.memory_space<vmem>>, vector<16xf32>,
        %parallel_loop3A_476 = arith.constant 136 : i32
        %parallel_loop3A_477 = arith.addi %parallel_loop3A_374, %parallel_loop3A_476 : i32
        %parallel_loop3A_478 = arith.index_cast %parallel_loop3A_477 : i32 to index
        %parallel_loop3A_479 = tpu.vector_load %arg11[%parallel_loop3A_478] {strides = array<i32>} : memref<17408xf32, #tpu.memory_space<vmem>>, vector<16xf32>,
        tpu.vector_store %arg11[%parallel_loop3A_478], %parallel_loop3A_475 {strides = array<i32>} : memref<17408xf32, #tpu.memory_space<vmem>>, vector<16xf32>,
        %parallel_loop3A_480 = arith.constant 16 : i32
        %parallel_loop3A_481 = arith.muli %parallel_loop3A_368, %parallel_loop3A_480 : i32
        %parallel_loop3A_482 = arith.constant 9 : i32
        %parallel_loop3A_483 = arith.addi %parallel_loop3A_481, %parallel_loop3A_482 : i32
        %parallel_loop3A_484 = arith.index_cast %parallel_loop3A_483 : i32 to index
        %parallel_loop3A_485 = arith.index_cast %parallel_loop3A_372 : i32 to index
        %parallel_loop3A_486 = tpu.vector_load %arg7[%parallel_loop3A_484, %parallel_loop3A_485] {strides = array<i32>} : memref<256x64xf32, #tpu.memory_space<vmem>>, vector<16xf32>,
        %parallel_loop3A_487 = arith.constant 153 : i32
        %parallel_loop3A_488 = arith.addi %parallel_loop3A_374, %parallel_loop3A_487 : i32
        %parallel_loop3A_489 = arith.index_cast %parallel_loop3A_488 : i32 to index
        %parallel_loop3A_490 = tpu.vector_load %arg11[%parallel_loop3A_489] {strides = array<i32>} : memref<17408xf32, #tpu.memory_space<vmem>>, vector<16xf32>,
        tpu.vector_store %arg11[%parallel_loop3A_489], %parallel_loop3A_486 {strides = array<i32>} : memref<17408xf32, #tpu.memory_space<vmem>>, vector<16xf32>,
        %parallel_loop3A_491 = arith.constant 16 : i32
        %parallel_loop3A_492 = arith.muli %parallel_loop3A_368, %parallel_loop3A_491 : i32
        %parallel_loop3A_493 = arith.constant 10 : i32
        %parallel_loop3A_494 = arith.addi %parallel_loop3A_492, %parallel_loop3A_493 : i32
        %parallel_loop3A_495 = arith.index_cast %parallel_loop3A_494 : i32 to index
        %parallel_loop3A_496 = arith.index_cast %parallel_loop3A_372 : i32 to index
        %parallel_loop3A_497 = tpu.vector_load %arg7[%parallel_loop3A_495, %parallel_loop3A_496] {strides = array<i32>} : memref<256x64xf32, #tpu.memory_space<vmem>>, vector<16xf32>,
        %parallel_loop3A_498 = arith.constant 170 : i32
        %parallel_loop3A_499 = arith.addi %parallel_loop3A_374, %parallel_loop3A_498 : i32
        %parallel_loop3A_500 = arith.index_cast %parallel_loop3A_499 : i32 to index
        %parallel_loop3A_501 = tpu.vector_load %arg11[%parallel_loop3A_500] {strides = array<i32>} : memref<17408xf32, #tpu.memory_space<vmem>>, vector<16xf32>,
        tpu.vector_store %arg11[%parallel_loop3A_500], %parallel_loop3A_497 {strides = array<i32>} : memref<17408xf32, #tpu.memory_space<vmem>>, vector<16xf32>,
        %parallel_loop3A_502 = arith.constant 16 : i32
        %parallel_loop3A_503 = arith.muli %parallel_loop3A_368, %parallel_loop3A_502 : i32
        %parallel_loop3A_504 = arith.constant 11 : i32
        %parallel_loop3A_505 = arith.addi %parallel_loop3A_503, %parallel_loop3A_504 : i32
        %parallel_loop3A_506 = arith.index_cast %parallel_loop3A_505 : i32 to index
        %parallel_loop3A_507 = arith.index_cast %parallel_loop3A_372 : i32 to index
        %parallel_loop3A_508 = tpu.vector_load %arg7[%parallel_loop3A_506, %parallel_loop3A_507] {strides = array<i32>} : memref<256x64xf32, #tpu.memory_space<vmem>>, vector<16xf32>,
        %parallel_loop3A_509 = arith.constant 187 : i32
        %parallel_loop3A_510 = arith.addi %parallel_loop3A_374, %parallel_loop3A_509 : i32
        %parallel_loop3A_511 = arith.index_cast %parallel_loop3A_510 : i32 to index
        %parallel_loop3A_512 = tpu.vector_load %arg11[%parallel_loop3A_511] {strides = array<i32>} : memref<17408xf32, #tpu.memory_space<vmem>>, vector<16xf32>,
        tpu.vector_store %arg11[%parallel_loop3A_511], %parallel_loop3A_508 {strides = array<i32>} : memref<17408xf32, #tpu.memory_space<vmem>>, vector<16xf32>,
        %parallel_loop3A_513 = arith.constant 16 : i32
        %parallel_loop3A_514 = arith.muli %parallel_loop3A_368, %parallel_loop3A_513 : i32
        %parallel_loop3A_515 = arith.constant 12 : i32
        %parallel_loop3A_516 = arith.addi %parallel_loop3A_514, %parallel_loop3A_515 : i32
        %parallel_loop3A_517 = arith.index_cast %parallel_loop3A_516 : i32 to index
        %parallel_loop3A_518 = arith.index_cast %parallel_loop3A_372 : i32 to index
        %parallel_loop3A_519 = tpu.vector_load %arg7[%parallel_loop3A_517, %parallel_loop3A_518] {strides = array<i32>} : memref<256x64xf32, #tpu.memory_space<vmem>>, vector<16xf32>,
        %parallel_loop3A_520 = arith.constant 204 : i32
        %parallel_loop3A_521 = arith.addi %parallel_loop3A_374, %parallel_loop3A_520 : i32
        %parallel_loop3A_522 = arith.index_cast %parallel_loop3A_521 : i32 to index
        %parallel_loop3A_523 = tpu.vector_load %arg11[%parallel_loop3A_522] {strides = array<i32>} : memref<17408xf32, #tpu.memory_space<vmem>>, vector<16xf32>,
        tpu.vector_store %arg11[%parallel_loop3A_522], %parallel_loop3A_519 {strides = array<i32>} : memref<17408xf32, #tpu.memory_space<vmem>>, vector<16xf32>,
        %parallel_loop3A_524 = arith.constant 16 : i32
        %parallel_loop3A_525 = arith.muli %parallel_loop3A_368, %parallel_loop3A_524 : i32
        %parallel_loop3A_526 = arith.constant 13 : i32
        %parallel_loop3A_527 = arith.addi %parallel_loop3A_525, %parallel_loop3A_526 : i32
        %parallel_loop3A_528 = arith.index_cast %parallel_loop3A_527 : i32 to index
        %parallel_loop3A_529 = arith.index_cast %parallel_loop3A_372 : i32 to index
        %parallel_loop3A_530 = tpu.vector_load %arg7[%parallel_loop3A_528, %parallel_loop3A_529] {strides = array<i32>} : memref<256x64xf32, #tpu.memory_space<vmem>>, vector<16xf32>,
        %parallel_loop3A_531 = arith.constant 221 : i32
        %parallel_loop3A_532 = arith.addi %parallel_loop3A_374, %parallel_loop3A_531 : i32
        %parallel_loop3A_533 = arith.index_cast %parallel_loop3A_532 : i32 to index
        %parallel_loop3A_534 = tpu.vector_load %arg11[%parallel_loop3A_533] {strides = array<i32>} : memref<17408xf32, #tpu.memory_space<vmem>>, vector<16xf32>,
        tpu.vector_store %arg11[%parallel_loop3A_533], %parallel_loop3A_530 {strides = array<i32>} : memref<17408xf32, #tpu.memory_space<vmem>>, vector<16xf32>,
        %parallel_loop3A_535 = arith.constant 16 : i32
        %parallel_loop3A_536 = arith.muli %parallel_loop3A_368, %parallel_loop3A_535 : i32
        %parallel_loop3A_537 = arith.constant 14 : i32
        %parallel_loop3A_538 = arith.addi %parallel_loop3A_536, %parallel_loop3A_537 : i32
        %parallel_loop3A_539 = arith.index_cast %parallel_loop3A_538 : i32 to index
        %parallel_loop3A_540 = arith.index_cast %parallel_loop3A_372 : i32 to index
        %parallel_loop3A_541 = tpu.vector_load %arg7[%parallel_loop3A_539, %parallel_loop3A_540] {strides = array<i32>} : memref<256x64xf32, #tpu.memory_space<vmem>>, vector<16xf32>,
        %parallel_loop3A_542 = arith.constant 238 : i32
        %parallel_loop3A_543 = arith.addi %parallel_loop3A_374, %parallel_loop3A_542 : i32
        %parallel_loop3A_544 = arith.index_cast %parallel_loop3A_543 : i32 to index
        %parallel_loop3A_545 = tpu.vector_load %arg11[%parallel_loop3A_544] {strides = array<i32>} : memref<17408xf32, #tpu.memory_space<vmem>>, vector<16xf32>,
        tpu.vector_store %arg11[%parallel_loop3A_544], %parallel_loop3A_541 {strides = array<i32>} : memref<17408xf32, #tpu.memory_space<vmem>>, vector<16xf32>,
        %parallel_loop3A_546 = arith.constant 16 : i32
        %parallel_loop3A_547 = arith.muli %parallel_loop3A_368, %parallel_loop3A_546 : i32
        %parallel_loop3A_548 = arith.constant 15 : i32
        %parallel_loop3A_549 = arith.addi %parallel_loop3A_547, %parallel_loop3A_548 : i32
        %parallel_loop3A_550 = arith.index_cast %parallel_loop3A_549 : i32 to index
        %parallel_loop3A_551 = arith.index_cast %parallel_loop3A_372 : i32 to index
        %parallel_loop3A_552 = tpu.vector_load %arg7[%parallel_loop3A_550, %parallel_loop3A_551] {strides = array<i32>} : memref<256x64xf32, #tpu.memory_space<vmem>>, vector<16xf32>,
        %parallel_loop3A_553 = arith.constant 255 : i32
        %parallel_loop3A_554 = arith.addi %parallel_loop3A_374, %parallel_loop3A_553 : i32
        %parallel_loop3A_555 = arith.index_cast %parallel_loop3A_554 : i32 to index
        %parallel_loop3A_556 = tpu.vector_load %arg11[%parallel_loop3A_555] {strides = array<i32>} : memref<17408xf32, #tpu.memory_space<vmem>>, vector<16xf32>,
        tpu.vector_store %arg11[%parallel_loop3A_555], %parallel_loop3A_552 {strides = array<i32>} : memref<17408xf32, #tpu.memory_space<vmem>>, vector<16xf32>,
        %parallel_loop3A_557 = tpu.memref_slice %arg11[%parallel_loop3A_374] : memref<17408xf32, #tpu.memory_space<vmem>> -> memref<272xf32, #tpu.memory_space<vmem>>
        %parallel_loop3A_558 = tpu.vector_load_idx %parallel_loop3A_557[%add3A_10] : memref<272xf32, #tpu.memory_space<vmem>>[vector<16xi32>], vector<16xf32>,
        %parallel_loop3A_559 = arith.constant 2 : i32
        %parallel_loop3A_560 = arith.muli %parallel_loop3A_559, %parallel_loop3A_370 : i32
        %parallel_loop3A_561 = arith.constant 0 : i32
        %parallel_loop3A_562 = arith.addi %parallel_loop3A_560, %parallel_loop3A_561 : i32
        %parallel_loop3A_563 = arith.constant 0 : i32
        %parallel_loop3A_564 = arith.addi %parallel_loop3A_563, %parallel_loop3A_380 : i32
        %parallel_loop3A_565 = arith.constant 8.000000e+00 : f32
        %parallel_loop3A_566 = vector.broadcast %parallel_loop3A_565 : f32 to vector<16xf32>
        %parallel_loop3A_567 = arith.mulf %parallel_loop3A_558, %parallel_loop3A_566 : vector<16xf32>
        %parallel_loop3A_568 = arith.constant 0 : i32
        %parallel_loop3A_569 = arith.index_cast %parallel_loop3A_376 : i32 to index
        %parallel_loop3A_570 = arith.index_cast %parallel_loop3A_562 : i32 to index
        %parallel_loop3A_571 = arith.index_cast %parallel_loop3A_568 : i32 to index
        %parallel_loop3A_572 = arith.index_cast %parallel_loop3A_564 : i32 to index
        %parallel_loop3A_573 = tpu.vector_load %arg9[%parallel_loop3A_569, %parallel_loop3A_570, %parallel_loop3A_571, %parallel_loop3A_572] {strides = array<i32>} : memref<2x8x1x1024xf32, #tpu.memory_space<vmem>>, vector<16xf32>,
        tpu.vector_store %arg9[%parallel_loop3A_569, %parallel_loop3A_570, %parallel_loop3A_571, %parallel_loop3A_572], %parallel_loop3A_567 {strides = array<i32>} : memref<2x8x1x1024xf32, #tpu.memory_space<vmem>>, vector<16xf32>,
        %parallel_loop3A_574 = tpu.memref_slice %arg11[%parallel_loop3A_374] : memref<17408xf32, #tpu.memory_space<vmem>> -> memref<272xf32, #tpu.memory_space<vmem>>
        %parallel_loop3A_575 = tpu.vector_load_idx %parallel_loop3A_574[%add3A_13] : memref<272xf32, #tpu.memory_space<vmem>>[vector<16xi32>], vector<16xf32>,
        %parallel_loop3A_576 = arith.constant 2 : i32
        %parallel_loop3A_577 = arith.muli %parallel_loop3A_576, %parallel_loop3A_370 : i32
        %parallel_loop3A_578 = arith.constant 0 : i32
        %parallel_loop3A_579 = arith.addi %parallel_loop3A_577, %parallel_loop3A_578 : i32
        %parallel_loop3A_580 = arith.constant 128 : i32
        %parallel_loop3A_581 = arith.addi %parallel_loop3A_580, %parallel_loop3A_380 : i32
        %parallel_loop3A_582 = arith.constant 8.000000e+00 : f32
        %parallel_loop3A_583 = vector.broadcast %parallel_loop3A_582 : f32 to vector<16xf32>
        %parallel_loop3A_584 = arith.mulf %parallel_loop3A_575, %parallel_loop3A_583 : vector<16xf32>
        %parallel_loop3A_585 = arith.constant 0 : i32
        %parallel_loop3A_586 = arith.index_cast %parallel_loop3A_376 : i32 to index
        %parallel_loop3A_587 = arith.index_cast %parallel_loop3A_579 : i32 to index
        %parallel_loop3A_588 = arith.index_cast %parallel_loop3A_585 : i32 to index
        %parallel_loop3A_589 = arith.index_cast %parallel_loop3A_581 : i32 to index
        %parallel_loop3A_590 = tpu.vector_load %arg9[%parallel_loop3A_586, %parallel_loop3A_587, %parallel_loop3A_588, %parallel_loop3A_589] {strides = array<i32>} : memref<2x8x1x1024xf32, #tpu.memory_space<vmem>>, vector<16xf32>,
        tpu.vector_store %arg9[%parallel_loop3A_586, %parallel_loop3A_587, %parallel_loop3A_588, %parallel_loop3A_589], %parallel_loop3A_584 {strides = array<i32>} : memref<2x8x1x1024xf32, #tpu.memory_space<vmem>>, vector<16xf32>,
        %parallel_loop3A_591 = tpu.memref_slice %arg11[%parallel_loop3A_374] : memref<17408xf32, #tpu.memory_space<vmem>> -> memref<272xf32, #tpu.memory_space<vmem>>
        %parallel_loop3A_592 = tpu.vector_load_idx %parallel_loop3A_591[%add3A_16] : memref<272xf32, #tpu.memory_space<vmem>>[vector<16xi32>], vector<16xf32>,
        %parallel_loop3A_593 = arith.constant 2 : i32
        %parallel_loop3A_594 = arith.muli %parallel_loop3A_593, %parallel_loop3A_370 : i32
        %parallel_loop3A_595 = arith.constant 0 : i32
        %parallel_loop3A_596 = arith.addi %parallel_loop3A_594, %parallel_loop3A_595 : i32
        %parallel_loop3A_597 = arith.constant 256 : i32
        %parallel_loop3A_598 = arith.addi %parallel_loop3A_597, %parallel_loop3A_380 : i32
        %parallel_loop3A_599 = arith.constant 8.000000e+00 : f32
        %parallel_loop3A_600 = vector.broadcast %parallel_loop3A_599 : f32 to vector<16xf32>
        %parallel_loop3A_601 = arith.mulf %parallel_loop3A_592, %parallel_loop3A_600 : vector<16xf32>
        %parallel_loop3A_602 = arith.constant 0 : i32
        %parallel_loop3A_603 = arith.index_cast %parallel_loop3A_376 : i32 to index
        %parallel_loop3A_604 = arith.index_cast %parallel_loop3A_596 : i32 to index
        %parallel_loop3A_605 = arith.index_cast %parallel_loop3A_602 : i32 to index
        %parallel_loop3A_606 = arith.index_cast %parallel_loop3A_598 : i32 to index
        %parallel_loop3A_607 = tpu.vector_load %arg9[%parallel_loop3A_603, %parallel_loop3A_604, %parallel_loop3A_605, %parallel_loop3A_606] {strides = array<i32>} : memref<2x8x1x1024xf32, #tpu.memory_space<vmem>>, vector<16xf32>,
        tpu.vector_store %arg9[%parallel_loop3A_603, %parallel_loop3A_604, %parallel_loop3A_605, %parallel_loop3A_606], %parallel_loop3A_601 {strides = array<i32>} : memref<2x8x1x1024xf32, #tpu.memory_space<vmem>>, vector<16xf32>,
        %parallel_loop3A_608 = tpu.memref_slice %arg11[%parallel_loop3A_374] : memref<17408xf32, #tpu.memory_space<vmem>> -> memref<272xf32, #tpu.memory_space<vmem>>
        %parallel_loop3A_609 = tpu.vector_load_idx %parallel_loop3A_608[%add3A_19] : memref<272xf32, #tpu.memory_space<vmem>>[vector<16xi32>], vector<16xf32>,
        %parallel_loop3A_610 = arith.constant 2 : i32
        %parallel_loop3A_611 = arith.muli %parallel_loop3A_610, %parallel_loop3A_370 : i32
        %parallel_loop3A_612 = arith.constant 0 : i32
        %parallel_loop3A_613 = arith.addi %parallel_loop3A_611, %parallel_loop3A_612 : i32
        %parallel_loop3A_614 = arith.constant 384 : i32
        %parallel_loop3A_615 = arith.addi %parallel_loop3A_614, %parallel_loop3A_380 : i32
        %parallel_loop3A_616 = arith.constant 8.000000e+00 : f32
        %parallel_loop3A_617 = vector.broadcast %parallel_loop3A_616 : f32 to vector<16xf32>
        %parallel_loop3A_618 = arith.mulf %parallel_loop3A_609, %parallel_loop3A_617 : vector<16xf32>
        %parallel_loop3A_619 = arith.constant 0 : i32
        %parallel_loop3A_620 = arith.index_cast %parallel_loop3A_376 : i32 to index
        %parallel_loop3A_621 = arith.index_cast %parallel_loop3A_613 : i32 to index
        %parallel_loop3A_622 = arith.index_cast %parallel_loop3A_619 : i32 to index
        %parallel_loop3A_623 = arith.index_cast %parallel_loop3A_615 : i32 to index
        %parallel_loop3A_624 = tpu.vector_load %arg9[%parallel_loop3A_620, %parallel_loop3A_621, %parallel_loop3A_622, %parallel_loop3A_623] {strides = array<i32>} : memref<2x8x1x1024xf32, #tpu.memory_space<vmem>>, vector<16xf32>,
        tpu.vector_store %arg9[%parallel_loop3A_620, %parallel_loop3A_621, %parallel_loop3A_622, %parallel_loop3A_623], %parallel_loop3A_618 {strides = array<i32>} : memref<2x8x1x1024xf32, #tpu.memory_space<vmem>>, vector<16xf32>,
        %parallel_loop3A_625 = tpu.memref_slice %arg11[%parallel_loop3A_374] : memref<17408xf32, #tpu.memory_space<vmem>> -> memref<272xf32, #tpu.memory_space<vmem>>
        %parallel_loop3A_626 = tpu.vector_load_idx %parallel_loop3A_625[%add3A_22] : memref<272xf32, #tpu.memory_space<vmem>>[vector<16xi32>], vector<16xf32>,
        %parallel_loop3A_627 = arith.constant 2 : i32
        %parallel_loop3A_628 = arith.muli %parallel_loop3A_627, %parallel_loop3A_370 : i32
        %parallel_loop3A_629 = arith.constant 0 : i32
        %parallel_loop3A_630 = arith.addi %parallel_loop3A_628, %parallel_loop3A_629 : i32
        %parallel_loop3A_631 = arith.constant 512 : i32
        %parallel_loop3A_632 = arith.addi %parallel_loop3A_631, %parallel_loop3A_380 : i32
        %parallel_loop3A_633 = arith.constant 8.000000e+00 : f32
        %parallel_loop3A_634 = vector.broadcast %parallel_loop3A_633 : f32 to vector<16xf32>
        %parallel_loop3A_635 = arith.mulf %parallel_loop3A_626, %parallel_loop3A_634 : vector<16xf32>
        %parallel_loop3A_636 = arith.constant 0 : i32
        %parallel_loop3A_637 = arith.index_cast %parallel_loop3A_376 : i32 to index
        %parallel_loop3A_638 = arith.index_cast %parallel_loop3A_630 : i32 to index
        %parallel_loop3A_639 = arith.index_cast %parallel_loop3A_636 : i32 to index
        %parallel_loop3A_640 = arith.index_cast %parallel_loop3A_632 : i32 to index
        %parallel_loop3A_641 = tpu.vector_load %arg9[%parallel_loop3A_637, %parallel_loop3A_638, %parallel_loop3A_639, %parallel_loop3A_640] {strides = array<i32>} : memref<2x8x1x1024xf32, #tpu.memory_space<vmem>>, vector<16xf32>,
        tpu.vector_store %arg9[%parallel_loop3A_637, %parallel_loop3A_638, %parallel_loop3A_639, %parallel_loop3A_640], %parallel_loop3A_635 {strides = array<i32>} : memref<2x8x1x1024xf32, #tpu.memory_space<vmem>>, vector<16xf32>,
        %parallel_loop3A_642 = tpu.memref_slice %arg11[%parallel_loop3A_374] : memref<17408xf32, #tpu.memory_space<vmem>> -> memref<272xf32, #tpu.memory_space<vmem>>
        %parallel_loop3A_643 = tpu.vector_load_idx %parallel_loop3A_642[%add3A_25] : memref<272xf32, #tpu.memory_space<vmem>>[vector<16xi32>], vector<16xf32>,
        %parallel_loop3A_644 = arith.constant 2 : i32
        %parallel_loop3A_645 = arith.muli %parallel_loop3A_644, %parallel_loop3A_370 : i32
        %parallel_loop3A_646 = arith.constant 0 : i32
        %parallel_loop3A_647 = arith.addi %parallel_loop3A_645, %parallel_loop3A_646 : i32
        %parallel_loop3A_648 = arith.constant 640 : i32
        %parallel_loop3A_649 = arith.addi %parallel_loop3A_648, %parallel_loop3A_380 : i32
        %parallel_loop3A_650 = arith.constant 8.000000e+00 : f32
        %parallel_loop3A_651 = vector.broadcast %parallel_loop3A_650 : f32 to vector<16xf32>
        %parallel_loop3A_652 = arith.mulf %parallel_loop3A_643, %parallel_loop3A_651 : vector<16xf32>
        %parallel_loop3A_653 = arith.constant 0 : i32
        %parallel_loop3A_654 = arith.index_cast %parallel_loop3A_376 : i32 to index
        %parallel_loop3A_655 = arith.index_cast %parallel_loop3A_647 : i32 to index
        %parallel_loop3A_656 = arith.index_cast %parallel_loop3A_653 : i32 to index
        %parallel_loop3A_657 = arith.index_cast %parallel_loop3A_649 : i32 to index
        %parallel_loop3A_658 = tpu.vector_load %arg9[%parallel_loop3A_654, %parallel_loop3A_655, %parallel_loop3A_656, %parallel_loop3A_657] {strides = array<i32>} : memref<2x8x1x1024xf32, #tpu.memory_space<vmem>>, vector<16xf32>,
        tpu.vector_store %arg9[%parallel_loop3A_654, %parallel_loop3A_655, %parallel_loop3A_656, %parallel_loop3A_657], %parallel_loop3A_652 {strides = array<i32>} : memref<2x8x1x1024xf32, #tpu.memory_space<vmem>>, vector<16xf32>,
        %parallel_loop3A_659 = tpu.memref_slice %arg11[%parallel_loop3A_374] : memref<17408xf32, #tpu.memory_space<vmem>> -> memref<272xf32, #tpu.memory_space<vmem>>
        %parallel_loop3A_660 = tpu.vector_load_idx %parallel_loop3A_659[%add3A_28] : memref<272xf32, #tpu.memory_space<vmem>>[vector<16xi32>], vector<16xf32>,
        %parallel_loop3A_661 = arith.constant 2 : i32
        %parallel_loop3A_662 = arith.muli %parallel_loop3A_661, %parallel_loop3A_370 : i32
        %parallel_loop3A_663 = arith.constant 0 : i32
        %parallel_loop3A_664 = arith.addi %parallel_loop3A_662, %parallel_loop3A_663 : i32
        %parallel_loop3A_665 = arith.constant 768 : i32
        %parallel_loop3A_666 = arith.addi %parallel_loop3A_665, %parallel_loop3A_380 : i32
        %parallel_loop3A_667 = arith.constant 8.000000e+00 : f32
        %parallel_loop3A_668 = vector.broadcast %parallel_loop3A_667 : f32 to vector<16xf32>
        %parallel_loop3A_669 = arith.mulf %parallel_loop3A_660, %parallel_loop3A_668 : vector<16xf32>
        %parallel_loop3A_670 = arith.constant 0 : i32
        %parallel_loop3A_671 = arith.index_cast %parallel_loop3A_376 : i32 to index
        %parallel_loop3A_672 = arith.index_cast %parallel_loop3A_664 : i32 to index
        %parallel_loop3A_673 = arith.index_cast %parallel_loop3A_670 : i32 to index
        %parallel_loop3A_674 = arith.index_cast %parallel_loop3A_666 : i32 to index
        %parallel_loop3A_675 = tpu.vector_load %arg9[%parallel_loop3A_671, %parallel_loop3A_672, %parallel_loop3A_673, %parallel_loop3A_674] {strides = array<i32>} : memref<2x8x1x1024xf32, #tpu.memory_space<vmem>>, vector<16xf32>,
        tpu.vector_store %arg9[%parallel_loop3A_671, %parallel_loop3A_672, %parallel_loop3A_673, %parallel_loop3A_674], %parallel_loop3A_669 {strides = array<i32>} : memref<2x8x1x1024xf32, #tpu.memory_space<vmem>>, vector<16xf32>,
        %parallel_loop3A_676 = tpu.memref_slice %arg11[%parallel_loop3A_374] : memref<17408xf32, #tpu.memory_space<vmem>> -> memref<272xf32, #tpu.memory_space<vmem>>
        %parallel_loop3A_677 = tpu.vector_load_idx %parallel_loop3A_676[%add3A_31] : memref<272xf32, #tpu.memory_space<vmem>>[vector<16xi32>], vector<16xf32>,
        %parallel_loop3A_678 = arith.constant 2 : i32
        %parallel_loop3A_679 = arith.muli %parallel_loop3A_678, %parallel_loop3A_370 : i32
        %parallel_loop3A_680 = arith.constant 0 : i32
        %parallel_loop3A_681 = arith.addi %parallel_loop3A_679, %parallel_loop3A_680 : i32
        %parallel_loop3A_682 = arith.constant 896 : i32
        %parallel_loop3A_683 = arith.addi %parallel_loop3A_682, %parallel_loop3A_380 : i32
        %parallel_loop3A_684 = arith.constant 8.000000e+00 : f32
        %parallel_loop3A_685 = vector.broadcast %parallel_loop3A_684 : f32 to vector<16xf32>
        %parallel_loop3A_686 = arith.mulf %parallel_loop3A_677, %parallel_loop3A_685 : vector<16xf32>
        %parallel_loop3A_687 = arith.constant 0 : i32
        %parallel_loop3A_688 = arith.index_cast %parallel_loop3A_376 : i32 to index
        %parallel_loop3A_689 = arith.index_cast %parallel_loop3A_681 : i32 to index
        %parallel_loop3A_690 = arith.index_cast %parallel_loop3A_687 : i32 to index
        %parallel_loop3A_691 = arith.index_cast %parallel_loop3A_683 : i32 to index
        %parallel_loop3A_692 = tpu.vector_load %arg9[%parallel_loop3A_688, %parallel_loop3A_689, %parallel_loop3A_690, %parallel_loop3A_691] {strides = array<i32>} : memref<2x8x1x1024xf32, #tpu.memory_space<vmem>>, vector<16xf32>,
        tpu.vector_store %arg9[%parallel_loop3A_688, %parallel_loop3A_689, %parallel_loop3A_690, %parallel_loop3A_691], %parallel_loop3A_686 {strides = array<i32>} : memref<2x8x1x1024xf32, #tpu.memory_space<vmem>>, vector<16xf32>,
        %parallel_loop3A_693 = tpu.memref_slice %arg11[%parallel_loop3A_374] : memref<17408xf32, #tpu.memory_space<vmem>> -> memref<272xf32, #tpu.memory_space<vmem>>
        %parallel_loop3A_694 = tpu.vector_load_idx %parallel_loop3A_693[%add3A_34] : memref<272xf32, #tpu.memory_space<vmem>>[vector<16xi32>], vector<16xf32>,
        %parallel_loop3A_695 = arith.constant 2 : i32
        %parallel_loop3A_696 = arith.muli %parallel_loop3A_695, %parallel_loop3A_370 : i32
        %parallel_loop3A_697 = arith.constant 1 : i32
        %parallel_loop3A_698 = arith.addi %parallel_loop3A_696, %parallel_loop3A_697 : i32
        %parallel_loop3A_699 = arith.constant 0 : i32
        %parallel_loop3A_700 = arith.addi %parallel_loop3A_699, %parallel_loop3A_380 : i32
        %parallel_loop3A_701 = arith.constant 8.000000e+00 : f32
        %parallel_loop3A_702 = vector.broadcast %parallel_loop3A_701 : f32 to vector<16xf32>
        %parallel_loop3A_703 = arith.mulf %parallel_loop3A_694, %parallel_loop3A_702 : vector<16xf32>
        %parallel_loop3A_704 = arith.constant 0 : i32
        %parallel_loop3A_705 = arith.index_cast %parallel_loop3A_376 : i32 to index
        %parallel_loop3A_706 = arith.index_cast %parallel_loop3A_698 : i32 to index
        %parallel_loop3A_707 = arith.index_cast %parallel_loop3A_704 : i32 to index
        %parallel_loop3A_708 = arith.index_cast %parallel_loop3A_700 : i32 to index
        %parallel_loop3A_709 = tpu.vector_load %arg9[%parallel_loop3A_705, %parallel_loop3A_706, %parallel_loop3A_707, %parallel_loop3A_708] {strides = array<i32>} : memref<2x8x1x1024xf32, #tpu.memory_space<vmem>>, vector<16xf32>,
        tpu.vector_store %arg9[%parallel_loop3A_705, %parallel_loop3A_706, %parallel_loop3A_707, %parallel_loop3A_708], %parallel_loop3A_703 {strides = array<i32>} : memref<2x8x1x1024xf32, #tpu.memory_space<vmem>>, vector<16xf32>,
        %parallel_loop3A_710 = tpu.memref_slice %arg11[%parallel_loop3A_374] : memref<17408xf32, #tpu.memory_space<vmem>> -> memref<272xf32, #tpu.memory_space<vmem>>
        %parallel_loop3A_711 = tpu.vector_load_idx %parallel_loop3A_710[%add3A_37] : memref<272xf32, #tpu.memory_space<vmem>>[vector<16xi32>], vector<16xf32>,
        %parallel_loop3A_712 = arith.constant 2 : i32
        %parallel_loop3A_713 = arith.muli %parallel_loop3A_712, %parallel_loop3A_370 : i32
        %parallel_loop3A_714 = arith.constant 1 : i32
        %parallel_loop3A_715 = arith.addi %parallel_loop3A_713, %parallel_loop3A_714 : i32
        %parallel_loop3A_716 = arith.constant 128 : i32
        %parallel_loop3A_717 = arith.addi %parallel_loop3A_716, %parallel_loop3A_380 : i32
        %parallel_loop3A_718 = arith.constant 8.000000e+00 : f32
        %parallel_loop3A_719 = vector.broadcast %parallel_loop3A_718 : f32 to vector<16xf32>
        %parallel_loop3A_720 = arith.mulf %parallel_loop3A_711, %parallel_loop3A_719 : vector<16xf32>
        %parallel_loop3A_721 = arith.constant 0 : i32
        %parallel_loop3A_722 = arith.index_cast %parallel_loop3A_376 : i32 to index
        %parallel_loop3A_723 = arith.index_cast %parallel_loop3A_715 : i32 to index
        %parallel_loop3A_724 = arith.index_cast %parallel_loop3A_721 : i32 to index
        %parallel_loop3A_725 = arith.index_cast %parallel_loop3A_717 : i32 to index
        %parallel_loop3A_726 = tpu.vector_load %arg9[%parallel_loop3A_722, %parallel_loop3A_723, %parallel_loop3A_724, %parallel_loop3A_725] {strides = array<i32>} : memref<2x8x1x1024xf32, #tpu.memory_space<vmem>>, vector<16xf32>,
        tpu.vector_store %arg9[%parallel_loop3A_722, %parallel_loop3A_723, %parallel_loop3A_724, %parallel_loop3A_725], %parallel_loop3A_720 {strides = array<i32>} : memref<2x8x1x1024xf32, #tpu.memory_space<vmem>>, vector<16xf32>,
        %parallel_loop3A_727 = tpu.memref_slice %arg11[%parallel_loop3A_374] : memref<17408xf32, #tpu.memory_space<vmem>> -> memref<272xf32, #tpu.memory_space<vmem>>
        %parallel_loop3A_728 = tpu.vector_load_idx %parallel_loop3A_727[%add3A_40] : memref<272xf32, #tpu.memory_space<vmem>>[vector<16xi32>], vector<16xf32>,
        %parallel_loop3A_729 = arith.constant 2 : i32
        %parallel_loop3A_730 = arith.muli %parallel_loop3A_729, %parallel_loop3A_370 : i32
        %parallel_loop3A_731 = arith.constant 1 : i32
        %parallel_loop3A_732 = arith.addi %parallel_loop3A_730, %parallel_loop3A_731 : i32
        %parallel_loop3A_733 = arith.constant 256 : i32
        %parallel_loop3A_734 = arith.addi %parallel_loop3A_733, %parallel_loop3A_380 : i32
        %parallel_loop3A_735 = arith.constant 8.000000e+00 : f32
        %parallel_loop3A_736 = vector.broadcast %parallel_loop3A_735 : f32 to vector<16xf32>
        %parallel_loop3A_737 = arith.mulf %parallel_loop3A_728, %parallel_loop3A_736 : vector<16xf32>
        %parallel_loop3A_738 = arith.constant 0 : i32
        %parallel_loop3A_739 = arith.index_cast %parallel_loop3A_376 : i32 to index
        %parallel_loop3A_740 = arith.index_cast %parallel_loop3A_732 : i32 to index
        %parallel_loop3A_741 = arith.index_cast %parallel_loop3A_738 : i32 to index
        %parallel_loop3A_742 = arith.index_cast %parallel_loop3A_734 : i32 to index
        %parallel_loop3A_743 = tpu.vector_load %arg9[%parallel_loop3A_739, %parallel_loop3A_740, %parallel_loop3A_741, %parallel_loop3A_742] {strides = array<i32>} : memref<2x8x1x1024xf32, #tpu.memory_space<vmem>>, vector<16xf32>,
        tpu.vector_store %arg9[%parallel_loop3A_739, %parallel_loop3A_740, %parallel_loop3A_741, %parallel_loop3A_742], %parallel_loop3A_737 {strides = array<i32>} : memref<2x8x1x1024xf32, #tpu.memory_space<vmem>>, vector<16xf32>,
        %parallel_loop3A_744 = tpu.memref_slice %arg11[%parallel_loop3A_374] : memref<17408xf32, #tpu.memory_space<vmem>> -> memref<272xf32, #tpu.memory_space<vmem>>
        %parallel_loop3A_745 = tpu.vector_load_idx %parallel_loop3A_744[%add3A_43] : memref<272xf32, #tpu.memory_space<vmem>>[vector<16xi32>], vector<16xf32>,
        %parallel_loop3A_746 = arith.constant 2 : i32
        %parallel_loop3A_747 = arith.muli %parallel_loop3A_746, %parallel_loop3A_370 : i32
        %parallel_loop3A_748 = arith.constant 1 : i32
        %parallel_loop3A_749 = arith.addi %parallel_loop3A_747, %parallel_loop3A_748 : i32
        %parallel_loop3A_750 = arith.constant 384 : i32
        %parallel_loop3A_751 = arith.addi %parallel_loop3A_750, %parallel_loop3A_380 : i32
        %parallel_loop3A_752 = arith.constant 8.000000e+00 : f32
        %parallel_loop3A_753 = vector.broadcast %parallel_loop3A_752 : f32 to vector<16xf32>
        %parallel_loop3A_754 = arith.mulf %parallel_loop3A_745, %parallel_loop3A_753 : vector<16xf32>
        %parallel_loop3A_755 = arith.constant 0 : i32
        %parallel_loop3A_756 = arith.index_cast %parallel_loop3A_376 : i32 to index
        %parallel_loop3A_757 = arith.index_cast %parallel_loop3A_749 : i32 to index
        %parallel_loop3A_758 = arith.index_cast %parallel_loop3A_755 : i32 to index
        %parallel_loop3A_759 = arith.index_cast %parallel_loop3A_751 : i32 to index
        %parallel_loop3A_760 = tpu.vector_load %arg9[%parallel_loop3A_756, %parallel_loop3A_757, %parallel_loop3A_758, %parallel_loop3A_759] {strides = array<i32>} : memref<2x8x1x1024xf32, #tpu.memory_space<vmem>>, vector<16xf32>,
        tpu.vector_store %arg9[%parallel_loop3A_756, %parallel_loop3A_757, %parallel_loop3A_758, %parallel_loop3A_759], %parallel_loop3A_754 {strides = array<i32>} : memref<2x8x1x1024xf32, #tpu.memory_space<vmem>>, vector<16xf32>,
        %parallel_loop3A_761 = tpu.memref_slice %arg11[%parallel_loop3A_374] : memref<17408xf32, #tpu.memory_space<vmem>> -> memref<272xf32, #tpu.memory_space<vmem>>
        %parallel_loop3A_762 = tpu.vector_load_idx %parallel_loop3A_761[%add3A_46] : memref<272xf32, #tpu.memory_space<vmem>>[vector<16xi32>], vector<16xf32>,
        %parallel_loop3A_763 = arith.constant 2 : i32
        %parallel_loop3A_764 = arith.muli %parallel_loop3A_763, %parallel_loop3A_370 : i32
        %parallel_loop3A_765 = arith.constant 1 : i32
        %parallel_loop3A_766 = arith.addi %parallel_loop3A_764, %parallel_loop3A_765 : i32
        %parallel_loop3A_767 = arith.constant 512 : i32
        %parallel_loop3A_768 = arith.addi %parallel_loop3A_767, %parallel_loop3A_380 : i32
        %parallel_loop3A_769 = arith.constant 8.000000e+00 : f32
        %parallel_loop3A_770 = vector.broadcast %parallel_loop3A_769 : f32 to vector<16xf32>
        %parallel_loop3A_771 = arith.mulf %parallel_loop3A_762, %parallel_loop3A_770 : vector<16xf32>
        %parallel_loop3A_772 = arith.constant 0 : i32
        %parallel_loop3A_773 = arith.index_cast %parallel_loop3A_376 : i32 to index
        %parallel_loop3A_774 = arith.index_cast %parallel_loop3A_766 : i32 to index
        %parallel_loop3A_775 = arith.index_cast %parallel_loop3A_772 : i32 to index
        %parallel_loop3A_776 = arith.index_cast %parallel_loop3A_768 : i32 to index
        %parallel_loop3A_777 = tpu.vector_load %arg9[%parallel_loop3A_773, %parallel_loop3A_774, %parallel_loop3A_775, %parallel_loop3A_776] {strides = array<i32>} : memref<2x8x1x1024xf32, #tpu.memory_space<vmem>>, vector<16xf32>,
        tpu.vector_store %arg9[%parallel_loop3A_773, %parallel_loop3A_774, %parallel_loop3A_775, %parallel_loop3A_776], %parallel_loop3A_771 {strides = array<i32>} : memref<2x8x1x1024xf32, #tpu.memory_space<vmem>>, vector<16xf32>,
        %parallel_loop3A_778 = tpu.memref_slice %arg11[%parallel_loop3A_374] : memref<17408xf32, #tpu.memory_space<vmem>> -> memref<272xf32, #tpu.memory_space<vmem>>
        %parallel_loop3A_779 = tpu.vector_load_idx %parallel_loop3A_778[%add3A_49] : memref<272xf32, #tpu.memory_space<vmem>>[vector<16xi32>], vector<16xf32>,
        %parallel_loop3A_780 = arith.constant 2 : i32
        %parallel_loop3A_781 = arith.muli %parallel_loop3A_780, %parallel_loop3A_370 : i32
        %parallel_loop3A_782 = arith.constant 1 : i32
        %parallel_loop3A_783 = arith.addi %parallel_loop3A_781, %parallel_loop3A_782 : i32
        %parallel_loop3A_784 = arith.constant 640 : i32
        %parallel_loop3A_785 = arith.addi %parallel_loop3A_784, %parallel_loop3A_380 : i32
        %parallel_loop3A_786 = arith.constant 8.000000e+00 : f32
        %parallel_loop3A_787 = vector.broadcast %parallel_loop3A_786 : f32 to vector<16xf32>
        %parallel_loop3A_788 = arith.mulf %parallel_loop3A_779, %parallel_loop3A_787 : vector<16xf32>
        %parallel_loop3A_789 = arith.constant 0 : i32
        %parallel_loop3A_790 = arith.index_cast %parallel_loop3A_376 : i32 to index
        %parallel_loop3A_791 = arith.index_cast %parallel_loop3A_783 : i32 to index
        %parallel_loop3A_792 = arith.index_cast %parallel_loop3A_789 : i32 to index
        %parallel_loop3A_793 = arith.index_cast %parallel_loop3A_785 : i32 to index
        %parallel_loop3A_794 = tpu.vector_load %arg9[%parallel_loop3A_790, %parallel_loop3A_791, %parallel_loop3A_792, %parallel_loop3A_793] {strides = array<i32>} : memref<2x8x1x1024xf32, #tpu.memory_space<vmem>>, vector<16xf32>,
        tpu.vector_store %arg9[%parallel_loop3A_790, %parallel_loop3A_791, %parallel_loop3A_792, %parallel_loop3A_793], %parallel_loop3A_788 {strides = array<i32>} : memref<2x8x1x1024xf32, #tpu.memory_space<vmem>>, vector<16xf32>,
        %parallel_loop3A_795 = tpu.memref_slice %arg11[%parallel_loop3A_374] : memref<17408xf32, #tpu.memory_space<vmem>> -> memref<272xf32, #tpu.memory_space<vmem>>
        %parallel_loop3A_796 = tpu.vector_load_idx %parallel_loop3A_795[%add3A_52] : memref<272xf32, #tpu.memory_space<vmem>>[vector<16xi32>], vector<16xf32>,
        %parallel_loop3A_797 = arith.constant 2 : i32
        %parallel_loop3A_798 = arith.muli %parallel_loop3A_797, %parallel_loop3A_370 : i32
        %parallel_loop3A_799 = arith.constant 1 : i32
        %parallel_loop3A_800 = arith.addi %parallel_loop3A_798, %parallel_loop3A_799 : i32
        %parallel_loop3A_801 = arith.constant 768 : i32
        %parallel_loop3A_802 = arith.addi %parallel_loop3A_801, %parallel_loop3A_380 : i32
        %parallel_loop3A_803 = arith.constant 8.000000e+00 : f32
        %parallel_loop3A_804 = vector.broadcast %parallel_loop3A_803 : f32 to vector<16xf32>
        %parallel_loop3A_805 = arith.mulf %parallel_loop3A_796, %parallel_loop3A_804 : vector<16xf32>
        %parallel_loop3A_806 = arith.constant 0 : i32
        %parallel_loop3A_807 = arith.index_cast %parallel_loop3A_376 : i32 to index
        %parallel_loop3A_808 = arith.index_cast %parallel_loop3A_800 : i32 to index
        %parallel_loop3A_809 = arith.index_cast %parallel_loop3A_806 : i32 to index
        %parallel_loop3A_810 = arith.index_cast %parallel_loop3A_802 : i32 to index
        %parallel_loop3A_811 = tpu.vector_load %arg9[%parallel_loop3A_807, %parallel_loop3A_808, %parallel_loop3A_809, %parallel_loop3A_810] {strides = array<i32>} : memref<2x8x1x1024xf32, #tpu.memory_space<vmem>>, vector<16xf32>,
        tpu.vector_store %arg9[%parallel_loop3A_807, %parallel_loop3A_808, %parallel_loop3A_809, %parallel_loop3A_810], %parallel_loop3A_805 {strides = array<i32>} : memref<2x8x1x1024xf32, #tpu.memory_space<vmem>>, vector<16xf32>,
        %parallel_loop3A_812 = tpu.memref_slice %arg11[%parallel_loop3A_374] : memref<17408xf32, #tpu.memory_space<vmem>> -> memref<272xf32, #tpu.memory_space<vmem>>
        %parallel_loop3A_813 = tpu.vector_load_idx %parallel_loop3A_812[%add3A_55] : memref<272xf32, #tpu.memory_space<vmem>>[vector<16xi32>], vector<16xf32>,
        %parallel_loop3A_814 = arith.constant 2 : i32
        %parallel_loop3A_815 = arith.muli %parallel_loop3A_814, %parallel_loop3A_370 : i32
        %parallel_loop3A_816 = arith.constant 1 : i32
        %parallel_loop3A_817 = arith.addi %parallel_loop3A_815, %parallel_loop3A_816 : i32
        %parallel_loop3A_818 = arith.constant 896 : i32
        %parallel_loop3A_819 = arith.addi %parallel_loop3A_818, %parallel_loop3A_380 : i32
        %parallel_loop3A_820 = arith.constant 8.000000e+00 : f32
        %parallel_loop3A_821 = vector.broadcast %parallel_loop3A_820 : f32 to vector<16xf32>
        %parallel_loop3A_822 = arith.mulf %parallel_loop3A_813, %parallel_loop3A_821 : vector<16xf32>
        %parallel_loop3A_823 = arith.constant 0 : i32
        %parallel_loop3A_824 = arith.index_cast %parallel_loop3A_376 : i32 to index
        %parallel_loop3A_825 = arith.index_cast %parallel_loop3A_817 : i32 to index
        %parallel_loop3A_826 = arith.index_cast %parallel_loop3A_823 : i32 to index
        %parallel_loop3A_827 = arith.index_cast %parallel_loop3A_819 : i32 to index
        %parallel_loop3A_828 = tpu.vector_load %arg9[%parallel_loop3A_824, %parallel_loop3A_825, %parallel_loop3A_826, %parallel_loop3A_827] {strides = array<i32>} : memref<2x8x1x1024xf32, #tpu.memory_space<vmem>>, vector<16xf32>,
        tpu.vector_store %arg9[%parallel_loop3A_824, %parallel_loop3A_825, %parallel_loop3A_826, %parallel_loop3A_827], %parallel_loop3A_822 {strides = array<i32>} : memref<2x8x1x1024xf32, #tpu.memory_space<vmem>>, vector<16xf32>,
      } {sc.loop_unroll_factor = 16 : i64, sc.parallel_access}
      %jit3A = arith.constant 2 : i32
      %div3A = arith.divsi %add3A_163, %jit3A : i32
      %sign3A = arith.constant 0 : i32
      %sign3A_177 = arith.cmpi sgt, %add3A_163, %sign3A : i32
      %sign3A_178 = arith.extui %sign3A_177 : i1 to i32
      %sign3A_179 = arith.constant 0 : i32
      %sign3A_180 = arith.cmpi slt, %add3A_163, %sign3A_179 : i32
      %sign3A_181 = arith.extui %sign3A_180 : i1 to i32
      %sign3A_182 = arith.subi %sign3A_178, %sign3A_181 : i32
      %sign3A_183 = arith.constant 0 : i32
      %sign3A_184 = arith.cmpi sgt, %jit3A, %sign3A_183 : i32
      %sign3A_185 = arith.extui %sign3A_184 : i1 to i32
      %sign3A_186 = arith.constant 0 : i32
      %sign3A_187 = arith.cmpi slt, %jit3A, %sign3A_186 : i32
      %sign3A_188 = arith.extui %sign3A_187 : i1 to i32
      %sign3A_189 = arith.subi %sign3A_185, %sign3A_188 : i32
      %ne3A = arith.cmpi ne, %sign3A_182, %sign3A_189 : i32
      %rem3A = arith.remsi %add3A_163, %jit3A : i32
      %ne3A_190 = arith.constant 0 : i32
      %ne3A_191 = arith.cmpi ne, %rem3A, %ne3A_190 : i32
      %and3A = arith.andi %ne3A, %ne3A_191 : i1
      %sub3A = arith.constant 1 : i32
      %sub3A_192 = arith.subi %div3A, %sub3A : i32
      %select_n3A = arith.select %and3A, %sub3A_192, %div3A : i32
      %jit3A_193 = arith.constant 2 : i32
      %eq3A = arith.constant 0 : i32
      %eq3A_194 = arith.cmpi eq, %jit3A_193, %eq3A : i32
      %jit3A_195 = arith.constant 1 : i32
      %select_n3A_196 = arith.select %eq3A_194, %jit3A_195, %jit3A_193 : i32
      %rem3A_197 = arith.remsi %add3A_163, %select_n3A_196 : i32
      %ne3A_198 = arith.constant 0 : i32
      %ne3A_199 = arith.cmpi ne, %rem3A_197, %ne3A_198 : i32
      %lt3A_200 = arith.constant 0 : i32
      %lt3A_201 = arith.cmpi slt, %rem3A_197, %lt3A_200 : i32
      %lt3A_202 = arith.constant 0 : i32
      %lt3A_203 = arith.cmpi slt, %select_n3A_196, %lt3A_202 : i32
      %ne3A_204 = arith.xori %lt3A_201, %lt3A_203 : i1
      %and3A_205 = arith.andi %ne3A_204, %ne3A_199 : i1
      %add3A_206 = arith.addi %rem3A_197, %select_n3A_196 : i32
      %select_n3A_207 = arith.select %and3A_205, %add3A_206, %rem3A_197 : i32
      %mul3A_208 = arith.constant 2 : i32
      %mul3A_209 = arith.muli %select_n3A_207, %mul3A_208 : i32
      %add3A_210 = arith.addi %mul3A_4, %mul3A_209 : i32
      %mul3A_211 = arith.constant 8 : i32
      %mul3A_212 = arith.muli %select_n3A, %mul3A_211 : i32
      %add3A_213 = arith.constant 0 : i32
      %add3A_214 = arith.addi %add3A_210, %add3A_213 : i32
      %dma_start3A_215 = arith.constant 0 : i32
      %dma_start3A_216 = arith.constant 0 : i32
      %dma_start3A_217 = arith.constant 0 : i32
      %dma_start3A_218 = arith.constant 0 : i32
      %dma_start3A_219 = tpu.memref_slice %arg9[%dma_start3A_215, %dma_start3A_216, %dma_start3A_217, %dma_start3A_218] : memref<2x8x1x1024xf32, #tpu.memory_space<vmem>> -> memref<1x8x1x1024xf32, #tpu.memory_space<vmem>>
      %dma_start3A_220 = tpu.memref_squeeze %dma_start3A_219 : memref<1x8x1x1024xf32, #tpu.memory_space<vmem>> -> memref<8x1x1024xf32, #tpu.memory_space<vmem>>
      %dma_start3A_221 = arith.constant 0 : i32
      %dma_start3A_222 = tpu.memref_slice %arg4[%mul3A_212, %add3A_214, %dma_start3A_221] : memref<400x128x1024xf32, #tpu.memory_space<hbm>> -> memref<8x1x1024xf32, #tpu.memory_space<hbm>>
      %dma_start3A_223 = arith.constant 0 : i32
      %dma_start3A_224 = tpu.memref_slice %arg4[%mul3A_212, %add3A_214, %dma_start3A_223] : memref<400x128x1024xf32, #tpu.memory_space<hbm>> -> memref<8x1x1024xf32, #tpu.memory_space<hbm>>
      %dma_start3A_225 = arith.constant 0 : i32
      %dma_start3A_226 = arith.constant 0 : i32
      %dma_start3A_227 = arith.constant 0 : i32
      %dma_start3A_228 = tpu.memref_slice %arg9[%dma_start3A_215, %dma_start3A_225, %dma_start3A_226, %dma_start3A_227] : memref<2x8x1x1024xf32, #tpu.memory_space<vmem>> -> memref<1x8x1x1024xf32, #tpu.memory_space<vmem>>
      %dma_start3A_229 = tpu.memref_squeeze %dma_start3A_228 : memref<1x8x1x1024xf32, #tpu.memory_space<vmem>> -> memref<8x1x1024xf32, #tpu.memory_space<vmem>>
      tpu.enqueue_dma source(%dma_start3A_229 : memref<8x1x1024xf32, #tpu.memory_space<vmem>>) target(%dma_start3A_224 : memref<8x1x1024xf32, #tpu.memory_space<hbm>>) target_semaphore(%arg16 : memref<!tpu.dma_semaphore, #tpu.memory_space<semaphore_mem>>)
      %mul3A_230 = arith.constant 8 : i32
      %mul3A_231 = arith.muli %select_n3A, %mul3A_230 : i32
      %add3A_232 = arith.constant 1 : i32
      %add3A_233 = arith.addi %add3A_210, %add3A_232 : i32
      %dma_start3A_234 = arith.constant 1 : i32
      %dma_start3A_235 = arith.constant 0 : i32
      %dma_start3A_236 = arith.constant 0 : i32
      %dma_start3A_237 = arith.constant 0 : i32
      %dma_start3A_238 = tpu.memref_slice %arg9[%dma_start3A_234, %dma_start3A_235, %dma_start3A_236, %dma_start3A_237] : memref<2x8x1x1024xf32, #tpu.memory_space<vmem>> -> memref<1x8x1x1024xf32, #tpu.memory_space<vmem>>
      %dma_start3A_239 = tpu.memref_squeeze %dma_start3A_238 : memref<1x8x1x1024xf32, #tpu.memory_space<vmem>> -> memref<8x1x1024xf32, #tpu.memory_space<vmem>>
      %dma_start3A_240 = arith.constant 0 : i32
      %dma_start3A_241 = tpu.memref_slice %arg4[%mul3A_231, %add3A_233, %dma_start3A_240] : memref<400x128x1024xf32, #tpu.memory_space<hbm>> -> memref<8x1x1024xf32, #tpu.memory_space<hbm>>
      %dma_start3A_242 = arith.constant 0 : i32
      %dma_start3A_243 = tpu.memref_slice %arg4[%mul3A_231, %add3A_233, %dma_start3A_242] : memref<400x128x1024xf32, #tpu.memory_space<hbm>> -> memref<8x1x1024xf32, #tpu.memory_space<hbm>>
      %dma_start3A_244 = arith.constant 0 : i32
      %dma_start3A_245 = arith.constant 0 : i32
      %dma_start3A_246 = arith.constant 0 : i32
      %dma_start3A_247 = tpu.memref_slice %arg9[%dma_start3A_234, %dma_start3A_244, %dma_start3A_245, %dma_start3A_246] : memref<2x8x1x1024xf32, #tpu.memory_space<vmem>> -> memref<1x8x1x1024xf32, #tpu.memory_space<vmem>>
      %dma_start3A_248 = tpu.memref_squeeze %dma_start3A_247 : memref<1x8x1x1024xf32, #tpu.memory_space<vmem>> -> memref<8x1x1024xf32, #tpu.memory_space<vmem>>
      tpu.enqueue_dma source(%dma_start3A_248 : memref<8x1x1024xf32, #tpu.memory_space<vmem>>) target(%dma_start3A_243 : memref<8x1x1024xf32, #tpu.memory_space<hbm>>) target_semaphore(%arg16 : memref<!tpu.dma_semaphore, #tpu.memory_space<semaphore_mem>>)
      %add3A_249 = arith.constant 1 : i32
      %add3A_250 = arith.addi %add3A_163, %add3A_249 : i32
      %lt3A_251 = arith.constant 100 : i32
      %lt3A_252 = arith.cmpi slt, %add3A_250, %lt3A_251 : i32
      %convert_element_type3A_253 = arith.extui %lt3A_252 : i1 to i32
      %cond3A_254 = arith.constant 0 : i32
      %cond3A_255 = arith.cmpi ne, %convert_element_type3A_253, %cond3A_254 : i32
      scf.if %cond3A_255 {
        %dma_wait3A_366 = arith.constant 0 : i32
        %dma_wait3A_367 = arith.constant 0 : i32
        %dma_wait3A_368 = tpu.memref_slice %arg2[%dma_wait3A_366, %dma_wait3A_367] : memref<50x16384xi32, #tpu.memory_space<hbm>> -> memref<1x256xi32, #tpu.memory_space<hbm>>
        %dma_wait3A_369 = tpu.memref_squeeze %dma_wait3A_368 : memref<1x256xi32, #tpu.memory_space<hbm>> -> memref<256xi32, #tpu.memory_space<hbm>>
        %dma_wait3A_370 = arith.constant 0 : i32
        %dma_wait3A_371 = tpu.memref_slice %arg2[%dma_wait3A_366, %dma_wait3A_370] : memref<50x16384xi32, #tpu.memory_space<hbm>> -> memref<1x256xi32, #tpu.memory_space<hbm>>
        %dma_wait3A_372 = tpu.memref_squeeze %dma_wait3A_371 : memref<1x256xi32, #tpu.memory_space<hbm>> -> memref<256xi32, #tpu.memory_space<hbm>>
        tpu.wait_dma2 semaphore(%arg13 : memref<!tpu.dma_semaphore, #tpu.memory_space<semaphore_mem>>) src(%dma_wait3A_372 : memref<256xi32, #tpu.memory_space<hbm>>) dst(%arg6 : memref<256xi32, #tpu.memory_space<vmem>>)
        %dma_start3A_373 = arith.constant 0 : i32
        %dma_start3A_374 = arith.constant 0 : i32
        %dma_start3A_375 = tpu.memref_slice %arg3[%dma_start3A_373, %dma_start3A_374] : memref<1000000x64xf32, #tpu.memory_space<hbm>> -> memref<1000000x64xf32, #tpu.memory_space<hbm>>
        tpu.enqueue_indirect_dma source(%dma_start3A_375 : memref<1000000x64xf32, #tpu.memory_space<hbm>>) target(%arg8 : memref<256x64xf32, #tpu.memory_space<vmem>>) offsets(%arg6 : memref<256xi32, #tpu.memory_space<vmem>>) semaphore(%arg15 : memref<!tpu.dma_semaphore, #tpu.memory_space<semaphore_mem>>)
      } else {
      }
      %mul3A_256 = arith.constant 2 : i32
      %mul3A_257 = arith.muli %scan3A_159, %mul3A_256 : i32
      %add3A_258 = arith.constant 1 : i32
      %add3A_259 = arith.addi %mul3A_257, %add3A_258 : i32
      %dma_wait3A_260 = arith.constant 0 : i32
      %dma_wait3A_261 = arith.constant 0 : i32
      %dma_wait3A_262 = tpu.memref_slice %arg3[%dma_wait3A_260, %dma_wait3A_261] : memref<1000000x64xf32, #tpu.memory_space<hbm>> -> memref<1000000x64xf32, #tpu.memory_space<hbm>>
      tpu.wait_indirect_dma semaphore(%arg15 : memref<!tpu.dma_semaphore, #tpu.memory_space<semaphore_mem>>) src(%dma_wait3A_262 : memref<1000000x64xf32, #tpu.memory_space<hbm>>) dst(%arg8 : memref<256x64xf32, #tpu.memory_space<vmem>>)
      %add3A_263 = arith.constant 2 : i32
      %add3A_264 = arith.addi %add3A_259, %add3A_263 : i32
      %lt3A_265 = arith.constant 100 : i32
      %lt3A_266 = arith.cmpi slt, %add3A_264, %lt3A_265 : i32
      %convert_element_type3A_267 = arith.extui %lt3A_266 : i1 to i32
      %cond3A_268 = arith.constant 0 : i32
      %cond3A_269 = arith.cmpi ne, %convert_element_type3A_267, %cond3A_268 : i32
      scf.if %cond3A_269 {
        %add3A_366 = arith.constant 2 : i32
        %add3A_367 = arith.addi %add3A_259, %add3A_366 : i32
        %jit3A_368 = arith.constant 2 : i32
        %div3A_369 = arith.divsi %add3A_367, %jit3A_368 : i32
        %sign3A_370 = arith.constant 0 : i32
        %sign3A_371 = arith.cmpi sgt, %add3A_367, %sign3A_370 : i32
        %sign3A_372 = arith.extui %sign3A_371 : i1 to i32
        %sign3A_373 = arith.constant 0 : i32
        %sign3A_374 = arith.cmpi slt, %add3A_367, %sign3A_373 : i32
        %sign3A_375 = arith.extui %sign3A_374 : i1 to i32
        %sign3A_376 = arith.subi %sign3A_372, %sign3A_375 : i32
        %sign3A_377 = arith.constant 0 : i32
        %sign3A_378 = arith.cmpi sgt, %jit3A_368, %sign3A_377 : i32
        %sign3A_379 = arith.extui %sign3A_378 : i1 to i32
        %sign3A_380 = arith.constant 0 : i32
        %sign3A_381 = arith.cmpi slt, %jit3A_368, %sign3A_380 : i32
        %sign3A_382 = arith.extui %sign3A_381 : i1 to i32
        %sign3A_383 = arith.subi %sign3A_379, %sign3A_382 : i32
        %ne3A_384 = arith.cmpi ne, %sign3A_376, %sign3A_383 : i32
        %rem3A_385 = arith.remsi %add3A_367, %jit3A_368 : i32
        %ne3A_386 = arith.constant 0 : i32
        %ne3A_387 = arith.cmpi ne, %rem3A_385, %ne3A_386 : i32
        %and3A_388 = arith.andi %ne3A_384, %ne3A_387 : i1
        %sub3A_389 = arith.constant 1 : i32
        %sub3A_390 = arith.subi %div3A_369, %sub3A_389 : i32
        %select_n3A_391 = arith.select %and3A_388, %sub3A_390, %div3A_369 : i32
        %jit3A_392 = arith.constant 2 : i32
        %eq3A_393 = arith.constant 0 : i32
        %eq3A_394 = arith.cmpi eq, %jit3A_392, %eq3A_393 : i32
        %jit3A_395 = arith.constant 1 : i32
        %select_n3A_396 = arith.select %eq3A_394, %jit3A_395, %jit3A_392 : i32
        %rem3A_397 = arith.remsi %add3A_367, %select_n3A_396 : i32
        %ne3A_398 = arith.constant 0 : i32
        %ne3A_399 = arith.cmpi ne, %rem3A_397, %ne3A_398 : i32
        %lt3A_400 = arith.constant 0 : i32
        %lt3A_401 = arith.cmpi slt, %rem3A_397, %lt3A_400 : i32
        %lt3A_402 = arith.constant 0 : i32
        %lt3A_403 = arith.cmpi slt, %select_n3A_396, %lt3A_402 : i32
        %ne3A_404 = arith.xori %lt3A_401, %lt3A_403 : i1
        %and3A_405 = arith.andi %ne3A_404, %ne3A_399 : i1
        %add3A_406 = arith.addi %rem3A_397, %select_n3A_396 : i32
        %select_n3A_407 = arith.select %and3A_405, %add3A_406, %rem3A_397 : i32
        %mul3A_408 = arith.constant 256 : i32
        %mul3A_409 = arith.muli %select_n3A_407, %mul3A_408 : i32
        %add3A_410 = arith.addi %mul3A_2, %mul3A_409 : i32
        %dma_start3A_411 = tpu.memref_slice %arg2[%select_n3A_391, %add3A_410] : memref<50x16384xi32, #tpu.memory_space<hbm>> -> memref<1x256xi32, #tpu.memory_space<hbm>>
        %dma_start3A_412 = tpu.memref_squeeze %dma_start3A_411 : memref<1x256xi32, #tpu.memory_space<hbm>> -> memref<256xi32, #tpu.memory_space<hbm>>
        %dma_start3A_413 = tpu.memref_slice %arg2[%select_n3A_391, %add3A_410] : memref<50x16384xi32, #tpu.memory_space<hbm>> -> memref<1x256xi32, #tpu.memory_space<hbm>>
        %dma_start3A_414 = tpu.memref_squeeze %dma_start3A_413 : memref<1x256xi32, #tpu.memory_space<hbm>> -> memref<256xi32, #tpu.memory_space<hbm>>
        tpu.enqueue_dma source(%dma_start3A_414 : memref<256xi32, #tpu.memory_space<hbm>>) target(%arg6 : memref<256xi32, #tpu.memory_space<vmem>>) target_semaphore(%arg13 : memref<!tpu.dma_semaphore, #tpu.memory_space<semaphore_mem>>)
      } else {
      }
      %ge3A_270 = arith.constant 2 : i32
      %ge3A_271 = arith.cmpi sge, %add3A_259, %ge3A_270 : i32
      %convert_element_type3A_272 = arith.extui %ge3A_271 : i1 to i32
      %cond3A_273 = arith.constant 0 : i32
      %cond3A_274 = arith.cmpi ne, %convert_element_type3A_272, %cond3A_273 : i32
      scf.if %cond3A_274 {
        %dma_wait3A_366 = arith.constant 0 : i32
        %dma_wait3A_367 = arith.constant 0 : i32
        %dma_wait3A_368 = arith.constant 0 : i32
        %dma_wait3A_369 = arith.constant 0 : i32
        %dma_wait3A_370 = tpu.memref_slice %arg10[%dma_wait3A_366, %dma_wait3A_367, %dma_wait3A_368, %dma_wait3A_369] : memref<2x8x1x1024xf32, #tpu.memory_space<vmem>> -> memref<1x8x1x1024xf32, #tpu.memory_space<vmem>>
        %dma_wait3A_371 = tpu.memref_squeeze %dma_wait3A_370 : memref<1x8x1x1024xf32, #tpu.memory_space<vmem>> -> memref<8x1x1024xf32, #tpu.memory_space<vmem>>
        %dma_wait3A_372 = arith.constant 0 : i32
        %dma_wait3A_373 = arith.constant 0 : i32
        %dma_wait3A_374 = arith.constant 0 : i32
        %dma_wait3A_375 = tpu.memref_slice %arg4[%dma_wait3A_372, %dma_wait3A_373, %dma_wait3A_374] : memref<400x128x1024xf32, #tpu.memory_space<hbm>> -> memref<8x1x1024xf32, #tpu.memory_space<hbm>>
        %dma_wait3A_376 = arith.constant 0 : i32
        %dma_wait3A_377 = arith.constant 0 : i32
        %dma_wait3A_378 = arith.constant 0 : i32
        %dma_wait3A_379 = tpu.memref_slice %arg4[%dma_wait3A_376, %dma_wait3A_377, %dma_wait3A_378] : memref<400x128x1024xf32, #tpu.memory_space<hbm>> -> memref<8x1x1024xf32, #tpu.memory_space<hbm>>
        %dma_wait3A_380 = arith.constant 0 : i32
        %dma_wait3A_381 = arith.constant 0 : i32
        %dma_wait3A_382 = arith.constant 0 : i32
        %dma_wait3A_383 = tpu.memref_slice %arg10[%dma_wait3A_366, %dma_wait3A_380, %dma_wait3A_381, %dma_wait3A_382] : memref<2x8x1x1024xf32, #tpu.memory_space<vmem>> -> memref<1x8x1x1024xf32, #tpu.memory_space<vmem>>
        %dma_wait3A_384 = tpu.memref_squeeze %dma_wait3A_383 : memref<1x8x1x1024xf32, #tpu.memory_space<vmem>> -> memref<8x1x1024xf32, #tpu.memory_space<vmem>>
        tpu.wait_dma2 semaphore(%arg17 : memref<!tpu.dma_semaphore, #tpu.memory_space<semaphore_mem>>) src(%dma_wait3A_384 : memref<8x1x1024xf32, #tpu.memory_space<vmem>>) dst(%dma_wait3A_379 : memref<8x1x1024xf32, #tpu.memory_space<hbm>>)
        %dma_wait3A_385 = arith.constant 1 : i32
        %dma_wait3A_386 = arith.constant 0 : i32
        %dma_wait3A_387 = arith.constant 0 : i32
        %dma_wait3A_388 = arith.constant 0 : i32
        %dma_wait3A_389 = tpu.memref_slice %arg10[%dma_wait3A_385, %dma_wait3A_386, %dma_wait3A_387, %dma_wait3A_388] : memref<2x8x1x1024xf32, #tpu.memory_space<vmem>> -> memref<1x8x1x1024xf32, #tpu.memory_space<vmem>>
        %dma_wait3A_390 = tpu.memref_squeeze %dma_wait3A_389 : memref<1x8x1x1024xf32, #tpu.memory_space<vmem>> -> memref<8x1x1024xf32, #tpu.memory_space<vmem>>
        %dma_wait3A_391 = arith.constant 0 : i32
        %dma_wait3A_392 = arith.constant 0 : i32
        %dma_wait3A_393 = arith.constant 0 : i32
        %dma_wait3A_394 = tpu.memref_slice %arg4[%dma_wait3A_391, %dma_wait3A_392, %dma_wait3A_393] : memref<400x128x1024xf32, #tpu.memory_space<hbm>> -> memref<8x1x1024xf32, #tpu.memory_space<hbm>>
        %dma_wait3A_395 = arith.constant 0 : i32
        %dma_wait3A_396 = arith.constant 0 : i32
        %dma_wait3A_397 = arith.constant 0 : i32
        %dma_wait3A_398 = tpu.memref_slice %arg4[%dma_wait3A_395, %dma_wait3A_396, %dma_wait3A_397] : memref<400x128x1024xf32, #tpu.memory_space<hbm>> -> memref<8x1x1024xf32, #tpu.memory_space<hbm>>
        %dma_wait3A_399 = arith.constant 0 : i32
        %dma_wait3A_400 = arith.constant 0 : i32
        %dma_wait3A_401 = arith.constant 0 : i32
        %dma_wait3A_402 = tpu.memref_slice %arg10[%dma_wait3A_385, %dma_wait3A_399, %dma_wait3A_400, %dma_wait3A_401] : memref<2x8x1x1024xf32, #tpu.memory_space<vmem>> -> memref<1x8x1x1024xf32, #tpu.memory_space<vmem>>
        %dma_wait3A_403 = tpu.memref_squeeze %dma_wait3A_402 : memref<1x8x1x1024xf32, #tpu.memory_space<vmem>> -> memref<8x1x1024xf32, #tpu.memory_space<vmem>>
        tpu.wait_dma2 semaphore(%arg17 : memref<!tpu.dma_semaphore, #tpu.memory_space<semaphore_mem>>) src(%dma_wait3A_403 : memref<8x1x1024xf32, #tpu.memory_space<vmem>>) dst(%dma_wait3A_398 : memref<8x1x1024xf32, #tpu.memory_space<hbm>>)
      } else {
      }
      %parallel_loop3A_275 = arith.constant 0 : i32
      %parallel_loop3A_276 = arith.constant 64 : i32
      %parallel_loop3A_277 = arith.constant 1 : i32
      scf.for %parallel_loop3A_366 = %parallel_loop3A_275 to %parallel_loop3A_276 step %parallel_loop3A_277  : i32 {
        %parallel_loop3A_367 = arith.constant 15 : i32
        %parallel_loop3A_368 = arith.andi %parallel_loop3A_366, %parallel_loop3A_367 : i32
        %parallel_loop3A_369 = arith.constant 4 : i32
        %parallel_loop3A_370 = arith.shrui %parallel_loop3A_366, %parallel_loop3A_369 : i32
        %parallel_loop3A_371 = arith.constant 16 : i32
        %parallel_loop3A_372 = arith.muli %parallel_loop3A_370, %parallel_loop3A_371 : i32
        %parallel_loop3A_373 = arith.constant 272 : i32
        %parallel_loop3A_374 = arith.muli %parallel_loop3A_366, %parallel_loop3A_373 : i32
        %parallel_loop3A_375 = arith.constant 3 : i32
        %parallel_loop3A_376 = arith.shrui %parallel_loop3A_368, %parallel_loop3A_375 : i32
        %parallel_loop3A_377 = arith.constant 7 : i32
        %parallel_loop3A_378 = arith.andi %parallel_loop3A_368, %parallel_loop3A_377 : i32
        %parallel_loop3A_379 = arith.constant 16 : i32
        %parallel_loop3A_380 = arith.muli %parallel_loop3A_378, %parallel_loop3A_379 : i32
        %parallel_loop3A_381 = arith.constant 16 : i32
        %parallel_loop3A_382 = arith.muli %parallel_loop3A_368, %parallel_loop3A_381 : i32
        %parallel_loop3A_383 = arith.constant 0 : i32
        %parallel_loop3A_384 = arith.addi %parallel_loop3A_382, %parallel_loop3A_383 : i32
        %parallel_loop3A_385 = arith.index_cast %parallel_loop3A_384 : i32 to index
        %parallel_loop3A_386 = arith.index_cast %parallel_loop3A_372 : i32 to index
        %parallel_loop3A_387 = tpu.vector_load %arg8[%parallel_loop3A_385, %parallel_loop3A_386] {strides = array<i32>} : memref<256x64xf32, #tpu.memory_space<vmem>>, vector<16xf32>,
        %parallel_loop3A_388 = arith.constant 0 : i32
        %parallel_loop3A_389 = arith.addi %parallel_loop3A_374, %parallel_loop3A_388 : i32
        %parallel_loop3A_390 = arith.index_cast %parallel_loop3A_389 : i32 to index
        %parallel_loop3A_391 = tpu.vector_load %arg11[%parallel_loop3A_390] {strides = array<i32>} : memref<17408xf32, #tpu.memory_space<vmem>>, vector<16xf32>,
        tpu.vector_store %arg11[%parallel_loop3A_390], %parallel_loop3A_387 {strides = array<i32>} : memref<17408xf32, #tpu.memory_space<vmem>>, vector<16xf32>,
        %parallel_loop3A_392 = arith.constant 16 : i32
        %parallel_loop3A_393 = arith.muli %parallel_loop3A_368, %parallel_loop3A_392 : i32
        %parallel_loop3A_394 = arith.constant 1 : i32
        %parallel_loop3A_395 = arith.addi %parallel_loop3A_393, %parallel_loop3A_394 : i32
        %parallel_loop3A_396 = arith.index_cast %parallel_loop3A_395 : i32 to index
        %parallel_loop3A_397 = arith.index_cast %parallel_loop3A_372 : i32 to index
        %parallel_loop3A_398 = tpu.vector_load %arg8[%parallel_loop3A_396, %parallel_loop3A_397] {strides = array<i32>} : memref<256x64xf32, #tpu.memory_space<vmem>>, vector<16xf32>,
        %parallel_loop3A_399 = arith.constant 17 : i32
        %parallel_loop3A_400 = arith.addi %parallel_loop3A_374, %parallel_loop3A_399 : i32
        %parallel_loop3A_401 = arith.index_cast %parallel_loop3A_400 : i32 to index
        %parallel_loop3A_402 = tpu.vector_load %arg11[%parallel_loop3A_401] {strides = array<i32>} : memref<17408xf32, #tpu.memory_space<vmem>>, vector<16xf32>,
        tpu.vector_store %arg11[%parallel_loop3A_401], %parallel_loop3A_398 {strides = array<i32>} : memref<17408xf32, #tpu.memory_space<vmem>>, vector<16xf32>,
        %parallel_loop3A_403 = arith.constant 16 : i32
        %parallel_loop3A_404 = arith.muli %parallel_loop3A_368, %parallel_loop3A_403 : i32
        %parallel_loop3A_405 = arith.constant 2 : i32
        %parallel_loop3A_406 = arith.addi %parallel_loop3A_404, %parallel_loop3A_405 : i32
        %parallel_loop3A_407 = arith.index_cast %parallel_loop3A_406 : i32 to index
        %parallel_loop3A_408 = arith.index_cast %parallel_loop3A_372 : i32 to index
        %parallel_loop3A_409 = tpu.vector_load %arg8[%parallel_loop3A_407, %parallel_loop3A_408] {strides = array<i32>} : memref<256x64xf32, #tpu.memory_space<vmem>>, vector<16xf32>,
        %parallel_loop3A_410 = arith.constant 34 : i32
        %parallel_loop3A_411 = arith.addi %parallel_loop3A_374, %parallel_loop3A_410 : i32
        %parallel_loop3A_412 = arith.index_cast %parallel_loop3A_411 : i32 to index
        %parallel_loop3A_413 = tpu.vector_load %arg11[%parallel_loop3A_412] {strides = array<i32>} : memref<17408xf32, #tpu.memory_space<vmem>>, vector<16xf32>,
        tpu.vector_store %arg11[%parallel_loop3A_412], %parallel_loop3A_409 {strides = array<i32>} : memref<17408xf32, #tpu.memory_space<vmem>>, vector<16xf32>,
        %parallel_loop3A_414 = arith.constant 16 : i32
        %parallel_loop3A_415 = arith.muli %parallel_loop3A_368, %parallel_loop3A_414 : i32
        %parallel_loop3A_416 = arith.constant 3 : i32
        %parallel_loop3A_417 = arith.addi %parallel_loop3A_415, %parallel_loop3A_416 : i32
        %parallel_loop3A_418 = arith.index_cast %parallel_loop3A_417 : i32 to index
        %parallel_loop3A_419 = arith.index_cast %parallel_loop3A_372 : i32 to index
        %parallel_loop3A_420 = tpu.vector_load %arg8[%parallel_loop3A_418, %parallel_loop3A_419] {strides = array<i32>} : memref<256x64xf32, #tpu.memory_space<vmem>>, vector<16xf32>,
        %parallel_loop3A_421 = arith.constant 51 : i32
        %parallel_loop3A_422 = arith.addi %parallel_loop3A_374, %parallel_loop3A_421 : i32
        %parallel_loop3A_423 = arith.index_cast %parallel_loop3A_422 : i32 to index
        %parallel_loop3A_424 = tpu.vector_load %arg11[%parallel_loop3A_423] {strides = array<i32>} : memref<17408xf32, #tpu.memory_space<vmem>>, vector<16xf32>,
        tpu.vector_store %arg11[%parallel_loop3A_423], %parallel_loop3A_420 {strides = array<i32>} : memref<17408xf32, #tpu.memory_space<vmem>>, vector<16xf32>,
        %parallel_loop3A_425 = arith.constant 16 : i32
        %parallel_loop3A_426 = arith.muli %parallel_loop3A_368, %parallel_loop3A_425 : i32
        %parallel_loop3A_427 = arith.constant 4 : i32
        %parallel_loop3A_428 = arith.addi %parallel_loop3A_426, %parallel_loop3A_427 : i32
        %parallel_loop3A_429 = arith.index_cast %parallel_loop3A_428 : i32 to index
        %parallel_loop3A_430 = arith.index_cast %parallel_loop3A_372 : i32 to index
        %parallel_loop3A_431 = tpu.vector_load %arg8[%parallel_loop3A_429, %parallel_loop3A_430] {strides = array<i32>} : memref<256x64xf32, #tpu.memory_space<vmem>>, vector<16xf32>,
        %parallel_loop3A_432 = arith.constant 68 : i32
        %parallel_loop3A_433 = arith.addi %parallel_loop3A_374, %parallel_loop3A_432 : i32
        %parallel_loop3A_434 = arith.index_cast %parallel_loop3A_433 : i32 to index
        %parallel_loop3A_435 = tpu.vector_load %arg11[%parallel_loop3A_434] {strides = array<i32>} : memref<17408xf32, #tpu.memory_space<vmem>>, vector<16xf32>,
        tpu.vector_store %arg11[%parallel_loop3A_434], %parallel_loop3A_431 {strides = array<i32>} : memref<17408xf32, #tpu.memory_space<vmem>>, vector<16xf32>,
        %parallel_loop3A_436 = arith.constant 16 : i32
        %parallel_loop3A_437 = arith.muli %parallel_loop3A_368, %parallel_loop3A_436 : i32
        %parallel_loop3A_438 = arith.constant 5 : i32
        %parallel_loop3A_439 = arith.addi %parallel_loop3A_437, %parallel_loop3A_438 : i32
        %parallel_loop3A_440 = arith.index_cast %parallel_loop3A_439 : i32 to index
        %parallel_loop3A_441 = arith.index_cast %parallel_loop3A_372 : i32 to index
        %parallel_loop3A_442 = tpu.vector_load %arg8[%parallel_loop3A_440, %parallel_loop3A_441] {strides = array<i32>} : memref<256x64xf32, #tpu.memory_space<vmem>>, vector<16xf32>,
        %parallel_loop3A_443 = arith.constant 85 : i32
        %parallel_loop3A_444 = arith.addi %parallel_loop3A_374, %parallel_loop3A_443 : i32
        %parallel_loop3A_445 = arith.index_cast %parallel_loop3A_444 : i32 to index
        %parallel_loop3A_446 = tpu.vector_load %arg11[%parallel_loop3A_445] {strides = array<i32>} : memref<17408xf32, #tpu.memory_space<vmem>>, vector<16xf32>,
        tpu.vector_store %arg11[%parallel_loop3A_445], %parallel_loop3A_442 {strides = array<i32>} : memref<17408xf32, #tpu.memory_space<vmem>>, vector<16xf32>,
        %parallel_loop3A_447 = arith.constant 16 : i32
        %parallel_loop3A_448 = arith.muli %parallel_loop3A_368, %parallel_loop3A_447 : i32
        %parallel_loop3A_449 = arith.constant 6 : i32
        %parallel_loop3A_450 = arith.addi %parallel_loop3A_448, %parallel_loop3A_449 : i32
        %parallel_loop3A_451 = arith.index_cast %parallel_loop3A_450 : i32 to index
        %parallel_loop3A_452 = arith.index_cast %parallel_loop3A_372 : i32 to index
        %parallel_loop3A_453 = tpu.vector_load %arg8[%parallel_loop3A_451, %parallel_loop3A_452] {strides = array<i32>} : memref<256x64xf32, #tpu.memory_space<vmem>>, vector<16xf32>,
        %parallel_loop3A_454 = arith.constant 102 : i32
        %parallel_loop3A_455 = arith.addi %parallel_loop3A_374, %parallel_loop3A_454 : i32
        %parallel_loop3A_456 = arith.index_cast %parallel_loop3A_455 : i32 to index
        %parallel_loop3A_457 = tpu.vector_load %arg11[%parallel_loop3A_456] {strides = array<i32>} : memref<17408xf32, #tpu.memory_space<vmem>>, vector<16xf32>,
        tpu.vector_store %arg11[%parallel_loop3A_456], %parallel_loop3A_453 {strides = array<i32>} : memref<17408xf32, #tpu.memory_space<vmem>>, vector<16xf32>,
        %parallel_loop3A_458 = arith.constant 16 : i32
        %parallel_loop3A_459 = arith.muli %parallel_loop3A_368, %parallel_loop3A_458 : i32
        %parallel_loop3A_460 = arith.constant 7 : i32
        %parallel_loop3A_461 = arith.addi %parallel_loop3A_459, %parallel_loop3A_460 : i32
        %parallel_loop3A_462 = arith.index_cast %parallel_loop3A_461 : i32 to index
        %parallel_loop3A_463 = arith.index_cast %parallel_loop3A_372 : i32 to index
        %parallel_loop3A_464 = tpu.vector_load %arg8[%parallel_loop3A_462, %parallel_loop3A_463] {strides = array<i32>} : memref<256x64xf32, #tpu.memory_space<vmem>>, vector<16xf32>,
        %parallel_loop3A_465 = arith.constant 119 : i32
        %parallel_loop3A_466 = arith.addi %parallel_loop3A_374, %parallel_loop3A_465 : i32
        %parallel_loop3A_467 = arith.index_cast %parallel_loop3A_466 : i32 to index
        %parallel_loop3A_468 = tpu.vector_load %arg11[%parallel_loop3A_467] {strides = array<i32>} : memref<17408xf32, #tpu.memory_space<vmem>>, vector<16xf32>,
        tpu.vector_store %arg11[%parallel_loop3A_467], %parallel_loop3A_464 {strides = array<i32>} : memref<17408xf32, #tpu.memory_space<vmem>>, vector<16xf32>,
        %parallel_loop3A_469 = arith.constant 16 : i32
        %parallel_loop3A_470 = arith.muli %parallel_loop3A_368, %parallel_loop3A_469 : i32
        %parallel_loop3A_471 = arith.constant 8 : i32
        %parallel_loop3A_472 = arith.addi %parallel_loop3A_470, %parallel_loop3A_471 : i32
        %parallel_loop3A_473 = arith.index_cast %parallel_loop3A_472 : i32 to index
        %parallel_loop3A_474 = arith.index_cast %parallel_loop3A_372 : i32 to index
        %parallel_loop3A_475 = tpu.vector_load %arg8[%parallel_loop3A_473, %parallel_loop3A_474] {strides = array<i32>} : memref<256x64xf32, #tpu.memory_space<vmem>>, vector<16xf32>,
        %parallel_loop3A_476 = arith.constant 136 : i32
        %parallel_loop3A_477 = arith.addi %parallel_loop3A_374, %parallel_loop3A_476 : i32
        %parallel_loop3A_478 = arith.index_cast %parallel_loop3A_477 : i32 to index
        %parallel_loop3A_479 = tpu.vector_load %arg11[%parallel_loop3A_478] {strides = array<i32>} : memref<17408xf32, #tpu.memory_space<vmem>>, vector<16xf32>,
        tpu.vector_store %arg11[%parallel_loop3A_478], %parallel_loop3A_475 {strides = array<i32>} : memref<17408xf32, #tpu.memory_space<vmem>>, vector<16xf32>,
        %parallel_loop3A_480 = arith.constant 16 : i32
        %parallel_loop3A_481 = arith.muli %parallel_loop3A_368, %parallel_loop3A_480 : i32
        %parallel_loop3A_482 = arith.constant 9 : i32
        %parallel_loop3A_483 = arith.addi %parallel_loop3A_481, %parallel_loop3A_482 : i32
        %parallel_loop3A_484 = arith.index_cast %parallel_loop3A_483 : i32 to index
        %parallel_loop3A_485 = arith.index_cast %parallel_loop3A_372 : i32 to index
        %parallel_loop3A_486 = tpu.vector_load %arg8[%parallel_loop3A_484, %parallel_loop3A_485] {strides = array<i32>} : memref<256x64xf32, #tpu.memory_space<vmem>>, vector<16xf32>,
        %parallel_loop3A_487 = arith.constant 153 : i32
        %parallel_loop3A_488 = arith.addi %parallel_loop3A_374, %parallel_loop3A_487 : i32
        %parallel_loop3A_489 = arith.index_cast %parallel_loop3A_488 : i32 to index
        %parallel_loop3A_490 = tpu.vector_load %arg11[%parallel_loop3A_489] {strides = array<i32>} : memref<17408xf32, #tpu.memory_space<vmem>>, vector<16xf32>,
        tpu.vector_store %arg11[%parallel_loop3A_489], %parallel_loop3A_486 {strides = array<i32>} : memref<17408xf32, #tpu.memory_space<vmem>>, vector<16xf32>,
        %parallel_loop3A_491 = arith.constant 16 : i32
        %parallel_loop3A_492 = arith.muli %parallel_loop3A_368, %parallel_loop3A_491 : i32
        %parallel_loop3A_493 = arith.constant 10 : i32
        %parallel_loop3A_494 = arith.addi %parallel_loop3A_492, %parallel_loop3A_493 : i32
        %parallel_loop3A_495 = arith.index_cast %parallel_loop3A_494 : i32 to index
        %parallel_loop3A_496 = arith.index_cast %parallel_loop3A_372 : i32 to index
        %parallel_loop3A_497 = tpu.vector_load %arg8[%parallel_loop3A_495, %parallel_loop3A_496] {strides = array<i32>} : memref<256x64xf32, #tpu.memory_space<vmem>>, vector<16xf32>,
        %parallel_loop3A_498 = arith.constant 170 : i32
        %parallel_loop3A_499 = arith.addi %parallel_loop3A_374, %parallel_loop3A_498 : i32
        %parallel_loop3A_500 = arith.index_cast %parallel_loop3A_499 : i32 to index
        %parallel_loop3A_501 = tpu.vector_load %arg11[%parallel_loop3A_500] {strides = array<i32>} : memref<17408xf32, #tpu.memory_space<vmem>>, vector<16xf32>,
        tpu.vector_store %arg11[%parallel_loop3A_500], %parallel_loop3A_497 {strides = array<i32>} : memref<17408xf32, #tpu.memory_space<vmem>>, vector<16xf32>,
        %parallel_loop3A_502 = arith.constant 16 : i32
        %parallel_loop3A_503 = arith.muli %parallel_loop3A_368, %parallel_loop3A_502 : i32
        %parallel_loop3A_504 = arith.constant 11 : i32
        %parallel_loop3A_505 = arith.addi %parallel_loop3A_503, %parallel_loop3A_504 : i32
        %parallel_loop3A_506 = arith.index_cast %parallel_loop3A_505 : i32 to index
        %parallel_loop3A_507 = arith.index_cast %parallel_loop3A_372 : i32 to index
        %parallel_loop3A_508 = tpu.vector_load %arg8[%parallel_loop3A_506, %parallel_loop3A_507] {strides = array<i32>} : memref<256x64xf32, #tpu.memory_space<vmem>>, vector<16xf32>,
        %parallel_loop3A_509 = arith.constant 187 : i32
        %parallel_loop3A_510 = arith.addi %parallel_loop3A_374, %parallel_loop3A_509 : i32
        %parallel_loop3A_511 = arith.index_cast %parallel_loop3A_510 : i32 to index
        %parallel_loop3A_512 = tpu.vector_load %arg11[%parallel_loop3A_511] {strides = array<i32>} : memref<17408xf32, #tpu.memory_space<vmem>>, vector<16xf32>,
        tpu.vector_store %arg11[%parallel_loop3A_511], %parallel_loop3A_508 {strides = array<i32>} : memref<17408xf32, #tpu.memory_space<vmem>>, vector<16xf32>,
        %parallel_loop3A_513 = arith.constant 16 : i32
        %parallel_loop3A_514 = arith.muli %parallel_loop3A_368, %parallel_loop3A_513 : i32
        %parallel_loop3A_515 = arith.constant 12 : i32
        %parallel_loop3A_516 = arith.addi %parallel_loop3A_514, %parallel_loop3A_515 : i32
        %parallel_loop3A_517 = arith.index_cast %parallel_loop3A_516 : i32 to index
        %parallel_loop3A_518 = arith.index_cast %parallel_loop3A_372 : i32 to index
        %parallel_loop3A_519 = tpu.vector_load %arg8[%parallel_loop3A_517, %parallel_loop3A_518] {strides = array<i32>} : memref<256x64xf32, #tpu.memory_space<vmem>>, vector<16xf32>,
        %parallel_loop3A_520 = arith.constant 204 : i32
        %parallel_loop3A_521 = arith.addi %parallel_loop3A_374, %parallel_loop3A_520 : i32
        %parallel_loop3A_522 = arith.index_cast %parallel_loop3A_521 : i32 to index
        %parallel_loop3A_523 = tpu.vector_load %arg11[%parallel_loop3A_522] {strides = array<i32>} : memref<17408xf32, #tpu.memory_space<vmem>>, vector<16xf32>,
        tpu.vector_store %arg11[%parallel_loop3A_522], %parallel_loop3A_519 {strides = array<i32>} : memref<17408xf32, #tpu.memory_space<vmem>>, vector<16xf32>,
        %parallel_loop3A_524 = arith.constant 16 : i32
        %parallel_loop3A_525 = arith.muli %parallel_loop3A_368, %parallel_loop3A_524 : i32
        %parallel_loop3A_526 = arith.constant 13 : i32
        %parallel_loop3A_527 = arith.addi %parallel_loop3A_525, %parallel_loop3A_526 : i32
        %parallel_loop3A_528 = arith.index_cast %parallel_loop3A_527 : i32 to index
        %parallel_loop3A_529 = arith.index_cast %parallel_loop3A_372 : i32 to index
        %parallel_loop3A_530 = tpu.vector_load %arg8[%parallel_loop3A_528, %parallel_loop3A_529] {strides = array<i32>} : memref<256x64xf32, #tpu.memory_space<vmem>>, vector<16xf32>,
        %parallel_loop3A_531 = arith.constant 221 : i32
        %parallel_loop3A_532 = arith.addi %parallel_loop3A_374, %parallel_loop3A_531 : i32
        %parallel_loop3A_533 = arith.index_cast %parallel_loop3A_532 : i32 to index
        %parallel_loop3A_534 = tpu.vector_load %arg11[%parallel_loop3A_533] {strides = array<i32>} : memref<17408xf32, #tpu.memory_space<vmem>>, vector<16xf32>,
        tpu.vector_store %arg11[%parallel_loop3A_533], %parallel_loop3A_530 {strides = array<i32>} : memref<17408xf32, #tpu.memory_space<vmem>>, vector<16xf32>,
        %parallel_loop3A_535 = arith.constant 16 : i32
        %parallel_loop3A_536 = arith.muli %parallel_loop3A_368, %parallel_loop3A_535 : i32
        %parallel_loop3A_537 = arith.constant 14 : i32
        %parallel_loop3A_538 = arith.addi %parallel_loop3A_536, %parallel_loop3A_537 : i32
        %parallel_loop3A_539 = arith.index_cast %parallel_loop3A_538 : i32 to index
        %parallel_loop3A_540 = arith.index_cast %parallel_loop3A_372 : i32 to index
        %parallel_loop3A_541 = tpu.vector_load %arg8[%parallel_loop3A_539, %parallel_loop3A_540] {strides = array<i32>} : memref<256x64xf32, #tpu.memory_space<vmem>>, vector<16xf32>,
        %parallel_loop3A_542 = arith.constant 238 : i32
        %parallel_loop3A_543 = arith.addi %parallel_loop3A_374, %parallel_loop3A_542 : i32
        %parallel_loop3A_544 = arith.index_cast %parallel_loop3A_543 : i32 to index
        %parallel_loop3A_545 = tpu.vector_load %arg11[%parallel_loop3A_544] {strides = array<i32>} : memref<17408xf32, #tpu.memory_space<vmem>>, vector<16xf32>,
        tpu.vector_store %arg11[%parallel_loop3A_544], %parallel_loop3A_541 {strides = array<i32>} : memref<17408xf32, #tpu.memory_space<vmem>>, vector<16xf32>,
        %parallel_loop3A_546 = arith.constant 16 : i32
        %parallel_loop3A_547 = arith.muli %parallel_loop3A_368, %parallel_loop3A_546 : i32
        %parallel_loop3A_548 = arith.constant 15 : i32
        %parallel_loop3A_549 = arith.addi %parallel_loop3A_547, %parallel_loop3A_548 : i32
        %parallel_loop3A_550 = arith.index_cast %parallel_loop3A_549 : i32 to index
        %parallel_loop3A_551 = arith.index_cast %parallel_loop3A_372 : i32 to index
        %parallel_loop3A_552 = tpu.vector_load %arg8[%parallel_loop3A_550, %parallel_loop3A_551] {strides = array<i32>} : memref<256x64xf32, #tpu.memory_space<vmem>>, vector<16xf32>,
        %parallel_loop3A_553 = arith.constant 255 : i32
        %parallel_loop3A_554 = arith.addi %parallel_loop3A_374, %parallel_loop3A_553 : i32
        %parallel_loop3A_555 = arith.index_cast %parallel_loop3A_554 : i32 to index
        %parallel_loop3A_556 = tpu.vector_load %arg11[%parallel_loop3A_555] {strides = array<i32>} : memref<17408xf32, #tpu.memory_space<vmem>>, vector<16xf32>,
        tpu.vector_store %arg11[%parallel_loop3A_555], %parallel_loop3A_552 {strides = array<i32>} : memref<17408xf32, #tpu.memory_space<vmem>>, vector<16xf32>,
        %parallel_loop3A_557 = tpu.memref_slice %arg11[%parallel_loop3A_374] : memref<17408xf32, #tpu.memory_space<vmem>> -> memref<272xf32, #tpu.memory_space<vmem>>
        %parallel_loop3A_558 = tpu.vector_load_idx %parallel_loop3A_557[%add3A_10] : memref<272xf32, #tpu.memory_space<vmem>>[vector<16xi32>], vector<16xf32>,
        %parallel_loop3A_559 = arith.constant 2 : i32
        %parallel_loop3A_560 = arith.muli %parallel_loop3A_559, %parallel_loop3A_370 : i32
        %parallel_loop3A_561 = arith.constant 0 : i32
        %parallel_loop3A_562 = arith.addi %parallel_loop3A_560, %parallel_loop3A_561 : i32
        %parallel_loop3A_563 = arith.constant 0 : i32
        %parallel_loop3A_564 = arith.addi %parallel_loop3A_563, %parallel_loop3A_380 : i32
        %parallel_loop3A_565 = arith.constant 8.000000e+00 : f32
        %parallel_loop3A_566 = vector.broadcast %parallel_loop3A_565 : f32 to vector<16xf32>
        %parallel_loop3A_567 = arith.mulf %parallel_loop3A_558, %parallel_loop3A_566 : vector<16xf32>
        %parallel_loop3A_568 = arith.constant 0 : i32
        %parallel_loop3A_569 = arith.index_cast %parallel_loop3A_376 : i32 to index
        %parallel_loop3A_570 = arith.index_cast %parallel_loop3A_562 : i32 to index
        %parallel_loop3A_571 = arith.index_cast %parallel_loop3A_568 : i32 to index
        %parallel_loop3A_572 = arith.index_cast %parallel_loop3A_564 : i32 to index
        %parallel_loop3A_573 = tpu.vector_load %arg10[%parallel_loop3A_569, %parallel_loop3A_570, %parallel_loop3A_571, %parallel_loop3A_572] {strides = array<i32>} : memref<2x8x1x1024xf32, #tpu.memory_space<vmem>>, vector<16xf32>,
        tpu.vector_store %arg10[%parallel_loop3A_569, %parallel_loop3A_570, %parallel_loop3A_571, %parallel_loop3A_572], %parallel_loop3A_567 {strides = array<i32>} : memref<2x8x1x1024xf32, #tpu.memory_space<vmem>>, vector<16xf32>,
        %parallel_loop3A_574 = tpu.memref_slice %arg11[%parallel_loop3A_374] : memref<17408xf32, #tpu.memory_space<vmem>> -> memref<272xf32, #tpu.memory_space<vmem>>
        %parallel_loop3A_575 = tpu.vector_load_idx %parallel_loop3A_574[%add3A_13] : memref<272xf32, #tpu.memory_space<vmem>>[vector<16xi32>], vector<16xf32>,
        %parallel_loop3A_576 = arith.constant 2 : i32
        %parallel_loop3A_577 = arith.muli %parallel_loop3A_576, %parallel_loop3A_370 : i32
        %parallel_loop3A_578 = arith.constant 0 : i32
        %parallel_loop3A_579 = arith.addi %parallel_loop3A_577, %parallel_loop3A_578 : i32
        %parallel_loop3A_580 = arith.constant 128 : i32
        %parallel_loop3A_581 = arith.addi %parallel_loop3A_580, %parallel_loop3A_380 : i32
        %parallel_loop3A_582 = arith.constant 8.000000e+00 : f32
        %parallel_loop3A_583 = vector.broadcast %parallel_loop3A_582 : f32 to vector<16xf32>
        %parallel_loop3A_584 = arith.mulf %parallel_loop3A_575, %parallel_loop3A_583 : vector<16xf32>
        %parallel_loop3A_585 = arith.constant 0 : i32
        %parallel_loop3A_586 = arith.index_cast %parallel_loop3A_376 : i32 to index
        %parallel_loop3A_587 = arith.index_cast %parallel_loop3A_579 : i32 to index
        %parallel_loop3A_588 = arith.index_cast %parallel_loop3A_585 : i32 to index
        %parallel_loop3A_589 = arith.index_cast %parallel_loop3A_581 : i32 to index
        %parallel_loop3A_590 = tpu.vector_load %arg10[%parallel_loop3A_586, %parallel_loop3A_587, %parallel_loop3A_588, %parallel_loop3A_589] {strides = array<i32>} : memref<2x8x1x1024xf32, #tpu.memory_space<vmem>>, vector<16xf32>,
        tpu.vector_store %arg10[%parallel_loop3A_586, %parallel_loop3A_587, %parallel_loop3A_588, %parallel_loop3A_589], %parallel_loop3A_584 {strides = array<i32>} : memref<2x8x1x1024xf32, #tpu.memory_space<vmem>>, vector<16xf32>,
        %parallel_loop3A_591 = tpu.memref_slice %arg11[%parallel_loop3A_374] : memref<17408xf32, #tpu.memory_space<vmem>> -> memref<272xf32, #tpu.memory_space<vmem>>
        %parallel_loop3A_592 = tpu.vector_load_idx %parallel_loop3A_591[%add3A_16] : memref<272xf32, #tpu.memory_space<vmem>>[vector<16xi32>], vector<16xf32>,
        %parallel_loop3A_593 = arith.constant 2 : i32
        %parallel_loop3A_594 = arith.muli %parallel_loop3A_593, %parallel_loop3A_370 : i32
        %parallel_loop3A_595 = arith.constant 0 : i32
        %parallel_loop3A_596 = arith.addi %parallel_loop3A_594, %parallel_loop3A_595 : i32
        %parallel_loop3A_597 = arith.constant 256 : i32
        %parallel_loop3A_598 = arith.addi %parallel_loop3A_597, %parallel_loop3A_380 : i32
        %parallel_loop3A_599 = arith.constant 8.000000e+00 : f32
        %parallel_loop3A_600 = vector.broadcast %parallel_loop3A_599 : f32 to vector<16xf32>
        %parallel_loop3A_601 = arith.mulf %parallel_loop3A_592, %parallel_loop3A_600 : vector<16xf32>
        %parallel_loop3A_602 = arith.constant 0 : i32
        %parallel_loop3A_603 = arith.index_cast %parallel_loop3A_376 : i32 to index
        %parallel_loop3A_604 = arith.index_cast %parallel_loop3A_596 : i32 to index
        %parallel_loop3A_605 = arith.index_cast %parallel_loop3A_602 : i32 to index
        %parallel_loop3A_606 = arith.index_cast %parallel_loop3A_598 : i32 to index
        %parallel_loop3A_607 = tpu.vector_load %arg10[%parallel_loop3A_603, %parallel_loop3A_604, %parallel_loop3A_605, %parallel_loop3A_606] {strides = array<i32>} : memref<2x8x1x1024xf32, #tpu.memory_space<vmem>>, vector<16xf32>,
        tpu.vector_store %arg10[%parallel_loop3A_603, %parallel_loop3A_604, %parallel_loop3A_605, %parallel_loop3A_606], %parallel_loop3A_601 {strides = array<i32>} : memref<2x8x1x1024xf32, #tpu.memory_space<vmem>>, vector<16xf32>,
        %parallel_loop3A_608 = tpu.memref_slice %arg11[%parallel_loop3A_374] : memref<17408xf32, #tpu.memory_space<vmem>> -> memref<272xf32, #tpu.memory_space<vmem>>
        %parallel_loop3A_609 = tpu.vector_load_idx %parallel_loop3A_608[%add3A_19] : memref<272xf32, #tpu.memory_space<vmem>>[vector<16xi32>], vector<16xf32>,
        %parallel_loop3A_610 = arith.constant 2 : i32
        %parallel_loop3A_611 = arith.muli %parallel_loop3A_610, %parallel_loop3A_370 : i32
        %parallel_loop3A_612 = arith.constant 0 : i32
        %parallel_loop3A_613 = arith.addi %parallel_loop3A_611, %parallel_loop3A_612 : i32
        %parallel_loop3A_614 = arith.constant 384 : i32
        %parallel_loop3A_615 = arith.addi %parallel_loop3A_614, %parallel_loop3A_380 : i32
        %parallel_loop3A_616 = arith.constant 8.000000e+00 : f32
        %parallel_loop3A_617 = vector.broadcast %parallel_loop3A_616 : f32 to vector<16xf32>
        %parallel_loop3A_618 = arith.mulf %parallel_loop3A_609, %parallel_loop3A_617 : vector<16xf32>
        %parallel_loop3A_619 = arith.constant 0 : i32
        %parallel_loop3A_620 = arith.index_cast %parallel_loop3A_376 : i32 to index
        %parallel_loop3A_621 = arith.index_cast %parallel_loop3A_613 : i32 to index
        %parallel_loop3A_622 = arith.index_cast %parallel_loop3A_619 : i32 to index
        %parallel_loop3A_623 = arith.index_cast %parallel_loop3A_615 : i32 to index
        %parallel_loop3A_624 = tpu.vector_load %arg10[%parallel_loop3A_620, %parallel_loop3A_621, %parallel_loop3A_622, %parallel_loop3A_623] {strides = array<i32>} : memref<2x8x1x1024xf32, #tpu.memory_space<vmem>>, vector<16xf32>,
        tpu.vector_store %arg10[%parallel_loop3A_620, %parallel_loop3A_621, %parallel_loop3A_622, %parallel_loop3A_623], %parallel_loop3A_618 {strides = array<i32>} : memref<2x8x1x1024xf32, #tpu.memory_space<vmem>>, vector<16xf32>,
        %parallel_loop3A_625 = tpu.memref_slice %arg11[%parallel_loop3A_374] : memref<17408xf32, #tpu.memory_space<vmem>> -> memref<272xf32, #tpu.memory_space<vmem>>
        %parallel_loop3A_626 = tpu.vector_load_idx %parallel_loop3A_625[%add3A_22] : memref<272xf32, #tpu.memory_space<vmem>>[vector<16xi32>], vector<16xf32>,
        %parallel_loop3A_627 = arith.constant 2 : i32
        %parallel_loop3A_628 = arith.muli %parallel_loop3A_627, %parallel_loop3A_370 : i32
        %parallel_loop3A_629 = arith.constant 0 : i32
        %parallel_loop3A_630 = arith.addi %parallel_loop3A_628, %parallel_loop3A_629 : i32
        %parallel_loop3A_631 = arith.constant 512 : i32
        %parallel_loop3A_632 = arith.addi %parallel_loop3A_631, %parallel_loop3A_380 : i32
        %parallel_loop3A_633 = arith.constant 8.000000e+00 : f32
        %parallel_loop3A_634 = vector.broadcast %parallel_loop3A_633 : f32 to vector<16xf32>
        %parallel_loop3A_635 = arith.mulf %parallel_loop3A_626, %parallel_loop3A_634 : vector<16xf32>
        %parallel_loop3A_636 = arith.constant 0 : i32
        %parallel_loop3A_637 = arith.index_cast %parallel_loop3A_376 : i32 to index
        %parallel_loop3A_638 = arith.index_cast %parallel_loop3A_630 : i32 to index
        %parallel_loop3A_639 = arith.index_cast %parallel_loop3A_636 : i32 to index
        %parallel_loop3A_640 = arith.index_cast %parallel_loop3A_632 : i32 to index
        %parallel_loop3A_641 = tpu.vector_load %arg10[%parallel_loop3A_637, %parallel_loop3A_638, %parallel_loop3A_639, %parallel_loop3A_640] {strides = array<i32>} : memref<2x8x1x1024xf32, #tpu.memory_space<vmem>>, vector<16xf32>,
        tpu.vector_store %arg10[%parallel_loop3A_637, %parallel_loop3A_638, %parallel_loop3A_639, %parallel_loop3A_640], %parallel_loop3A_635 {strides = array<i32>} : memref<2x8x1x1024xf32, #tpu.memory_space<vmem>>, vector<16xf32>,
        %parallel_loop3A_642 = tpu.memref_slice %arg11[%parallel_loop3A_374] : memref<17408xf32, #tpu.memory_space<vmem>> -> memref<272xf32, #tpu.memory_space<vmem>>
        %parallel_loop3A_643 = tpu.vector_load_idx %parallel_loop3A_642[%add3A_25] : memref<272xf32, #tpu.memory_space<vmem>>[vector<16xi32>], vector<16xf32>,
        %parallel_loop3A_644 = arith.constant 2 : i32
        %parallel_loop3A_645 = arith.muli %parallel_loop3A_644, %parallel_loop3A_370 : i32
        %parallel_loop3A_646 = arith.constant 0 : i32
        %parallel_loop3A_647 = arith.addi %parallel_loop3A_645, %parallel_loop3A_646 : i32
        %parallel_loop3A_648 = arith.constant 640 : i32
        %parallel_loop3A_649 = arith.addi %parallel_loop3A_648, %parallel_loop3A_380 : i32
        %parallel_loop3A_650 = arith.constant 8.000000e+00 : f32
        %parallel_loop3A_651 = vector.broadcast %parallel_loop3A_650 : f32 to vector<16xf32>
        %parallel_loop3A_652 = arith.mulf %parallel_loop3A_643, %parallel_loop3A_651 : vector<16xf32>
        %parallel_loop3A_653 = arith.constant 0 : i32
        %parallel_loop3A_654 = arith.index_cast %parallel_loop3A_376 : i32 to index
        %parallel_loop3A_655 = arith.index_cast %parallel_loop3A_647 : i32 to index
        %parallel_loop3A_656 = arith.index_cast %parallel_loop3A_653 : i32 to index
        %parallel_loop3A_657 = arith.index_cast %parallel_loop3A_649 : i32 to index
        %parallel_loop3A_658 = tpu.vector_load %arg10[%parallel_loop3A_654, %parallel_loop3A_655, %parallel_loop3A_656, %parallel_loop3A_657] {strides = array<i32>} : memref<2x8x1x1024xf32, #tpu.memory_space<vmem>>, vector<16xf32>,
        tpu.vector_store %arg10[%parallel_loop3A_654, %parallel_loop3A_655, %parallel_loop3A_656, %parallel_loop3A_657], %parallel_loop3A_652 {strides = array<i32>} : memref<2x8x1x1024xf32, #tpu.memory_space<vmem>>, vector<16xf32>,
        %parallel_loop3A_659 = tpu.memref_slice %arg11[%parallel_loop3A_374] : memref<17408xf32, #tpu.memory_space<vmem>> -> memref<272xf32, #tpu.memory_space<vmem>>
        %parallel_loop3A_660 = tpu.vector_load_idx %parallel_loop3A_659[%add3A_28] : memref<272xf32, #tpu.memory_space<vmem>>[vector<16xi32>], vector<16xf32>,
        %parallel_loop3A_661 = arith.constant 2 : i32
        %parallel_loop3A_662 = arith.muli %parallel_loop3A_661, %parallel_loop3A_370 : i32
        %parallel_loop3A_663 = arith.constant 0 : i32
        %parallel_loop3A_664 = arith.addi %parallel_loop3A_662, %parallel_loop3A_663 : i32
        %parallel_loop3A_665 = arith.constant 768 : i32
        %parallel_loop3A_666 = arith.addi %parallel_loop3A_665, %parallel_loop3A_380 : i32
        %parallel_loop3A_667 = arith.constant 8.000000e+00 : f32
        %parallel_loop3A_668 = vector.broadcast %parallel_loop3A_667 : f32 to vector<16xf32>
        %parallel_loop3A_669 = arith.mulf %parallel_loop3A_660, %parallel_loop3A_668 : vector<16xf32>
        %parallel_loop3A_670 = arith.constant 0 : i32
        %parallel_loop3A_671 = arith.index_cast %parallel_loop3A_376 : i32 to index
        %parallel_loop3A_672 = arith.index_cast %parallel_loop3A_664 : i32 to index
        %parallel_loop3A_673 = arith.index_cast %parallel_loop3A_670 : i32 to index
        %parallel_loop3A_674 = arith.index_cast %parallel_loop3A_666 : i32 to index
        %parallel_loop3A_675 = tpu.vector_load %arg10[%parallel_loop3A_671, %parallel_loop3A_672, %parallel_loop3A_673, %parallel_loop3A_674] {strides = array<i32>} : memref<2x8x1x1024xf32, #tpu.memory_space<vmem>>, vector<16xf32>,
        tpu.vector_store %arg10[%parallel_loop3A_671, %parallel_loop3A_672, %parallel_loop3A_673, %parallel_loop3A_674], %parallel_loop3A_669 {strides = array<i32>} : memref<2x8x1x1024xf32, #tpu.memory_space<vmem>>, vector<16xf32>,
        %parallel_loop3A_676 = tpu.memref_slice %arg11[%parallel_loop3A_374] : memref<17408xf32, #tpu.memory_space<vmem>> -> memref<272xf32, #tpu.memory_space<vmem>>
        %parallel_loop3A_677 = tpu.vector_load_idx %parallel_loop3A_676[%add3A_31] : memref<272xf32, #tpu.memory_space<vmem>>[vector<16xi32>], vector<16xf32>,
        %parallel_loop3A_678 = arith.constant 2 : i32
        %parallel_loop3A_679 = arith.muli %parallel_loop3A_678, %parallel_loop3A_370 : i32
        %parallel_loop3A_680 = arith.constant 0 : i32
        %parallel_loop3A_681 = arith.addi %parallel_loop3A_679, %parallel_loop3A_680 : i32
        %parallel_loop3A_682 = arith.constant 896 : i32
        %parallel_loop3A_683 = arith.addi %parallel_loop3A_682, %parallel_loop3A_380 : i32
        %parallel_loop3A_684 = arith.constant 8.000000e+00 : f32
        %parallel_loop3A_685 = vector.broadcast %parallel_loop3A_684 : f32 to vector<16xf32>
        %parallel_loop3A_686 = arith.mulf %parallel_loop3A_677, %parallel_loop3A_685 : vector<16xf32>
        %parallel_loop3A_687 = arith.constant 0 : i32
        %parallel_loop3A_688 = arith.index_cast %parallel_loop3A_376 : i32 to index
        %parallel_loop3A_689 = arith.index_cast %parallel_loop3A_681 : i32 to index
        %parallel_loop3A_690 = arith.index_cast %parallel_loop3A_687 : i32 to index
        %parallel_loop3A_691 = arith.index_cast %parallel_loop3A_683 : i32 to index
        %parallel_loop3A_692 = tpu.vector_load %arg10[%parallel_loop3A_688, %parallel_loop3A_689, %parallel_loop3A_690, %parallel_loop3A_691] {strides = array<i32>} : memref<2x8x1x1024xf32, #tpu.memory_space<vmem>>, vector<16xf32>,
        tpu.vector_store %arg10[%parallel_loop3A_688, %parallel_loop3A_689, %parallel_loop3A_690, %parallel_loop3A_691], %parallel_loop3A_686 {strides = array<i32>} : memref<2x8x1x1024xf32, #tpu.memory_space<vmem>>, vector<16xf32>,
        %parallel_loop3A_693 = tpu.memref_slice %arg11[%parallel_loop3A_374] : memref<17408xf32, #tpu.memory_space<vmem>> -> memref<272xf32, #tpu.memory_space<vmem>>
        %parallel_loop3A_694 = tpu.vector_load_idx %parallel_loop3A_693[%add3A_34] : memref<272xf32, #tpu.memory_space<vmem>>[vector<16xi32>], vector<16xf32>,
        %parallel_loop3A_695 = arith.constant 2 : i32
        %parallel_loop3A_696 = arith.muli %parallel_loop3A_695, %parallel_loop3A_370 : i32
        %parallel_loop3A_697 = arith.constant 1 : i32
        %parallel_loop3A_698 = arith.addi %parallel_loop3A_696, %parallel_loop3A_697 : i32
        %parallel_loop3A_699 = arith.constant 0 : i32
        %parallel_loop3A_700 = arith.addi %parallel_loop3A_699, %parallel_loop3A_380 : i32
        %parallel_loop3A_701 = arith.constant 8.000000e+00 : f32
        %parallel_loop3A_702 = vector.broadcast %parallel_loop3A_701 : f32 to vector<16xf32>
        %parallel_loop3A_703 = arith.mulf %parallel_loop3A_694, %parallel_loop3A_702 : vector<16xf32>
        %parallel_loop3A_704 = arith.constant 0 : i32
        %parallel_loop3A_705 = arith.index_cast %parallel_loop3A_376 : i32 to index
        %parallel_loop3A_706 = arith.index_cast %parallel_loop3A_698 : i32 to index
        %parallel_loop3A_707 = arith.index_cast %parallel_loop3A_704 : i32 to index
        %parallel_loop3A_708 = arith.index_cast %parallel_loop3A_700 : i32 to index
        %parallel_loop3A_709 = tpu.vector_load %arg10[%parallel_loop3A_705, %parallel_loop3A_706, %parallel_loop3A_707, %parallel_loop3A_708] {strides = array<i32>} : memref<2x8x1x1024xf32, #tpu.memory_space<vmem>>, vector<16xf32>,
        tpu.vector_store %arg10[%parallel_loop3A_705, %parallel_loop3A_706, %parallel_loop3A_707, %parallel_loop3A_708], %parallel_loop3A_703 {strides = array<i32>} : memref<2x8x1x1024xf32, #tpu.memory_space<vmem>>, vector<16xf32>,
        %parallel_loop3A_710 = tpu.memref_slice %arg11[%parallel_loop3A_374] : memref<17408xf32, #tpu.memory_space<vmem>> -> memref<272xf32, #tpu.memory_space<vmem>>
        %parallel_loop3A_711 = tpu.vector_load_idx %parallel_loop3A_710[%add3A_37] : memref<272xf32, #tpu.memory_space<vmem>>[vector<16xi32>], vector<16xf32>,
        %parallel_loop3A_712 = arith.constant 2 : i32
        %parallel_loop3A_713 = arith.muli %parallel_loop3A_712, %parallel_loop3A_370 : i32
        %parallel_loop3A_714 = arith.constant 1 : i32
        %parallel_loop3A_715 = arith.addi %parallel_loop3A_713, %parallel_loop3A_714 : i32
        %parallel_loop3A_716 = arith.constant 128 : i32
        %parallel_loop3A_717 = arith.addi %parallel_loop3A_716, %parallel_loop3A_380 : i32
        %parallel_loop3A_718 = arith.constant 8.000000e+00 : f32
        %parallel_loop3A_719 = vector.broadcast %parallel_loop3A_718 : f32 to vector<16xf32>
        %parallel_loop3A_720 = arith.mulf %parallel_loop3A_711, %parallel_loop3A_719 : vector<16xf32>
        %parallel_loop3A_721 = arith.constant 0 : i32
        %parallel_loop3A_722 = arith.index_cast %parallel_loop3A_376 : i32 to index
        %parallel_loop3A_723 = arith.index_cast %parallel_loop3A_715 : i32 to index
        %parallel_loop3A_724 = arith.index_cast %parallel_loop3A_721 : i32 to index
        %parallel_loop3A_725 = arith.index_cast %parallel_loop3A_717 : i32 to index
        %parallel_loop3A_726 = tpu.vector_load %arg10[%parallel_loop3A_722, %parallel_loop3A_723, %parallel_loop3A_724, %parallel_loop3A_725] {strides = array<i32>} : memref<2x8x1x1024xf32, #tpu.memory_space<vmem>>, vector<16xf32>,
        tpu.vector_store %arg10[%parallel_loop3A_722, %parallel_loop3A_723, %parallel_loop3A_724, %parallel_loop3A_725], %parallel_loop3A_720 {strides = array<i32>} : memref<2x8x1x1024xf32, #tpu.memory_space<vmem>>, vector<16xf32>,
        %parallel_loop3A_727 = tpu.memref_slice %arg11[%parallel_loop3A_374] : memref<17408xf32, #tpu.memory_space<vmem>> -> memref<272xf32, #tpu.memory_space<vmem>>
        %parallel_loop3A_728 = tpu.vector_load_idx %parallel_loop3A_727[%add3A_40] : memref<272xf32, #tpu.memory_space<vmem>>[vector<16xi32>], vector<16xf32>,
        %parallel_loop3A_729 = arith.constant 2 : i32
        %parallel_loop3A_730 = arith.muli %parallel_loop3A_729, %parallel_loop3A_370 : i32
        %parallel_loop3A_731 = arith.constant 1 : i32
        %parallel_loop3A_732 = arith.addi %parallel_loop3A_730, %parallel_loop3A_731 : i32
        %parallel_loop3A_733 = arith.constant 256 : i32
        %parallel_loop3A_734 = arith.addi %parallel_loop3A_733, %parallel_loop3A_380 : i32
        %parallel_loop3A_735 = arith.constant 8.000000e+00 : f32
        %parallel_loop3A_736 = vector.broadcast %parallel_loop3A_735 : f32 to vector<16xf32>
        %parallel_loop3A_737 = arith.mulf %parallel_loop3A_728, %parallel_loop3A_736 : vector<16xf32>
        %parallel_loop3A_738 = arith.constant 0 : i32
        %parallel_loop3A_739 = arith.index_cast %parallel_loop3A_376 : i32 to index
        %parallel_loop3A_740 = arith.index_cast %parallel_loop3A_732 : i32 to index
        %parallel_loop3A_741 = arith.index_cast %parallel_loop3A_738 : i32 to index
        %parallel_loop3A_742 = arith.index_cast %parallel_loop3A_734 : i32 to index
        %parallel_loop3A_743 = tpu.vector_load %arg10[%parallel_loop3A_739, %parallel_loop3A_740, %parallel_loop3A_741, %parallel_loop3A_742] {strides = array<i32>} : memref<2x8x1x1024xf32, #tpu.memory_space<vmem>>, vector<16xf32>,
        tpu.vector_store %arg10[%parallel_loop3A_739, %parallel_loop3A_740, %parallel_loop3A_741, %parallel_loop3A_742], %parallel_loop3A_737 {strides = array<i32>} : memref<2x8x1x1024xf32, #tpu.memory_space<vmem>>, vector<16xf32>,
        %parallel_loop3A_744 = tpu.memref_slice %arg11[%parallel_loop3A_374] : memref<17408xf32, #tpu.memory_space<vmem>> -> memref<272xf32, #tpu.memory_space<vmem>>
        %parallel_loop3A_745 = tpu.vector_load_idx %parallel_loop3A_744[%add3A_43] : memref<272xf32, #tpu.memory_space<vmem>>[vector<16xi32>], vector<16xf32>,
        %parallel_loop3A_746 = arith.constant 2 : i32
        %parallel_loop3A_747 = arith.muli %parallel_loop3A_746, %parallel_loop3A_370 : i32
        %parallel_loop3A_748 = arith.constant 1 : i32
        %parallel_loop3A_749 = arith.addi %parallel_loop3A_747, %parallel_loop3A_748 : i32
        %parallel_loop3A_750 = arith.constant 384 : i32
        %parallel_loop3A_751 = arith.addi %parallel_loop3A_750, %parallel_loop3A_380 : i32
        %parallel_loop3A_752 = arith.constant 8.000000e+00 : f32
        %parallel_loop3A_753 = vector.broadcast %parallel_loop3A_752 : f32 to vector<16xf32>
        %parallel_loop3A_754 = arith.mulf %parallel_loop3A_745, %parallel_loop3A_753 : vector<16xf32>
        %parallel_loop3A_755 = arith.constant 0 : i32
        %parallel_loop3A_756 = arith.index_cast %parallel_loop3A_376 : i32 to index
        %parallel_loop3A_757 = arith.index_cast %parallel_loop3A_749 : i32 to index
        %parallel_loop3A_758 = arith.index_cast %parallel_loop3A_755 : i32 to index
        %parallel_loop3A_759 = arith.index_cast %parallel_loop3A_751 : i32 to index
        %parallel_loop3A_760 = tpu.vector_load %arg10[%parallel_loop3A_756, %parallel_loop3A_757, %parallel_loop3A_758, %parallel_loop3A_759] {strides = array<i32>} : memref<2x8x1x1024xf32, #tpu.memory_space<vmem>>, vector<16xf32>,
        tpu.vector_store %arg10[%parallel_loop3A_756, %parallel_loop3A_757, %parallel_loop3A_758, %parallel_loop3A_759], %parallel_loop3A_754 {strides = array<i32>} : memref<2x8x1x1024xf32, #tpu.memory_space<vmem>>, vector<16xf32>,
        %parallel_loop3A_761 = tpu.memref_slice %arg11[%parallel_loop3A_374] : memref<17408xf32, #tpu.memory_space<vmem>> -> memref<272xf32, #tpu.memory_space<vmem>>
        %parallel_loop3A_762 = tpu.vector_load_idx %parallel_loop3A_761[%add3A_46] : memref<272xf32, #tpu.memory_space<vmem>>[vector<16xi32>], vector<16xf32>,
        %parallel_loop3A_763 = arith.constant 2 : i32
        %parallel_loop3A_764 = arith.muli %parallel_loop3A_763, %parallel_loop3A_370 : i32
        %parallel_loop3A_765 = arith.constant 1 : i32
        %parallel_loop3A_766 = arith.addi %parallel_loop3A_764, %parallel_loop3A_765 : i32
        %parallel_loop3A_767 = arith.constant 512 : i32
        %parallel_loop3A_768 = arith.addi %parallel_loop3A_767, %parallel_loop3A_380 : i32
        %parallel_loop3A_769 = arith.constant 8.000000e+00 : f32
        %parallel_loop3A_770 = vector.broadcast %parallel_loop3A_769 : f32 to vector<16xf32>
        %parallel_loop3A_771 = arith.mulf %parallel_loop3A_762, %parallel_loop3A_770 : vector<16xf32>
        %parallel_loop3A_772 = arith.constant 0 : i32
        %parallel_loop3A_773 = arith.index_cast %parallel_loop3A_376 : i32 to index
        %parallel_loop3A_774 = arith.index_cast %parallel_loop3A_766 : i32 to index
        %parallel_loop3A_775 = arith.index_cast %parallel_loop3A_772 : i32 to index
        %parallel_loop3A_776 = arith.index_cast %parallel_loop3A_768 : i32 to index
        %parallel_loop3A_777 = tpu.vector_load %arg10[%parallel_loop3A_773, %parallel_loop3A_774, %parallel_loop3A_775, %parallel_loop3A_776] {strides = array<i32>} : memref<2x8x1x1024xf32, #tpu.memory_space<vmem>>, vector<16xf32>,
        tpu.vector_store %arg10[%parallel_loop3A_773, %parallel_loop3A_774, %parallel_loop3A_775, %parallel_loop3A_776], %parallel_loop3A_771 {strides = array<i32>} : memref<2x8x1x1024xf32, #tpu.memory_space<vmem>>, vector<16xf32>,
        %parallel_loop3A_778 = tpu.memref_slice %arg11[%parallel_loop3A_374] : memref<17408xf32, #tpu.memory_space<vmem>> -> memref<272xf32, #tpu.memory_space<vmem>>
        %parallel_loop3A_779 = tpu.vector_load_idx %parallel_loop3A_778[%add3A_49] : memref<272xf32, #tpu.memory_space<vmem>>[vector<16xi32>], vector<16xf32>,
        %parallel_loop3A_780 = arith.constant 2 : i32
        %parallel_loop3A_781 = arith.muli %parallel_loop3A_780, %parallel_loop3A_370 : i32
        %parallel_loop3A_782 = arith.constant 1 : i32
        %parallel_loop3A_783 = arith.addi %parallel_loop3A_781, %parallel_loop3A_782 : i32
        %parallel_loop3A_784 = arith.constant 640 : i32
        %parallel_loop3A_785 = arith.addi %parallel_loop3A_784, %parallel_loop3A_380 : i32
        %parallel_loop3A_786 = arith.constant 8.000000e+00 : f32
        %parallel_loop3A_787 = vector.broadcast %parallel_loop3A_786 : f32 to vector<16xf32>
        %parallel_loop3A_788 = arith.mulf %parallel_loop3A_779, %parallel_loop3A_787 : vector<16xf32>
        %parallel_loop3A_789 = arith.constant 0 : i32
        %parallel_loop3A_790 = arith.index_cast %parallel_loop3A_376 : i32 to index
        %parallel_loop3A_791 = arith.index_cast %parallel_loop3A_783 : i32 to index
        %parallel_loop3A_792 = arith.index_cast %parallel_loop3A_789 : i32 to index
        %parallel_loop3A_793 = arith.index_cast %parallel_loop3A_785 : i32 to index
        %parallel_loop3A_794 = tpu.vector_load %arg10[%parallel_loop3A_790, %parallel_loop3A_791, %parallel_loop3A_792, %parallel_loop3A_793] {strides = array<i32>} : memref<2x8x1x1024xf32, #tpu.memory_space<vmem>>, vector<16xf32>,
        tpu.vector_store %arg10[%parallel_loop3A_790, %parallel_loop3A_791, %parallel_loop3A_792, %parallel_loop3A_793], %parallel_loop3A_788 {strides = array<i32>} : memref<2x8x1x1024xf32, #tpu.memory_space<vmem>>, vector<16xf32>,
        %parallel_loop3A_795 = tpu.memref_slice %arg11[%parallel_loop3A_374] : memref<17408xf32, #tpu.memory_space<vmem>> -> memref<272xf32, #tpu.memory_space<vmem>>
        %parallel_loop3A_796 = tpu.vector_load_idx %parallel_loop3A_795[%add3A_52] : memref<272xf32, #tpu.memory_space<vmem>>[vector<16xi32>], vector<16xf32>,
        %parallel_loop3A_797 = arith.constant 2 : i32
        %parallel_loop3A_798 = arith.muli %parallel_loop3A_797, %parallel_loop3A_370 : i32
        %parallel_loop3A_799 = arith.constant 1 : i32
        %parallel_loop3A_800 = arith.addi %parallel_loop3A_798, %parallel_loop3A_799 : i32
        %parallel_loop3A_801 = arith.constant 768 : i32
        %parallel_loop3A_802 = arith.addi %parallel_loop3A_801, %parallel_loop3A_380 : i32
        %parallel_loop3A_803 = arith.constant 8.000000e+00 : f32
        %parallel_loop3A_804 = vector.broadcast %parallel_loop3A_803 : f32 to vector<16xf32>
        %parallel_loop3A_805 = arith.mulf %parallel_loop3A_796, %parallel_loop3A_804 : vector<16xf32>
        %parallel_loop3A_806 = arith.constant 0 : i32
        %parallel_loop3A_807 = arith.index_cast %parallel_loop3A_376 : i32 to index
        %parallel_loop3A_808 = arith.index_cast %parallel_loop3A_800 : i32 to index
        %parallel_loop3A_809 = arith.index_cast %parallel_loop3A_806 : i32 to index
        %parallel_loop3A_810 = arith.index_cast %parallel_loop3A_802 : i32 to index
        %parallel_loop3A_811 = tpu.vector_load %arg10[%parallel_loop3A_807, %parallel_loop3A_808, %parallel_loop3A_809, %parallel_loop3A_810] {strides = array<i32>} : memref<2x8x1x1024xf32, #tpu.memory_space<vmem>>, vector<16xf32>,
        tpu.vector_store %arg10[%parallel_loop3A_807, %parallel_loop3A_808, %parallel_loop3A_809, %parallel_loop3A_810], %parallel_loop3A_805 {strides = array<i32>} : memref<2x8x1x1024xf32, #tpu.memory_space<vmem>>, vector<16xf32>,
        %parallel_loop3A_812 = tpu.memref_slice %arg11[%parallel_loop3A_374] : memref<17408xf32, #tpu.memory_space<vmem>> -> memref<272xf32, #tpu.memory_space<vmem>>
        %parallel_loop3A_813 = tpu.vector_load_idx %parallel_loop3A_812[%add3A_55] : memref<272xf32, #tpu.memory_space<vmem>>[vector<16xi32>], vector<16xf32>,
        %parallel_loop3A_814 = arith.constant 2 : i32
        %parallel_loop3A_815 = arith.muli %parallel_loop3A_814, %parallel_loop3A_370 : i32
        %parallel_loop3A_816 = arith.constant 1 : i32
        %parallel_loop3A_817 = arith.addi %parallel_loop3A_815, %parallel_loop3A_816 : i32
        %parallel_loop3A_818 = arith.constant 896 : i32
        %parallel_loop3A_819 = arith.addi %parallel_loop3A_818, %parallel_loop3A_380 : i32
        %parallel_loop3A_820 = arith.constant 8.000000e+00 : f32
        %parallel_loop3A_821 = vector.broadcast %parallel_loop3A_820 : f32 to vector<16xf32>
        %parallel_loop3A_822 = arith.mulf %parallel_loop3A_813, %parallel_loop3A_821 : vector<16xf32>
        %parallel_loop3A_823 = arith.constant 0 : i32
        %parallel_loop3A_824 = arith.index_cast %parallel_loop3A_376 : i32 to index
        %parallel_loop3A_825 = arith.index_cast %parallel_loop3A_817 : i32 to index
        %parallel_loop3A_826 = arith.index_cast %parallel_loop3A_823 : i32 to index
        %parallel_loop3A_827 = arith.index_cast %parallel_loop3A_819 : i32 to index
        %parallel_loop3A_828 = tpu.vector_load %arg10[%parallel_loop3A_824, %parallel_loop3A_825, %parallel_loop3A_826, %parallel_loop3A_827] {strides = array<i32>} : memref<2x8x1x1024xf32, #tpu.memory_space<vmem>>, vector<16xf32>,
        tpu.vector_store %arg10[%parallel_loop3A_824, %parallel_loop3A_825, %parallel_loop3A_826, %parallel_loop3A_827], %parallel_loop3A_822 {strides = array<i32>} : memref<2x8x1x1024xf32, #tpu.memory_space<vmem>>, vector<16xf32>,
      } {sc.loop_unroll_factor = 16 : i64, sc.parallel_access}
      %jit3A_278 = arith.constant 2 : i32
      %div3A_279 = arith.divsi %add3A_259, %jit3A_278 : i32
      %sign3A_280 = arith.constant 0 : i32
      %sign3A_281 = arith.cmpi sgt, %add3A_259, %sign3A_280 : i32
      %sign3A_282 = arith.extui %sign3A_281 : i1 to i32
      %sign3A_283 = arith.constant 0 : i32
      %sign3A_284 = arith.cmpi slt, %add3A_259, %sign3A_283 : i32
      %sign3A_285 = arith.extui %sign3A_284 : i1 to i32
      %sign3A_286 = arith.subi %sign3A_282, %sign3A_285 : i32
      %sign3A_287 = arith.constant 0 : i32
      %sign3A_288 = arith.cmpi sgt, %jit3A_278, %sign3A_287 : i32
      %sign3A_289 = arith.extui %sign3A_288 : i1 to i32
      %sign3A_290 = arith.constant 0 : i32
      %sign3A_291 = arith.cmpi slt, %jit3A_278, %sign3A_290 : i32
      %sign3A_292 = arith.extui %sign3A_291 : i1 to i32
      %sign3A_293 = arith.subi %sign3A_289, %sign3A_292 : i32
      %ne3A_294 = arith.cmpi ne, %sign3A_286, %sign3A_293 : i32
      %rem3A_295 = arith.remsi %add3A_259, %jit3A_278 : i32
      %ne3A_296 = arith.constant 0 : i32
      %ne3A_297 = arith.cmpi ne, %rem3A_295, %ne3A_296 : i32
      %and3A_298 = arith.andi %ne3A_294, %ne3A_297 : i1
      %sub3A_299 = arith.constant 1 : i32
      %sub3A_300 = arith.subi %div3A_279, %sub3A_299 : i32
      %select_n3A_301 = arith.select %and3A_298, %sub3A_300, %div3A_279 : i32
      %jit3A_302 = arith.constant 2 : i32
      %eq3A_303 = arith.constant 0 : i32
      %eq3A_304 = arith.cmpi eq, %jit3A_302, %eq3A_303 : i32
      %jit3A_305 = arith.constant 1 : i32
      %select_n3A_306 = arith.select %eq3A_304, %jit3A_305, %jit3A_302 : i32
      %rem3A_307 = arith.remsi %add3A_259, %select_n3A_306 : i32
      %ne3A_308 = arith.constant 0 : i32
      %ne3A_309 = arith.cmpi ne, %rem3A_307, %ne3A_308 : i32
      %lt3A_310 = arith.constant 0 : i32
      %lt3A_311 = arith.cmpi slt, %rem3A_307, %lt3A_310 : i32
      %lt3A_312 = arith.constant 0 : i32
      %lt3A_313 = arith.cmpi slt, %select_n3A_306, %lt3A_312 : i32
      %ne3A_314 = arith.xori %lt3A_311, %lt3A_313 : i1
      %and3A_315 = arith.andi %ne3A_314, %ne3A_309 : i1
      %add3A_316 = arith.addi %rem3A_307, %select_n3A_306 : i32
      %select_n3A_317 = arith.select %and3A_315, %add3A_316, %rem3A_307 : i32
      %mul3A_318 = arith.constant 2 : i32
      %mul3A_319 = arith.muli %select_n3A_317, %mul3A_318 : i32
      %add3A_320 = arith.addi %mul3A_4, %mul3A_319 : i32
      %mul3A_321 = arith.constant 8 : i32
      %mul3A_322 = arith.muli %select_n3A_301, %mul3A_321 : i32
      %add3A_323 = arith.constant 0 : i32
      %add3A_324 = arith.addi %add3A_320, %add3A_323 : i32
      %dma_start3A_325 = arith.constant 0 : i32
      %dma_start3A_326 = arith.constant 0 : i32
      %dma_start3A_327 = arith.constant 0 : i32
      %dma_start3A_328 = arith.constant 0 : i32
      %dma_start3A_329 = tpu.memref_slice %arg10[%dma_start3A_325, %dma_start3A_326, %dma_start3A_327, %dma_start3A_328] : memref<2x8x1x1024xf32, #tpu.memory_space<vmem>> -> memref<1x8x1x1024xf32, #tpu.memory_space<vmem>>
      %dma_start3A_330 = tpu.memref_squeeze %dma_start3A_329 : memref<1x8x1x1024xf32, #tpu.memory_space<vmem>> -> memref<8x1x1024xf32, #tpu.memory_space<vmem>>
      %dma_start3A_331 = arith.constant 0 : i32
      %dma_start3A_332 = tpu.memref_slice %arg4[%mul3A_322, %add3A_324, %dma_start3A_331] : memref<400x128x1024xf32, #tpu.memory_space<hbm>> -> memref<8x1x1024xf32, #tpu.memory_space<hbm>>
      %dma_start3A_333 = arith.constant 0 : i32
      %dma_start3A_334 = tpu.memref_slice %arg4[%mul3A_322, %add3A_324, %dma_start3A_333] : memref<400x128x1024xf32, #tpu.memory_space<hbm>> -> memref<8x1x1024xf32, #tpu.memory_space<hbm>>
      %dma_start3A_335 = arith.constant 0 : i32
      %dma_start3A_336 = arith.constant 0 : i32
      %dma_start3A_337 = arith.constant 0 : i32
      %dma_start3A_338 = tpu.memref_slice %arg10[%dma_start3A_325, %dma_start3A_335, %dma_start3A_336, %dma_start3A_337] : memref<2x8x1x1024xf32, #tpu.memory_space<vmem>> -> memref<1x8x1x1024xf32, #tpu.memory_space<vmem>>
      %dma_start3A_339 = tpu.memref_squeeze %dma_start3A_338 : memref<1x8x1x1024xf32, #tpu.memory_space<vmem>> -> memref<8x1x1024xf32, #tpu.memory_space<vmem>>
      tpu.enqueue_dma source(%dma_start3A_339 : memref<8x1x1024xf32, #tpu.memory_space<vmem>>) target(%dma_start3A_334 : memref<8x1x1024xf32, #tpu.memory_space<hbm>>) target_semaphore(%arg17 : memref<!tpu.dma_semaphore, #tpu.memory_space<semaphore_mem>>)
      %mul3A_340 = arith.constant 8 : i32
      %mul3A_341 = arith.muli %select_n3A_301, %mul3A_340 : i32
      %add3A_342 = arith.constant 1 : i32
      %add3A_343 = arith.addi %add3A_320, %add3A_342 : i32
      %dma_start3A_344 = arith.constant 1 : i32
      %dma_start3A_345 = arith.constant 0 : i32
      %dma_start3A_346 = arith.constant 0 : i32
      %dma_start3A_347 = arith.constant 0 : i32
      %dma_start3A_348 = tpu.memref_slice %arg10[%dma_start3A_344, %dma_start3A_345, %dma_start3A_346, %dma_start3A_347] : memref<2x8x1x1024xf32, #tpu.memory_space<vmem>> -> memref<1x8x1x1024xf32, #tpu.memory_space<vmem>>
      %dma_start3A_349 = tpu.memref_squeeze %dma_start3A_348 : memref<1x8x1x1024xf32, #tpu.memory_space<vmem>> -> memref<8x1x1024xf32, #tpu.memory_space<vmem>>
      %dma_start3A_350 = arith.constant 0 : i32
      %dma_start3A_351 = tpu.memref_slice %arg4[%mul3A_341, %add3A_343, %dma_start3A_350] : memref<400x128x1024xf32, #tpu.memory_space<hbm>> -> memref<8x1x1024xf32, #tpu.memory_space<hbm>>
      %dma_start3A_352 = arith.constant 0 : i32
      %dma_start3A_353 = tpu.memref_slice %arg4[%mul3A_341, %add3A_343, %dma_start3A_352] : memref<400x128x1024xf32, #tpu.memory_space<hbm>> -> memref<8x1x1024xf32, #tpu.memory_space<hbm>>
      %dma_start3A_354 = arith.constant 0 : i32
      %dma_start3A_355 = arith.constant 0 : i32
      %dma_start3A_356 = arith.constant 0 : i32
      %dma_start3A_357 = tpu.memref_slice %arg10[%dma_start3A_344, %dma_start3A_354, %dma_start3A_355, %dma_start3A_356] : memref<2x8x1x1024xf32, #tpu.memory_space<vmem>> -> memref<1x8x1x1024xf32, #tpu.memory_space<vmem>>
      %dma_start3A_358 = tpu.memref_squeeze %dma_start3A_357 : memref<1x8x1x1024xf32, #tpu.memory_space<vmem>> -> memref<8x1x1024xf32, #tpu.memory_space<vmem>>
      tpu.enqueue_dma source(%dma_start3A_358 : memref<8x1x1024xf32, #tpu.memory_space<vmem>>) target(%dma_start3A_353 : memref<8x1x1024xf32, #tpu.memory_space<hbm>>) target_semaphore(%arg17 : memref<!tpu.dma_semaphore, #tpu.memory_space<semaphore_mem>>)
      %add3A_359 = arith.constant 1 : i32
      %add3A_360 = arith.addi %add3A_259, %add3A_359 : i32
      %lt3A_361 = arith.constant 100 : i32
      %lt3A_362 = arith.cmpi slt, %add3A_360, %lt3A_361 : i32
      %convert_element_type3A_363 = arith.extui %lt3A_362 : i1 to i32
      %cond3A_364 = arith.constant 0 : i32
      %cond3A_365 = arith.cmpi ne, %convert_element_type3A_363, %cond3A_364 : i32
      scf.if %cond3A_365 {
        %dma_wait3A_366 = arith.constant 0 : i32
        %dma_wait3A_367 = arith.constant 0 : i32
        %dma_wait3A_368 = tpu.memref_slice %arg2[%dma_wait3A_366, %dma_wait3A_367] : memref<50x16384xi32, #tpu.memory_space<hbm>> -> memref<1x256xi32, #tpu.memory_space<hbm>>
        %dma_wait3A_369 = tpu.memref_squeeze %dma_wait3A_368 : memref<1x256xi32, #tpu.memory_space<hbm>> -> memref<256xi32, #tpu.memory_space<hbm>>
        %dma_wait3A_370 = arith.constant 0 : i32
        %dma_wait3A_371 = tpu.memref_slice %arg2[%dma_wait3A_366, %dma_wait3A_370] : memref<50x16384xi32, #tpu.memory_space<hbm>> -> memref<1x256xi32, #tpu.memory_space<hbm>>
        %dma_wait3A_372 = tpu.memref_squeeze %dma_wait3A_371 : memref<1x256xi32, #tpu.memory_space<hbm>> -> memref<256xi32, #tpu.memory_space<hbm>>
        tpu.wait_dma2 semaphore(%arg12 : memref<!tpu.dma_semaphore, #tpu.memory_space<semaphore_mem>>) src(%dma_wait3A_372 : memref<256xi32, #tpu.memory_space<hbm>>) dst(%arg5 : memref<256xi32, #tpu.memory_space<vmem>>)
        %dma_start3A_373 = arith.constant 0 : i32
        %dma_start3A_374 = arith.constant 0 : i32
        %dma_start3A_375 = tpu.memref_slice %arg3[%dma_start3A_373, %dma_start3A_374] : memref<1000000x64xf32, #tpu.memory_space<hbm>> -> memref<1000000x64xf32, #tpu.memory_space<hbm>>
        tpu.enqueue_indirect_dma source(%dma_start3A_375 : memref<1000000x64xf32, #tpu.memory_space<hbm>>) target(%arg7 : memref<256x64xf32, #tpu.memory_space<vmem>>) offsets(%arg5 : memref<256xi32, #tpu.memory_space<vmem>>) semaphore(%arg14 : memref<!tpu.dma_semaphore, #tpu.memory_space<semaphore_mem>>)
      } else {
      }
    }
    %scan3A_82 = arith.constant 50 : i32
    %dma_wait3A_83 = arith.constant 0 : i32
    %dma_wait3A_84 = arith.constant 0 : i32
    %dma_wait3A_85 = arith.constant 0 : i32
    %dma_wait3A_86 = arith.constant 0 : i32
    %dma_wait3A_87 = tpu.memref_slice %arg9[%dma_wait3A_83, %dma_wait3A_84, %dma_wait3A_85, %dma_wait3A_86] : memref<2x8x1x1024xf32, #tpu.memory_space<vmem>> -> memref<1x8x1x1024xf32, #tpu.memory_space<vmem>>
    %dma_wait3A_88 = tpu.memref_squeeze %dma_wait3A_87 : memref<1x8x1x1024xf32, #tpu.memory_space<vmem>> -> memref<8x1x1024xf32, #tpu.memory_space<vmem>>
    %dma_wait3A_89 = arith.constant 0 : i32
    %dma_wait3A_90 = arith.constant 0 : i32
    %dma_wait3A_91 = arith.constant 0 : i32
    %dma_wait3A_92 = tpu.memref_slice %arg4[%dma_wait3A_89, %dma_wait3A_90, %dma_wait3A_91] : memref<400x128x1024xf32, #tpu.memory_space<hbm>> -> memref<8x1x1024xf32, #tpu.memory_space<hbm>>
    %dma_wait3A_93 = arith.constant 0 : i32
    %dma_wait3A_94 = arith.constant 0 : i32
    %dma_wait3A_95 = arith.constant 0 : i32
    %dma_wait3A_96 = tpu.memref_slice %arg4[%dma_wait3A_93, %dma_wait3A_94, %dma_wait3A_95] : memref<400x128x1024xf32, #tpu.memory_space<hbm>> -> memref<8x1x1024xf32, #tpu.memory_space<hbm>>
    %dma_wait3A_97 = arith.constant 0 : i32
    %dma_wait3A_98 = arith.constant 0 : i32
    %dma_wait3A_99 = arith.constant 0 : i32
    %dma_wait3A_100 = tpu.memref_slice %arg9[%dma_wait3A_83, %dma_wait3A_97, %dma_wait3A_98, %dma_wait3A_99] : memref<2x8x1x1024xf32, #tpu.memory_space<vmem>> -> memref<1x8x1x1024xf32, #tpu.memory_space<vmem>>
    %dma_wait3A_101 = tpu.memref_squeeze %dma_wait3A_100 : memref<1x8x1x1024xf32, #tpu.memory_space<vmem>> -> memref<8x1x1024xf32, #tpu.memory_space<vmem>>
    tpu.wait_dma2 semaphore(%arg16 : memref<!tpu.dma_semaphore, #tpu.memory_space<semaphore_mem>>) src(%dma_wait3A_101 : memref<8x1x1024xf32, #tpu.memory_space<vmem>>) dst(%dma_wait3A_96 : memref<8x1x1024xf32, #tpu.memory_space<hbm>>)
    %dma_wait3A_102 = arith.constant 1 : i32
    %dma_wait3A_103 = arith.constant 0 : i32
    %dma_wait3A_104 = arith.constant 0 : i32
    %dma_wait3A_105 = arith.constant 0 : i32
    %dma_wait3A_106 = tpu.memref_slice %arg9[%dma_wait3A_102, %dma_wait3A_103, %dma_wait3A_104, %dma_wait3A_105] : memref<2x8x1x1024xf32, #tpu.memory_space<vmem>> -> memref<1x8x1x1024xf32, #tpu.memory_space<vmem>>
    %dma_wait3A_107 = tpu.memref_squeeze %dma_wait3A_106 : memref<1x8x1x1024xf32, #tpu.memory_space<vmem>> -> memref<8x1x1024xf32, #tpu.memory_space<vmem>>
    %dma_wait3A_108 = arith.constant 0 : i32
    %dma_wait3A_109 = arith.constant 0 : i32
    %dma_wait3A_110 = arith.constant 0 : i32
    %dma_wait3A_111 = tpu.memref_slice %arg4[%dma_wait3A_108, %dma_wait3A_109, %dma_wait3A_110] : memref<400x128x1024xf32, #tpu.memory_space<hbm>> -> memref<8x1x1024xf32, #tpu.memory_space<hbm>>
    %dma_wait3A_112 = arith.constant 0 : i32
    %dma_wait3A_113 = arith.constant 0 : i32
    %dma_wait3A_114 = arith.constant 0 : i32
    %dma_wait3A_115 = tpu.memref_slice %arg4[%dma_wait3A_112, %dma_wait3A_113, %dma_wait3A_114] : memref<400x128x1024xf32, #tpu.memory_space<hbm>> -> memref<8x1x1024xf32, #tpu.memory_space<hbm>>
    %dma_wait3A_116 = arith.constant 0 : i32
    %dma_wait3A_117 = arith.constant 0 : i32
    %dma_wait3A_118 = arith.constant 0 : i32
    %dma_wait3A_119 = tpu.memref_slice %arg9[%dma_wait3A_102, %dma_wait3A_116, %dma_wait3A_117, %dma_wait3A_118] : memref<2x8x1x1024xf32, #tpu.memory_space<vmem>> -> memref<1x8x1x1024xf32, #tpu.memory_space<vmem>>
    %dma_wait3A_120 = tpu.memref_squeeze %dma_wait3A_119 : memref<1x8x1x1024xf32, #tpu.memory_space<vmem>> -> memref<8x1x1024xf32, #tpu.memory_space<vmem>>
    tpu.wait_dma2 semaphore(%arg16 : memref<!tpu.dma_semaphore, #tpu.memory_space<semaphore_mem>>) src(%dma_wait3A_120 : memref<8x1x1024xf32, #tpu.memory_space<vmem>>) dst(%dma_wait3A_115 : memref<8x1x1024xf32, #tpu.memory_space<hbm>>)
    %dma_wait3A_121 = arith.constant 0 : i32
    %dma_wait3A_122 = arith.constant 0 : i32
    %dma_wait3A_123 = arith.constant 0 : i32
    %dma_wait3A_124 = arith.constant 0 : i32
    %dma_wait3A_125 = tpu.memref_slice %arg10[%dma_wait3A_121, %dma_wait3A_122, %dma_wait3A_123, %dma_wait3A_124] : memref<2x8x1x1024xf32, #tpu.memory_space<vmem>> -> memref<1x8x1x1024xf32, #tpu.memory_space<vmem>>
    %dma_wait3A_126 = tpu.memref_squeeze %dma_wait3A_125 : memref<1x8x1x1024xf32, #tpu.memory_space<vmem>> -> memref<8x1x1024xf32, #tpu.memory_space<vmem>>
    %dma_wait3A_127 = arith.constant 0 : i32
    %dma_wait3A_128 = arith.constant 0 : i32
    %dma_wait3A_129 = arith.constant 0 : i32
    %dma_wait3A_130 = tpu.memref_slice %arg4[%dma_wait3A_127, %dma_wait3A_128, %dma_wait3A_129] : memref<400x128x1024xf32, #tpu.memory_space<hbm>> -> memref<8x1x1024xf32, #tpu.memory_space<hbm>>
    %dma_wait3A_131 = arith.constant 0 : i32
    %dma_wait3A_132 = arith.constant 0 : i32
    %dma_wait3A_133 = arith.constant 0 : i32
    %dma_wait3A_134 = tpu.memref_slice %arg4[%dma_wait3A_131, %dma_wait3A_132, %dma_wait3A_133] : memref<400x128x1024xf32, #tpu.memory_space<hbm>> -> memref<8x1x1024xf32, #tpu.memory_space<hbm>>
    %dma_wait3A_135 = arith.constant 0 : i32
    %dma_wait3A_136 = arith.constant 0 : i32
    %dma_wait3A_137 = arith.constant 0 : i32
    %dma_wait3A_138 = tpu.memref_slice %arg10[%dma_wait3A_121, %dma_wait3A_135, %dma_wait3A_136, %dma_wait3A_137] : memref<2x8x1x1024xf32, #tpu.memory_space<vmem>> -> memref<1x8x1x1024xf32, #tpu.memory_space<vmem>>
    %dma_wait3A_139 = tpu.memref_squeeze %dma_wait3A_138 : memref<1x8x1x1024xf32, #tpu.memory_space<vmem>> -> memref<8x1x1024xf32, #tpu.memory_space<vmem>>
    tpu.wait_dma2 semaphore(%arg17 : memref<!tpu.dma_semaphore, #tpu.memory_space<semaphore_mem>>) src(%dma_wait3A_139 : memref<8x1x1024xf32, #tpu.memory_space<vmem>>) dst(%dma_wait3A_134 : memref<8x1x1024xf32, #tpu.memory_space<hbm>>)
    %dma_wait3A_140 = arith.constant 1 : i32
    %dma_wait3A_141 = arith.constant 0 : i32
    %dma_wait3A_142 = arith.constant 0 : i32
    %dma_wait3A_143 = arith.constant 0 : i32
    %dma_wait3A_144 = tpu.memref_slice %arg10[%dma_wait3A_140, %dma_wait3A_141, %dma_wait3A_142, %dma_wait3A_143] : memref<2x8x1x1024xf32, #tpu.memory_space<vmem>> -> memref<1x8x1x1024xf32, #tpu.memory_space<vmem>>
    %dma_wait3A_145 = tpu.memref_squeeze %dma_wait3A_144 : memref<1x8x1x1024xf32, #tpu.memory_space<vmem>> -> memref<8x1x1024xf32, #tpu.memory_space<vmem>>
    %dma_wait3A_146 = arith.constant 0 : i32
    %dma_wait3A_147 = arith.constant 0 : i32
    %dma_wait3A_148 = arith.constant 0 : i32
    %dma_wait3A_149 = tpu.memref_slice %arg4[%dma_wait3A_146, %dma_wait3A_147, %dma_wait3A_148] : memref<400x128x1024xf32, #tpu.memory_space<hbm>> -> memref<8x1x1024xf32, #tpu.memory_space<hbm>>
    %dma_wait3A_150 = arith.constant 0 : i32
    %dma_wait3A_151 = arith.constant 0 : i32
    %dma_wait3A_152 = arith.constant 0 : i32
    %dma_wait3A_153 = tpu.memref_slice %arg4[%dma_wait3A_150, %dma_wait3A_151, %dma_wait3A_152] : memref<400x128x1024xf32, #tpu.memory_space<hbm>> -> memref<8x1x1024xf32, #tpu.memory_space<hbm>>
    %dma_wait3A_154 = arith.constant 0 : i32
    %dma_wait3A_155 = arith.constant 0 : i32
    %dma_wait3A_156 = arith.constant 0 : i32
    %dma_wait3A_157 = tpu.memref_slice %arg10[%dma_wait3A_140, %dma_wait3A_154, %dma_wait3A_155, %dma_wait3A_156] : memref<2x8x1x1024xf32, #tpu.memory_space<vmem>> -> memref<1x8x1x1024xf32, #tpu.memory_space<vmem>>
    %dma_wait3A_158 = tpu.memref_squeeze %dma_wait3A_157 : memref<1x8x1x1024xf32, #tpu.memory_space<vmem>> -> memref<8x1x1024xf32, #tpu.memory_space<vmem>>
    tpu.wait_dma2 semaphore(%arg17 : memref<!tpu.dma_semaphore, #tpu.memory_space<semaphore_mem>>) src(%dma_wait3A_158 : memref<8x1x1024xf32, #tpu.memory_space<vmem>>) dst(%dma_wait3A_153 : memref<8x1x1024xf32, #tpu.memory_space<hbm>>)
    return
  }
}

</mosaic_0001>

<sc_bundles>
// kernel: kernel.3.cloned.1.call-start
scs
__scs_entry_jumppad:
0x0: {  	(pc) =	sbr.rel $0x88, $3  }
0x1: {  	(tag) =	ssettag $0x0;
	lr =	simm.s32 $0x1  }
0x2: {  	[smem:$0x3F9F] =	sst lr;
	_ =	strace $0xD0000000  }
0x3: {  	_ = 	snop  }
0x4: {  	_ = 	snop  }
0x5: {  	_ = 	snop  }
0x6: {  	_ = 	snop  }
0x7: {  	_ = 	snop  }
__scs_overlays_trampoline_lowered:
0x8: {  	[smem:$0x3FAE] =	sst s0  }
0x9: {  	[smem:$0x3FAF] =	sst s1  }
0xa: {  	[smem:$0x3FB0] =	sst s2  }
0xb: {  	[smem:$0x3FB1] =	sst s3  }
0xc: {  	[smem:$0x3FB2] =	sst s4  }
0xd: {  	[smem:$0x3FB3] =	sst s5  }
0xe: {  	[smem:$0x3FB4] =	sst s6  }
0xf: {  	[smem:$0x3FB5] =	sst s7  }
0x10: {  	[smem:$0x3FB6] =	sst s8  }
0x11: {  	[smem:$0x3FB7] =	sst s9;
	s0 =	simm.s32 @!p0 $0x0  }
0x12: {  	s1 =	sld [smem:$0x3F9D];
	s0 =	simm.s32 @p0 $0x1  }
0x13: {  	[smem:$0x3FB8] =	sst s0;
	s0 =	simm.s32 @!p1 $0x0  }
0x14: {  	s2 =	sld [smem:$0x3F9C];
	s0 =	simm.s32 @p1 $0x1  }
0x15: {  	[smem:$0x3FB9] =	sst s0;
	s0 =	simm.s32 @!p2 $0x0  }
0x16: {  	s3 =	sld [smem:$0x3FDB];
	s0 =	simm.s32 @p2 $0x1  }
0x17: {  	s4 =	simm.s32 $0x1BF5;
	[smem:$0x3FBB] =	sst s0  }
0x18: {  	s0 =	sld [smem:$0x3F9E];
	_ =	swait.ge [sflag:s4], $0x0  }
0x19: {  	s7 =	sld [smem:$0x3F9F]  }
0x1a: {  	s8 =	sadd.s32 $0xFFFFE003, lr  }
0x1b: {  	s9 =	sadd.s32 $0xFFFFFEF7, lr;
	s5 =	simm.s32 $0xFFFFFFFF;
	p2 =	slt.u32 s8, $0xFFFFF086  }
0x1c: {  	p1 =	slt.u32 s9, $0xF7A;
	s5 =	simm.s32 @!p2 $0x0  }
0x1d: {  	s5 =	simm.s32 @p1 $0x1;
	p0 =	seq.s32 s7, s2  }
0x1e: {  	s7 =	smul.u32 @!p0 $0xF7A, s2;
	p2 =	seq.s32 @!p0 s5, $0x0  }
0x1f: {  	s9 =	smul.u32 $0xF7A, s1;
	s8 =	simm.s32 @!p0 $0x1BF5;
	p2 =	por !p2, p0  }
0x20: {  	[sflag:s8] =	ssyncset.s32 @!p0 $0xFFFFF086;
	s6 =	sadd.s32 @!p0 s3, s7;
	s7 =	simm.s32 @!p0 $0x108  }
0x21: {  	s3 =	sadd.s32 s3, s9;
	s6 =	sadd.s32 @!p0 $0x88, s6;
	s7 =	simm.s32 @p2 $0x1082  }
0x22: {  	[simem:s7], [sflag:s8] =	dma.local @!p0 [hbm:s6], $0xF7A  }
0x23: {  	s9 =	sor.u32 $0xD0000000, s2;
	s6 =	simm.s32 $0x108;
	_ =	swait.ge @!p0 [sflag:s8], $0x0  }
0x24: {  	s3 =	sadd.s32 $0x88, s3;
	s6 =	simm.s32 @!p1 $0x1082;
	[sflag:s4] =	ssyncset.s32 $0xFFFFF086  }
0x25: {  	[simem:s6], [sflag:s4] =	dma.local [hbm:s3], $0xF7A  }
0x26: {  	[smem:$0x3F9F] =	sst s1;
	(tag) =	ssettag s2;
	_ =	strace s9  }
0x27: {  	s1 =	sld [smem:$0x3FAF]  }
0x28: {  	s2 =	sld [smem:$0x3FB0]  }
0x29: {  	s4 =	sld [smem:$0x3FB2]  }
0x2a: {  	p0 =	seq.s32 s5, $0x0;
	s5 =	sld [smem:$0x3FB3]  }
0x2b: {  	s6 =	sld [smem:$0x3FB4]  }
0x2c: {  	s7 =	sld [smem:$0x3FB5]  }
0x2d: {  	s3 =	simm.s32 $0x108;
	s8 =	sld [smem:$0x3FB6]  }
0x2e: {  	s3 =	simm.s32 @!p0 $0x1082;
	s9 =	sld [smem:$0x3FB7]  }
0x2f: {  	lr =	sadd.s32 s0, s3;
	s0 =	sld [smem:$0x3FAE]  }
0x30: {  	s3 =	sld [smem:$0x3FB1]  }
0x31: {  	[smem:$0x3FBA] =	sst s10  }
0x32: {  	s10 =	sld [smem:$0x3FB8];
	_ =	sdelay $0x3  }
0x33: {  	p0 =	seq.s32 s10, $0x1;
	s10 =	sld [smem:$0x3FBA];
	_ =	sdelay $0x3  }
0x34: {  	[smem:$0x3FBA] =	sst s10  }
0x35: {  	s10 =	sld [smem:$0x3FB9];
	_ =	sdelay $0x3  }
0x36: {  	p1 =	seq.s32 s10, $0x1;
	s10 =	sld [smem:$0x3FBA];
	_ =	sdelay $0x3  }
0x37: {  	[smem:$0x3FBA] =	sst s10  }
0x38: {  	s10 =	sld [smem:$0x3FBB]  }
0x39: {  	_ = 	snop;
	(pc) =	sbr.ind lr, $3  }
0x3a: {  	_ = 	snop  }
0x3b: {  	_ = 	snop  }
0x3c: {  	p2 =	seq.s32 s10, $0x1;
	s10 =	sld [smem:$0x3FBA]  }
0x3d: {  	_ =	shalt  }
0x3e: {  	_ =	shalt  }
0x3f: {  	_ =	shalt  }
0x40: {  	_ =	shalt  }
0x41: {  	_ =	shalt  }
0x42: {  	_ =	shalt  }
0x43: {  	_ =	shalt  }
0x44: {  	_ =	shalt  }
0x45: {  	_ =	shalt  }
0x46: {  	_ =	shalt  }
0x47: {  	_ =	shalt  }
0x48: {  	_ =	shalt  }
0x49: {  	_ =	shalt  }
0x4a: {  	_ =	shalt  }
0x4b: {  	_ =	shalt  }
0x4c: {  	_ =	shalt  }
0x4d: {  	_ =	shalt  }
0x4e: {  	_ =	shalt  }
0x4f: {  	_ =	shalt  }
0x50: {  	_ =	shalt  }
0x51: {  	_ =	shalt  }
0x52: {  	_ =	shalt  }
0x53: {  	_ =	shalt  }
0x54: {  	_ =	shalt  }
0x55: {  	_ =	shalt  }
0x56: {  	_ =	shalt  }
0x57: {  	_ =	shalt  }
0x58: {  	_ =	shalt  }
0x59: {  	_ =	shalt  }
0x5a: {  	_ =	shalt  }
0x5b: {  	_ =	shalt  }
0x5c: {  	_ =	shalt  }
0x5d: {  	_ =	shalt  }
0x5e: {  	_ =	shalt  }
0x5f: {  	_ =	shalt  }
0x60: {  	_ =	shalt  }
0x61: {  	_ =	shalt  }
0x62: {  	_ =	shalt  }
0x63: {  	_ =	shalt  }
0x64: {  	_ =	shalt  }
0x65: {  	_ =	shalt  }
0x66: {  	_ =	shalt  }
0x67: {  	_ =	shalt  }
0x68: {  	_ =	shalt  }
0x69: {  	_ =	shalt  }
0x6a: {  	_ =	shalt  }
0x6b: {  	_ =	shalt  }
0x6c: {  	_ =	shalt  }
0x6d: {  	_ =	shalt  }
0x6e: {  	_ =	shalt  }
0x6f: {  	_ =	shalt  }
0x70: {  	_ =	shalt  }
0x71: {  	_ =	shalt  }
0x72: {  	_ =	shalt  }
0x73: {  	_ =	shalt  }
0x74: {  	_ =	shalt  }
0x75: {  	_ =	shalt  }
0x76: {  	_ =	shalt  }
0x77: {  	_ =	shalt  }
0x78: {  	_ =	shalt  }
0x79: {  	_ =	shalt  }
0x7a: {  	_ =	shalt  }
0x7b: {  	_ =	shalt  }
0x7c: {  	_ =	shalt  }
0x7d: {  	_ =	shalt  }
0x7e: {  	_ =	shalt  }
0x7f: {  	_ =	shalt  }
0x80: {  	_ =	shalt  }
0x81: {  	_ =	shalt  }
0x82: {  	_ =	shalt  }
0x83: {  	_ =	shalt  }
0x84: {  	_ =	shalt  }
0x85: {  	_ =	shalt  }
0x86: {  	_ =	shalt  }
0x87: {  	_ =	shalt  }
.Lfunc_end0:
.L_simem_size_0:
called_computation_lowered:
.L_overlay_start_0:
0x88: {  	s2 =	sld [smem:$0x3FD9]  }
0x89: {  	s3 =	sld [smem:$0x3FFE];
	_ =	sdelay $0x1  }
0x8a: {  	s1 =	srdreg.scid  }
0x8b: {  	s0 =	sand.u32 $0x1, s1  }
0x8c: {  	s17 =	sshll.u32 s0, $0xA;
	s2 =	sadd.s32 s3, s2  }
0x8d: {  	s2 =	sadd.s32 s2, s17  }
0x8e: {  	[smem:$0x3FC6] =	sst s2  }
0x8f: {  	_ = 	snop  }
0x90: {  	s2 =	sld [smem:$0x3FD0];
	(tm) =	ssettm $0x1  }
0x91: {  	s18 =	sld [smem:$0x3FFB];
	_ =	sdelay $0x3  }
0x92: {  	_ =	strace s18  }
0x93: {  	s3 =	sld [smem:$0x3FFC];
	_ =	sdelay $0x3  }
0x94: {  	_ =	strace s3  }
0x95: {  	s3 =	sld [smem:$0x3FFD];
	_ =	sdelay $0x3  }
0x96: {  	_ =	strace s3  }
0x97: {  	_ =	strace $0x8FFFFFFF  }
0x98: {  	s19 =	sld [smem:$0x3FDB];
	_ =	sdelay $0x1  }
0x99: {  	s4 =	simm.s32 $_scs_section_size  }
0x9a: {  	s5 =	simm.s32 $_size__tile_overlayer_lowered;
	s6 =	simm.s32 $_tile_overlayer_lowered  }
0x9b: {  	s22 =	simm.s32 $0x1BFF;
	s21 =	sshll.u32 s6, $0x1;
	s3 =	sadd.s32 s4, s19  }
0x9c: {  	s7 =	simm.s32 $0x0;
	s20 =	sshll.u32 s5, $0x1;
	s5 =	sadd.s32 s21, s3  }
0x9d: {  	[timem:s7], [sflag:s22] =	dma.local [hbm:s5], s20  }
0x9e: {  	_ =	swait.ge [sflag:s22], s20  }
0x9f: {  	s4 =	ssub.s32 $0x0, s20;
	[sflag:s22] =	ssyncset.done $0x0  }
0xa0: {  	[sflag:s22] =	ssyncadd.s32 s4;
	_ =	sdelay $0x1  }
0xa1: {  	s23 =	simm.s32 $0x1B8B  }
0xa2: {  	_ =	swait.ge [sflag:s23], $0x1  }
0xa3: {  	[sflag:s23] =	ssyncset.done $0x0  }
0xa4: {  	s25 =	simm.s32 $0x1B8E;
	s24 =	sld [smem:$0x3FFE];
	[sflag:s23] =	ssyncadd.s32 $0xFFFFFFFF  }
0xa5: {  	s26 =	simm.s32 $execute0_lowered;
	[smem:$0x3FD2] =	sst s25  }
0xa6: {  	s5 =	sshll.u32 s26, $0x1;
	_ =	strace $0x80000046;
	[dreg:$0x1] =	wrdreg $0xFFFFFFFF  }
0xa7: {  	s28 =	simm.s32 $_size_execute0_lowered;
	s3 =	sadd.s32 s3, s5;
	[dreg:$0x0] =	wrdreg $0x0  }
0xa8: {  	s5 =	sshll.u32 s28, $0x1;
	[dreg:$0x2] =	wrdreg s3  }
0xa9: {  	[dreg:$0x3] =	wrdreg s5  }
0xaa: {  	[dreg:$0x4] =	wrdreg $0xC0  }
0xab: {  	_ =	task [dreg:s7], $0x5FFFF  }
0xac: {  	[dreg:$0x1] =	wrdreg $0xFFFFFFFF  }
0xad: {  	[dreg:$0x0] =	wrdreg $0x60  }
0xae: {  	[dreg:$0x2] =	wrdreg s24  }
0xaf: {  	[dreg:$0x3] =	wrdreg s2  }
0xb0: {  	[dreg:$0x4] =	wrdreg $0x9  }
0xb1: {  	_ =	task.clear_ibuf [dreg:s7], $0x5FFFF;
	_ =	strace $0x90000046  }
0xb2: {  	s29 =	simm.s32 $0x9;
	_ =	strace $0x80000048  }
0xb3: {  	_ =	swait.ge [sflag:s29], $0x1  }
0xb4: {  	[sflag:s29] =	ssyncadd.s32 $0xFFFFFFFF  }
0xb5: {  	_ =	strace $0x90000048  }
0xb6: {  	_ =	sfence  }
0xb7: {  	s30 =	sld [smem:$0x0];
	_ =	sdelay $0x2  }
0xb8: {  	s31 =	sshll.u32 s1, $0xD;
	s1 =	sshrl.u32 s1, $0x2  }
0xb9: {  	s3 =	sand.u32 $0x4000, s31;
	s1 =	sadd.s32 s1, s30  }
0xba: {  	s0 =	sor.u32 s3, s0;
	s1 =	sshll.u32 s1, $0x11  }
0xbb: {  	s0 =	sor.u32 s1, s0  }
0xbc: {  	s0 =	sadd.s32 $0x8F2B, s0  }
0xbd: {  	[sflag:s0] =	ssyncadd.remote.s32 $0x1  }
0xbe: {  	_ =	sfence.sel $0xFFFF  }
0xbf: {  	[dreg:$0x0] =	wrdreg $0xFFFFFFFF;
	(pc) =	sbr.abs _section_cstart, $3  }
0xc0: {  	[dreg:$0x1] =	wrdreg $0xFFFFFFFF  }
0xc1: {  	_ =	task.clear_ibuf [dreg:s7], $0x2FFFF;
	_ =	strace $0x9FFFFFFF  }
0xc2: {  	(tm) =	ssettm $0x7FFFFFFF  }
0xc3: {  	_ =	shalt  }
tec
execute0_lowered:
.L_overlay_start_1:
0x0: {  	(tag) =	ssettag $0x1  }
0x1: {  	s0 =	rddreg [dreg:$0x0]  }
0x2: {  	s1 =	rddreg [dreg:$0x1];
	s3 =	simm.s32 $0x0;
	s2 =	srdreg.scid  }
0x3: {  	s4 =	stileid.u32;
	s12 =	simm.s32 $0x100;
	s13 =	simm.s32 $0x1  }
0x4: {  	s14 =	simm.s32 $0x200;
	s15 =	simm.s32 $0x3;
	s16 =	simm.s32 $0x400  }
0x5: {  	s17 =	simm.s32 $0x20000;
	s18 =	simm.s32 $0x8200;
	s19 =	simm.s32 $0xA200  }
0x6: {  	s20 =	simm.s32 $0x2;
	s21 =	simm.s32 $0x4200;
	s22 =	simm.s32 $0x4  }
0x7: {  	v0 =	vlaneseq.u32;
	s23 =	simm.s32 $0xC200;
	s24 =	simm.s32 $0xE200;
	s25 =	simm.s32 $0x5  }
0x8: {  	s26 =	simm.s32 $0x6;
	s28 =	simm.s32 $0x0;
	[smem:$0x7FF] =	sst s3;
	v0 =	vmul.u32 $0x11, v0  }
0x9: {  	s2 =	sand.u32 $0x1, s2;
	s5 =	sshll.u32 s4, $0x1;
	s4 =	sadd.s32 $0x600, s0  }
.Ltmp0:
0xa: {  	_ =	strace $0x80000047;
	s6 =	ssub.s32 $0x2, s2;
	v1 =	vadd.s32 $0x1, v0;
	v2 =	vadd.s32 $0x2, v0;
	v3 =	vadd.s32 $0x3, v0;
	(pc) =	sbr.rel .LBB2_1-.Ltmp0, $4  }
0xb: {  	s2 =	sor.u32 s2, s5;
	s5 =	sadd.s32 $0xF42A00, s0;
	s31 =	sshrl.u32 s6, $0x1;
	v4 =	vadd.s32 $0x4, v0;
	v5 =	vadd.s32 $0x5, v0;
	v6 =	vadd.s32 $0x6, v0  }
0xc: {  	s7 =	sshll.u32 s2, $0x6;
	s10 =	sshll.u32 s2, $0x9;
	v7 =	vadd.s32 $0x7, v0;
	v8 =	vadd.s32 $0x8, v0;
	v9 =	vadd.s32 $0x9, v0;
	s0 =	ssub.s32 s6, s31  }
0xd: {  	v10 =	vadd.s32 $0xA, v0;
	v11 =	vadd.s32 $0xB, v0;
	v12 =	vadd.s32 $0xC, v0;
	s6 =	sadd.s32 s4, s7;
	s7 =	sshll.u32 s2, $0xC;
	s9 =	sor.u32 $0x4000, s10  }
0xe: {  	v13 =	vadd.s32 $0xD, v0;
	v14 =	vadd.s32 $0xE, v0;
	v15 =	vadd.s32 $0xF, v0;
	s10 =	sor.u32 $0x4100, s10;
	s8 =	sadd.s32 $0x20, s6;
	s11 =	smax.u32 s0, $0x1  }
.LBB2_11:
0xf: {  	_ =	swait.ge [sflag:s25], $0x2000  }
0x10: {  	[sflag:s25] =	ssyncset.done $0x0  }
0x11: {  	[sflag:s25] =	ssyncadd.s32 $0xFFFFE000  }
0x12: {  	_ =	swait.ge [sflag:s25], $0x2000  }
0x13: {  	[sflag:s25] =	ssyncset.done $0x0  }
0x14: {  	s28 =	sadd.s32 $0x1, s28;
	[sflag:s25] =	ssyncadd.s32 $0xFFFFE000  }
0x15: {  	p0 =	sne.s32 s28, s11;
	_ =	swait.ge [sflag:s26], $0x2000  }
.Ltmp1:
0x16: {  	[sflag:s26] =	ssyncset.done $0x0;
	(pc) =	sbr.rel @!p0 .LBB2_12-.Ltmp1, $4  }
0x17: {  	[sflag:s26] =	ssyncadd.s32 $0xFFFFE000  }
0x18: {  	_ =	swait.ge [sflag:s26], $0x2000  }
0x19: {  	[sflag:s26] =	ssyncset.done $0x0  }
0x1a: {  	[sflag:s26] =	ssyncadd.s32 $0xFFFFE000  }
.LBB2_1:
0x1b: {  	[tilespmem:s3], [sflag:$0x1] =	stream.linear.gather [hbm4b:s6+s3], $0x100, $0x38;
	[tilespmem:$0x14600] =	vst v63  }
0x1c: {  	_ = 	snop  }
0x1d: {  	[tilespmem:s12], [sflag:$0x2] =	stream.linear.gather [hbm4b:s8+s3], $0x100, $0x38;
	[tilespmem:$0x14600] =	vst v63  }
0x1e: {  	_ =	swait.ge [sflag:s13], $0x100  }
0x1f: {  	[sflag:s13] =	ssyncset.done $0x0  }
0x20: {  	s29 =	simm.s32 $0x0;
	[sflag:s13] =	ssyncadd.s32 $0xFFFFFF00  }
0x21: {  	[tilespmem:s14], [sflag:$0x3] =	stream.indirect.gather [hbm4b:s5+s12], $0x40, s3, s12, $0xb8;
	[tilespmem:$0x14600] =	vst v63  }
.LBB2_2:
0x22: {  	p0 =	seq.s32 s29, $0x31  }
0x23: {  	p1 =	seq.s32 @!p0 s29, $0x0  }
0x24: {  	p1 =	por p0, !p1  }
.Ltmp2:
0x25: {  	s30 =	sshll.u32 @!p0 s29, $0xE;
	(pc) =	sbr.rel @!p1 .LBB2_3-.Ltmp2, $4  }
0x26: {  	_ =	swait.ge [sflag:s15], $0x4000;
	s0 =	sadd.s32 @!p0 s9, s30  }
0x27: {  	[sflag:s15] =	ssyncset.done $0x0;
	s0 =	sshrl.u32 @!p0 s0, $0x3  }
0x28: {  	s2 =	simm.s32 @!p0 $0x0;
	[sflag:s15] =	ssyncadd.s32 $0xFFFFC000;
	s0 =	sadd.s32 @!p0 s4, s0  }
0x29: {  	[tilespmem:s2], [sflag:$0x1] =	stream.linear.gather @!p0 [hbm4b:s0+s2], $0x100, $0x38;
	[tilespmem:$0x14600] =	vst v63  }
0x2a: {  	_ =	swait.ge [sflag:s25], $0x2000  }
.Ltmp3:
0x2b: {  	[sflag:s25] =	ssyncset.done $0x0;
	(pc) =	sbr.rel .LBB2_5-.Ltmp3, $4  }
0x2c: {  	[sflag:s25] =	ssyncadd.s32 $0xFFFFE000  }
0x2d: {  	_ =	swait.ge [sflag:s25], $0x2000  }
0x2e: {  	[sflag:s25] =	ssyncset.done $0x0  }
0x2f: {  	p1 =	por $0x0, $0x0;
	[sflag:s25] =	ssyncadd.s32 $0xFFFFE000  }
.LBB2_3:
0x30: {  	p1 =	por @!p0 $0x1, $0x1  }
.LBB2_5:
0x31: {  	s31 =	simm.s32 $0x0  }
.LBB2_6:
0x32: {  	v16 =	vld [tilespmem:s31+$0x200];
	_ =	sdelay $0x1  }
0x33: {  	s0 =	smul.u32 $0x440, s31;
	_ =	sdelay $0x1  }
0x34: {  	s0 =	sshra.s32 s0, $0x2  }
0x35: {  	[tilespmem:s0+$0x10200] =	vst v16  }
0x36: {  	v16 =	vld [tilespmem:s31+$0x240];
	_ =	sdelay $0x4  }
0x37: {  	[tilespmem:s0+$0x10211] =	vst v16  }
0x38: {  	v16 =	vld [tilespmem:s31+$0x280];
	_ =	sdelay $0x4  }
0x39: {  	[tilespmem:s0+$0x10222] =	vst v16  }
0x3a: {  	v16 =	vld [tilespmem:s31+$0x2C0];
	_ =	sdelay $0x4  }
0x3b: {  	[tilespmem:s0+$0x10233] =	vst v16  }
0x3c: {  	v16 =	vld [tilespmem:s31+$0x300];
	_ =	sdelay $0x4  }
0x3d: {  	[tilespmem:s0+$0x10244] =	vst v16  }
0x3e: {  	v16 =	vld [tilespmem:s31+$0x340];
	_ =	sdelay $0x4  }
0x3f: {  	[tilespmem:s0+$0x10255] =	vst v16  }
0x40: {  	v16 =	vld [tilespmem:s31+$0x380];
	_ =	sdelay $0x4  }
0x41: {  	[tilespmem:s0+$0x10266] =	vst v16  }
0x42: {  	v16 =	vld [tilespmem:s31+$0x3C0];
	_ =	sdelay $0x4  }
0x43: {  	[tilespmem:s0+$0x10277] =	vst v16  }
0x44: {  	v16 =	vld [tilespmem:s31+$0x400];
	_ =	sdelay $0x4  }
0x45: {  	[tilespmem:s0+$0x10288] =	vst v16  }
0x46: {  	v16 =	vld [tilespmem:s31+$0x440];
	_ =	sdelay $0x4  }
0x47: {  	[tilespmem:s0+$0x10299] =	vst v16  }
0x48: {  	v16 =	vld [tilespmem:s31+$0x480];
	_ =	sdelay $0x4  }
0x49: {  	[tilespmem:s0+$0x102AA] =	vst v16  }
0x4a: {  	v16 =	vld [tilespmem:s31+$0x4C0];
	_ =	sdelay $0x4  }
0x4b: {  	[tilespmem:s0+$0x102BB] =	vst v16  }
0x4c: {  	v16 =	vld [tilespmem:s31+$0x500]  }
0x4d: {  	v17 =	vld [tilespmem:s31+$0x600]  }
0x4e: {  	v19 =	vld [tilespmem:s31+$0xA00]  }
0x4f: {  	v30 =	vld [tilespmem:s31+$0xE00]  }
0x50: {  	v20 =	vld [tilespmem:s31+$0x1200]  }
0x51: {  	v31 =	vld [tilespmem:s31+$0x1600]  }
0x52: {  	v32 =	vld [tilespmem:s31+$0x1A00];
	[tilespmem:s0+$0x10310] =	vst v17  }
0x53: {  	v33 =	vld [tilespmem:s31+$0x1E00];
	[tilespmem:s0+$0x102CC] =	vst v16  }
0x54: {  	[tilespmem:s0+$0x10420] =	vst v19;
	v17 =	vld [tilespmem:s31+$0x640]  }
0x55: {  	[tilespmem:s0+$0x10530] =	vst v30;
	v16 =	vld [tilespmem:s31+$0x540]  }
0x56: {  	[tilespmem:s0+$0x10640] =	vst v20;
	v21 =	vld [tilespmem:s31+$0xA40]  }
0x57: {  	[tilespmem:s0+$0x10750] =	vst v31;
	v22 =	vld [tilespmem:s31+$0xE40]  }
0x58: {  	[tilespmem:s0+$0x10860] =	vst v32;
	v34 =	vld [tilespmem:s31+$0x1240]  }
0x59: {  	[tilespmem:s0+$0x10970] =	vst v33;
	v35 =	vld [tilespmem:s31+$0x1640]  }
0x5a: {  	v37 =	vld [tilespmem:s31+$0x1A40];
	[tilespmem:s0+$0x10321] =	vst v17  }
0x5b: {  	v39 =	vld [tilespmem:s31+$0x1E40];
	[tilespmem:s0+$0x102DD] =	vst v16  }
0x5c: {  	[tilespmem:s0+$0x10431] =	vst v21;
	v17 =	vld [tilespmem:s31+$0x680]  }
0x5d: {  	[tilespmem:s0+$0x10541] =	vst v22;
	v16 =	vld [tilespmem:s31+$0x580]  }
0x5e: {  	[tilespmem:s0+$0x10651] =	vst v34;
	v36 =	vld [tilespmem:s31+$0xA80]  }
0x5f: {  	[tilespmem:s0+$0x10761] =	vst v35;
	v38 =	vld [tilespmem:s31+$0xE80]  }
0x60: {  	[tilespmem:s0+$0x10871] =	vst v37;
	v40 =	vld [tilespmem:s31+$0x1280]  }
0x61: {  	[tilespmem:s0+$0x10981] =	vst v39;
	v41 =	vld [tilespmem:s31+$0x1680]  }
0x62: {  	v43 =	vld [tilespmem:s31+$0x1A80];
	[tilespmem:s0+$0x10332] =	vst v17  }
0x63: {  	v45 =	vld [tilespmem:s31+$0x1E80];
	[tilespmem:s0+$0x102EE] =	vst v16  }
0x64: {  	[tilespmem:s0+$0x10442] =	vst v36;
	v17 =	vld [tilespmem:s31+$0x6C0]  }
0x65: {  	[tilespmem:s0+$0x10552] =	vst v38;
	v16 =	vld [tilespmem:s31+$0x5C0]  }
0x66: {  	[tilespmem:s0+$0x10662] =	vst v40;
	v42 =	vld [tilespmem:s31+$0xAC0]  }
0x67: {  	[tilespmem:s0+$0x10772] =	vst v41;
	v44 =	vld [tilespmem:s31+$0xEC0]  }
0x68: {  	[tilespmem:s0+$0x10882] =	vst v43;
	v46 =	vld [tilespmem:s31+$0x12C0]  }
0x69: {  	[tilespmem:s0+$0x10992] =	vst v45;
	v47 =	vld [tilespmem:s31+$0x16C0]  }
0x6a: {  	v49 =	vld [tilespmem:s31+$0x1AC0];
	[tilespmem:s0+$0x10343] =	vst v17  }
0x6b: {  	v51 =	vld [tilespmem:s31+$0x1EC0];
	[tilespmem:s0+$0x102FF] =	vst v16  }
0x6c: {  	[tilespmem:s0+$0x10453] =	vst v42;
	v17 =	vld [tilespmem:s31+$0x700]  }
0x6d: {  	[tilespmem:s0+$0x10563] =	vst v44;
	v16 =	vld.idx.msk [tilespmem:v0+s0+$0x10200], $0xffff  }
0x6e: {  	[tilespmem:s0+$0x10673] =	vst v46;
	v48 =	vld [tilespmem:s31+$0xB00]  }
0x6f: {  	[tilespmem:s0+$0x10783] =	vst v47;
	v50 =	vld [tilespmem:s31+$0xF00]  }
0x70: {  	[tilespmem:s0+$0x10893] =	vst v49;
	v52 =	vld [tilespmem:s31+$0x1300]  }
0x71: {  	[tilespmem:s0+$0x109A3] =	vst v51;
	v53 =	vld [tilespmem:s31+$0x1700]  }
0x72: {  	v55 =	vld [tilespmem:s31+$0x1B00];
	[tilespmem:s0+$0x10354] =	vst v17  }
0x73: {  	v57 =	vld [tilespmem:s31+$0x1F00];
	[tilespmem:s0+$0x10464] =	vst v48  }
0x74: {  	[tilespmem:s0+$0x10574] =	vst v50;
	v17 =	vld [tilespmem:s31+$0x740]  }
0x75: {  	[tilespmem:s0+$0x10684] =	vst v52;
	v54 =	vld [tilespmem:s31+$0xB40]  }
0x76: {  	[tilespmem:s0+$0x10794] =	vst v53;
	v56 =	vld [tilespmem:s31+$0xF40]  }
0x77: {  	s2 =	sshll.u32 s31, $0x7;
	v16 =	vmul.f32 $8.000000000e+00, v16;
	[tilespmem:s0+$0x108A4] =	vst v55;
	v58 =	vld [tilespmem:s31+$0x1340]  }
0x78: {  	s2 =	sand.u32 $0x3FFFFF80, s2;
	[tilespmem:s0+$0x109B4] =	vst v57;
	v59 =	vld [tilespmem:s31+$0x1740]  }
0x79: {  	v61 =	vld [tilespmem:s31+$0x1B40];
	[tilespmem:s2+$0x8200] =	vst v16  }
0x7a: {  	v16 =	vld.idx.msk [tilespmem:v1+s0+$0x10200], $0xffff;
	[tilespmem:s0+$0x10365] =	vst v17  }
0x7b: {  	v63 =	vld [tilespmem:s31+$0x1F40];
	[tilespmem:s0+$0x10475] =	vst v54  }
0x7c: {  	[tilespmem:s0+$0x10585] =	vst v56;
	v17 =	vld [tilespmem:s31+$0x780]  }
0x7d: {  	[tilespmem:s0+$0x10695] =	vst v58;
	v60 =	vld [tilespmem:s31+$0xB80]  }
0x7e: {  	[tilespmem:s0+$0x107A5] =	vst v59;
	v62 =	vld [tilespmem:s31+$0xF80]  }
0x7f: {  	[tilespmem:s0+$0x108B5] =	vst v61;
	v24 =	vld [tilespmem:s31+$0x1380];
	v16 =	vmul.f32 $8.000000000e+00, v16  }
0x80: {  	[tilespmem:s0+$0x109C5] =	vst v63;
	v25 =	vld [tilespmem:s31+$0x1780]  }
0x81: {  	v27 =	vld [tilespmem:s31+$0x1B80];
	[tilespmem:s2+$0x8280] =	vst v16  }
0x82: {  	v29 =	vld [tilespmem:s31+$0x1F80];
	[tilespmem:s0+$0x10376] =	vst v17  }
0x83: {  	v16 =	vld.idx.msk [tilespmem:v2+s0+$0x10200], $0xffff;
	[tilespmem:s0+$0x10486] =	vst v60  }
0x84: {  	[tilespmem:s0+$0x10596] =	vst v62;
	v17 =	vld [tilespmem:s31+$0x7C0]  }
0x85: {  	[tilespmem:s0+$0x106A6] =	vst v24;
	v26 =	vld [tilespmem:s31+$0xBC0]  }
0x86: {  	[tilespmem:s0+$0x107B6] =	vst v25;
	v28 =	vld [tilespmem:s31+$0xFC0]  }
0x87: {  	[tilespmem:s0+$0x108C6] =	vst v27;
	v30 =	vld [tilespmem:s31+$0x13C0]  }
0x88: {  	[tilespmem:s0+$0x109D6] =	vst v29;
	v31 =	vld [tilespmem:s31+$0x17C0];
	v16 =	vmul.f32 $8.000000000e+00, v16  }
0x89: {  	v33 =	vld [tilespmem:s31+$0x1BC0];
	[tilespmem:s0+$0x10387] =	vst v17  }
0x8a: {  	v35 =	vld [tilespmem:s31+$0x1FC0];
	[tilespmem:s2+$0x8300] =	vst v16  }
0x8b: {  	[tilespmem:s0+$0x10497] =	vst v26;
	v17 =	vld [tilespmem:s31+$0x800]  }
0x8c: {  	[tilespmem:s0+$0x105A7] =	vst v28;
	v32 =	vld [tilespmem:s31+$0xC00]  }
0x8d: {  	[tilespmem:s0+$0x106B7] =	vst v30;
	v34 =	vld [tilespmem:s31+$0x1000]  }
0x8e: {  	[tilespmem:s0+$0x107C7] =	vst v31;
	v36 =	vld [tilespmem:s31+$0x1400]  }
0x8f: {  	[tilespmem:s0+$0x108D7] =	vst v33;
	v37 =	vld [tilespmem:s31+$0x1800]  }
0x90: {  	[tilespmem:s0+$0x109E7] =	vst v35;
	v39 =	vld [tilespmem:s31+$0x1C00]  }
0x91: {  	v41 =	vld [tilespmem:s31+$0x2000];
	[tilespmem:s0+$0x10398] =	vst v17  }
0x92: {  	[tilespmem:s0+$0x104A8] =	vst v32;
	v17 =	vld [tilespmem:s31+$0x840]  }
0x93: {  	[tilespmem:s0+$0x105B8] =	vst v34;
	v38 =	vld [tilespmem:s31+$0xC40]  }
0x94: {  	[tilespmem:s0+$0x106C8] =	vst v36;
	v40 =	vld [tilespmem:s31+$0x1040]  }
0x95: {  	[tilespmem:s0+$0x107D8] =	vst v37;
	v42 =	vld [tilespmem:s31+$0x1440]  }
0x96: {  	[tilespmem:s0+$0x108E8] =	vst v39;
	v43 =	vld [tilespmem:s31+$0x1840]  }
0x97: {  	[tilespmem:s0+$0x109F8] =	vst v41;
	v45 =	vld [tilespmem:s31+$0x1C40]  }
0x98: {  	v47 =	vld [tilespmem:s31+$0x2040];
	[tilespmem:s0+$0x103A9] =	vst v17  }
0x99: {  	[tilespmem:s0+$0x104B9] =	vst v38;
	v17 =	vld [tilespmem:s31+$0x880]  }
0x9a: {  	[tilespmem:s0+$0x105C9] =	vst v40;
	v44 =	vld [tilespmem:s31+$0xC80]  }
0x9b: {  	[tilespmem:s0+$0x106D9] =	vst v42;
	v46 =	vld [tilespmem:s31+$0x1080]  }
0x9c: {  	[tilespmem:s0+$0x107E9] =	vst v43;
	v48 =	vld [tilespmem:s31+$0x1480]  }
0x9d: {  	[tilespmem:s0+$0x108F9] =	vst v45;
	v49 =	vld [tilespmem:s31+$0x1880]  }
0x9e: {  	[tilespmem:s0+$0x10A09] =	vst v47;
	v51 =	vld [tilespmem:s31+$0x1C80]  }
0x9f: {  	v53 =	vld [tilespmem:s31+$0x2080];
	[tilespmem:s0+$0x103BA] =	vst v17  }
0xa0: {  	[tilespmem:s0+$0x104CA] =	vst v44;
	v17 =	vld [tilespmem:s31+$0x8C0]  }
0xa1: {  	[tilespmem:s0+$0x105DA] =	vst v46;
	v50 =	vld [tilespmem:s31+$0xCC0]  }
0xa2: {  	[tilespmem:s0+$0x106EA] =	vst v48;
	v52 =	vld [tilespmem:s31+$0x10C0]  }
0xa3: {  	[tilespmem:s0+$0x107FA] =	vst v49;
	v54 =	vld [tilespmem:s31+$0x14C0]  }
0xa4: {  	[tilespmem:s0+$0x1090A] =	vst v51;
	v55 =	vld [tilespmem:s31+$0x18C0]  }
0xa5: {  	[tilespmem:s0+$0x10A1A] =	vst v53;
	v57 =	vld [tilespmem:s31+$0x1CC0]  }
0xa6: {  	v59 =	vld [tilespmem:s31+$0x20C0];
	[tilespmem:s0+$0x103CB] =	vst v17  }
0xa7: {  	[tilespmem:s0+$0x104DB] =	vst v50;
	v17 =	vld [tilespmem:s31+$0x900]  }
0xa8: {  	[tilespmem:s0+$0x105EB] =	vst v52;
	v56 =	vld [tilespmem:s31+$0xD00]  }
0xa9: {  	[tilespmem:s0+$0x106FB] =	vst v54;
	v58 =	vld [tilespmem:s31+$0x1100]  }
0xaa: {  	[tilespmem:s0+$0x1080B] =	vst v55;
	v60 =	vld [tilespmem:s31+$0x1500]  }
0xab: {  	[tilespmem:s0+$0x1091B] =	vst v57;
	v61 =	vld [tilespmem:s31+$0x1900]  }
0xac: {  	[tilespmem:s0+$0x10A2B] =	vst v59;
	v63 =	vld [tilespmem:s31+$0x1D00]  }
0xad: {  	v25 =	vld [tilespmem:s31+$0x2100];
	[tilespmem:s0+$0x103DC] =	vst v17  }
0xae: {  	[tilespmem:s0+$0x104EC] =	vst v56;
	v17 =	vld [tilespmem:s31+$0x940]  }
0xaf: {  	[tilespmem:s0+$0x105FC] =	vst v58;
	v62 =	vld [tilespmem:s31+$0xD40]  }
0xb0: {  	[tilespmem:s0+$0x1070C] =	vst v60;
	v24 =	vld [tilespmem:s31+$0x1140]  }
0xb1: {  	[tilespmem:s0+$0x1081C] =	vst v61;
	v26 =	vld [tilespmem:s31+$0x1540]  }
0xb2: {  	[tilespmem:s0+$0x1092C] =	vst v63;
	v27 =	vld [tilespmem:s31+$0x1940]  }
0xb3: {  	[tilespmem:s0+$0x10A3C] =	vst v25;
	v29 =	vld [tilespmem:s31+$0x1D40]  }
0xb4: {  	v31 =	vld [tilespmem:s31+$0x2140];
	[tilespmem:s0+$0x103ED] =	vst v17  }
0xb5: {  	[tilespmem:s0+$0x104FD] =	vst v62;
	v17 =	vld [tilespmem:s31+$0x980]  }
0xb6: {  	[tilespmem:s0+$0x1060D] =	vst v24;
	v28 =	vld [tilespmem:s31+$0xD80]  }
0xb7: {  	[tilespmem:s0+$0x1082D] =	vst v27;
	v30 =	vld [tilespmem:s31+$0x1180]  }
0xb8: {  	[tilespmem:s0+$0x1093D] =	vst v29;
	v33 =	vld [tilespmem:s31+$0x1980]  }
0xb9: {  	[tilespmem:s0+$0x1071D] =	vst v26;
	v35 =	vld [tilespmem:s31+$0x1D80]  }
0xba: {  	[tilespmem:s0+$0x10A4D] =	vst v31;
	v32 =	vld [tilespmem:s31+$0x1580]  }
0xbb: {  	v37 =	vld [tilespmem:s31+$0x2180];
	[tilespmem:s0+$0x103FE] =	vst v17  }
0xbc: {  	v17 =	vld.idx.msk [tilespmem:v3+s0+$0x10200], $0xffff;
	[tilespmem:s0+$0x1050E] =	vst v28  }
0xbd: {  	[tilespmem:s0+$0x1083E] =	vst v33;
	v18 =	vld [tilespmem:s31+$0x9C0]  }
0xbe: {  	[tilespmem:s0+$0x1094E] =	vst v35;
	v39 =	vld [tilespmem:s31+$0x19C0]  }
0xbf: {  	[tilespmem:s0+$0x1061E] =	vst v30;
	v41 =	vld [tilespmem:s31+$0x1DC0]  }
0xc0: {  	[tilespmem:s0+$0x10A5E] =	vst v37;
	v34 =	vld [tilespmem:s31+$0xDC0]  }
0xc1: {  	[tilespmem:s0+$0x1072E] =	vst v32;
	v43 =	vld [tilespmem:s31+$0x21C0]  }
0xc2: {  	v36 =	vld [tilespmem:s31+$0x11C0];
	[tilespmem:s0+$0x1040F] =	vst v18  }
0xc3: {  	v38 =	vld [tilespmem:s31+$0x15C0];
	v17 =	vmul.f32 $8.000000000e+00, v17;
	[tilespmem:s0+$0x1084F] =	vst v39  }
0xc4: {  	[tilespmem:s0+$0x1095F] =	vst v41;
	v16 =	vld.idx.msk [tilespmem:v0+s0+$0x10310], $0xffff  }
0xc5: {  	[tilespmem:s2+$0x8380] =	vst v17;
	v17 =	vld.idx.msk [tilespmem:v0+s0+$0x10750], $0xffff  }
0xc6: {  	[tilespmem:s0+$0x10A6F] =	vst v43;
	v46 =	vld.idx.msk [tilespmem:v0+s0+$0x10860], $0xffff  }
0xc7: {  	v48 =	vld.idx.msk [tilespmem:v0+s0+$0x10970], $0xffff  }
0xc8: {  	[tilespmem:s0+$0x1051F] =	vst v34;
	v45 =	vld.idx.msk [tilespmem:v4+s0+$0x10200], $0xffff  }
0xc9: {  	[tilespmem:s0+$0x1062F] =	vst v36;
	v40 =	vld.idx.msk [tilespmem:v0+s0+$0x10420], $0xffff;
	v16 =	vmul.f32 $8.000000000e+00, v16  }
0xca: {  	[tilespmem:s0+$0x1073F] =	vst v38;
	v42 =	vld.idx.msk [tilespmem:v0+s0+$0x10530], $0xffff;
	v17 =	vmul.f32 $8.000000000e+00, v17  }
0xcb: {  	v44 =	vld.idx.msk [tilespmem:v0+s0+$0x10640], $0xffff;
	v21 =	vmul.f32 $8.000000000e+00, v46;
	[tilespmem:s2+$0x8210] =	vst v16  }
0xcc: {  	v19 =	vmul.f32 $8.000000000e+00, v48;
	[tilespmem:s2+$0x8250] =	vst v17;
	v47 =	vld.idx.msk [tilespmem:v1+s0+$0x10310], $0xffff  }
0xcd: {  	v18 =	vmul.f32 $8.000000000e+00, v45;
	[tilespmem:s2+$0x8260] =	vst v21;
	v51 =	vld.idx.msk [tilespmem:v1+s0+$0x10750], $0xffff  }
0xce: {  	v16 =	vmul.f32 $8.000000000e+00, v40;
	[tilespmem:s2+$0x8270] =	vst v19;
	v54 =	vld.idx.msk [tilespmem:v1+s0+$0x10860], $0xffff  }
0xcf: {  	v22 =	vmul.f32 $8.000000000e+00, v42;
	[tilespmem:s2+$0x8400] =	vst v18;
	v56 =	vld.idx.msk [tilespmem:v1+s0+$0x10970], $0xffff  }
0xd0: {  	[tilespmem:s2+$0x8220] =	vst v16;
	v16 =	vmul.f32 $8.000000000e+00, v44;
	v52 =	vld.idx.msk [tilespmem:v5+s0+$0x10200], $0xffff  }
0xd1: {  	[tilespmem:s2+$0x8230] =	vst v22;
	v49 =	vld.idx.msk [tilespmem:v1+s0+$0x10420], $0xffff;
	v50 =	vmul.f32 $8.000000000e+00, v47  }
0xd2: {  	[tilespmem:s2+$0x8240] =	vst v16;
	v16 =	vld.idx.msk [tilespmem:v1+s0+$0x10530], $0xffff;
	v20 =	vmul.f32 $8.000000000e+00, v51  }
0xd3: {  	v22 =	vmul.f32 $8.000000000e+00, v54;
	[tilespmem:s2+$0x8290] =	vst v50  }
0xd4: {  	v17 =	vld.idx.msk [tilespmem:v1+s0+$0x10640], $0xffff;
	v18 =	vmul.f32 $8.000000000e+00, v56;
	[tilespmem:s2+$0x82D0] =	vst v20  }
0xd5: {  	v21 =	vmul.f32 $8.000000000e+00, v52;
	[tilespmem:s2+$0x82E0] =	vst v22;
	v55 =	vld.idx.msk [tilespmem:v2+s0+$0x10310], $0xffff  }
0xd6: {  	v53 =	vmul.f32 $8.000000000e+00, v49;
	[tilespmem:s2+$0x82F0] =	vst v18;
	v58 =	vld.idx.msk [tilespmem:v2+s0+$0x10750], $0xffff  }
0xd7: {  	v16 =	vmul.f32 $8.000000000e+00, v16;
	[tilespmem:s2+$0x8480] =	vst v21;
	v62 =	vld.idx.msk [tilespmem:v2+s0+$0x10970], $0xffff  }
0xd8: {  	[tilespmem:s2+$0x82A0] =	vst v53;
	v59 =	vld.idx.msk [tilespmem:v6+s0+$0x10200], $0xffff  }
0xd9: {  	v17 =	vmul.f32 $8.000000000e+00, v17;
	[tilespmem:s2+$0x82B0] =	vst v16;
	v16 =	vld.idx.msk [tilespmem:v2+s0+$0x10420], $0xffff  }
0xda: {  	v60 =	vld.idx.msk [tilespmem:v2+s0+$0x10860], $0xffff;
	v19 =	vmul.f32 $8.000000000e+00, v55  }
0xdb: {  	[tilespmem:s2+$0x82C0] =	vst v17;
	v17 =	vld.idx.msk [tilespmem:v2+s0+$0x10530], $0xffff;
	v21 =	vmul.f32 $8.000000000e+00, v58  }
0xdc: {  	v20 =	vmul.f32 $8.000000000e+00, v62;
	[tilespmem:s2+$0x8310] =	vst v19  }
0xdd: {  	v57 =	vld.idx.msk [tilespmem:v2+s0+$0x10640], $0xffff;
	v22 =	vmul.f32 $8.000000000e+00, v59;
	[tilespmem:s2+$0x8350] =	vst v21  }
0xde: {  	v16 =	vmul.f32 $8.000000000e+00, v16;
	[tilespmem:s2+$0x8370] =	vst v20;
	v61 =	vld.idx.msk [tilespmem:v3+s0+$0x10310], $0xffff  }
0xdf: {  	v19 =	vmul.f32 $8.000000000e+00, v60;
	[tilespmem:s2+$0x8500] =	vst v22;
	v24 =	vld.idx.msk [tilespmem:v3+s0+$0x10750], $0xffff  }
0xe0: {  	v17 =	vmul.f32 $8.000000000e+00, v17;
	v28 =	vld.idx.msk [tilespmem:v3+s0+$0x10970], $0xffff;
	[tilespmem:s2+$0x8320] =	vst v16  }
0xe1: {  	[tilespmem:s2+$0x8360] =	vst v19;
	v25 =	vld.idx.msk [tilespmem:v7+s0+$0x10200], $0xffff  }
0xe2: {  	v16 =	vmul.f32 $8.000000000e+00, v57;
	[tilespmem:s2+$0x8330] =	vst v17;
	v17 =	vld.idx.msk [tilespmem:v3+s0+$0x10420], $0xffff  }
0xe3: {  	v26 =	vld.idx.msk [tilespmem:v3+s0+$0x10860], $0xffff;
	v18 =	vmul.f32 $8.000000000e+00, v61  }
0xe4: {  	[tilespmem:s2+$0x8340] =	vst v16;
	v16 =	vld.idx.msk [tilespmem:v3+s0+$0x10530], $0xffff;
	v22 =	vmul.f32 $8.000000000e+00, v24  }
0xe5: {  	v21 =	vmul.f32 $8.000000000e+00, v28;
	[tilespmem:s2+$0x8390] =	vst v18  }
0xe6: {  	v63 =	vld.idx.msk [tilespmem:v3+s0+$0x10640], $0xffff;
	v19 =	vmul.f32 $8.000000000e+00, v25;
	[tilespmem:s2+$0x83D0] =	vst v22  }
0xe7: {  	v17 =	vmul.f32 $8.000000000e+00, v17;
	[tilespmem:s2+$0x83F0] =	vst v21;
	v27 =	vld.idx.msk [tilespmem:v4+s0+$0x10310], $0xffff  }
0xe8: {  	v18 =	vmul.f32 $8.000000000e+00, v26;
	[tilespmem:s2+$0x8580] =	vst v19;
	v31 =	vld.idx.msk [tilespmem:v4+s0+$0x10750], $0xffff  }
0xe9: {  	v16 =	vmul.f32 $8.000000000e+00, v16;
	v35 =	vld.idx.msk [tilespmem:v4+s0+$0x10970], $0xffff;
	[tilespmem:s2+$0x83A0] =	vst v17  }
0xea: {  	[tilespmem:s2+$0x83E0] =	vst v18;
	v32 =	vld.idx.msk [tilespmem:v8+s0+$0x10200], $0xffff  }
0xeb: {  	v17 =	vmul.f32 $8.000000000e+00, v63;
	[tilespmem:s2+$0x83B0] =	vst v16;
	v16 =	vld.idx.msk [tilespmem:v4+s0+$0x10420], $0xffff  }
0xec: {  	v33 =	vld.idx.msk [tilespmem:v4+s0+$0x10860], $0xffff;
	v30 =	vmul.f32 $8.000000000e+00, v27  }
0xed: {  	[tilespmem:s2+$0x83C0] =	vst v17;
	v17 =	vld.idx.msk [tilespmem:v4+s0+$0x10530], $0xffff;
	v20 =	vmul.f32 $8.000000000e+00, v31  }
0xee: {  	v22 =	vmul.f32 $8.000000000e+00, v35;
	[tilespmem:s2+$0x8410] =	vst v30  }
0xef: {  	v29 =	vld.idx.msk [tilespmem:v4+s0+$0x10640], $0xffff;
	v18 =	vmul.f32 $8.000000000e+00, v32;
	[tilespmem:s2+$0x8450] =	vst v20  }
0xf0: {  	v16 =	vmul.f32 $8.000000000e+00, v16;
	[tilespmem:s2+$0x8470] =	vst v22;
	v34 =	vld.idx.msk [tilespmem:v5+s0+$0x10310], $0xffff  }
0xf1: {  	v19 =	vmul.f32 $8.000000000e+00, v33;
	[tilespmem:s2+$0x8600] =	vst v18;
	v38 =	vld.idx.msk [tilespmem:v5+s0+$0x10750], $0xffff  }
0xf2: {  	v17 =	vmul.f32 $8.000000000e+00, v17;
	v42 =	vld.idx.msk [tilespmem:v5+s0+$0x10970], $0xffff;
	[tilespmem:s2+$0x8420] =	vst v16  }
0xf3: {  	[tilespmem:s2+$0x8460] =	vst v19;
	v39 =	vld.idx.msk [tilespmem:v9+s0+$0x10200], $0xffff  }
0xf4: {  	v16 =	vmul.f32 $8.000000000e+00, v29;
	[tilespmem:s2+$0x8430] =	vst v17;
	v17 =	vld.idx.msk [tilespmem:v5+s0+$0x10420], $0xffff  }
0xf5: {  	v40 =	vld.idx.msk [tilespmem:v5+s0+$0x10860], $0xffff;
	v37 =	vmul.f32 $8.000000000e+00, v34  }
0xf6: {  	[tilespmem:s2+$0x8440] =	vst v16;
	v16 =	vld.idx.msk [tilespmem:v5+s0+$0x10530], $0xffff;
	v21 =	vmul.f32 $8.000000000e+00, v38  }
0xf7: {  	v20 =	vmul.f32 $8.000000000e+00, v42;
	[tilespmem:s2+$0x8490] =	vst v37  }
0xf8: {  	v36 =	vld.idx.msk [tilespmem:v5+s0+$0x10640], $0xffff;
	v19 =	vmul.f32 $8.000000000e+00, v39;
	[tilespmem:s2+$0x84D0] =	vst v21  }
0xf9: {  	v17 =	vmul.f32 $8.000000000e+00, v17;
	[tilespmem:s2+$0x84F0] =	vst v20;
	v41 =	vld.idx.msk [tilespmem:v6+s0+$0x10310], $0xffff  }
0xfa: {  	v18 =	vmul.f32 $8.000000000e+00, v40;
	[tilespmem:s2+$0x8680] =	vst v19;
	v45 =	vld.idx.msk [tilespmem:v6+s0+$0x10750], $0xffff  }
0xfb: {  	v16 =	vmul.f32 $8.000000000e+00, v16;
	v49 =	vld.idx.msk [tilespmem:v6+s0+$0x10970], $0xffff;
	[tilespmem:s2+$0x84A0] =	vst v17  }
0xfc: {  	[tilespmem:s2+$0x84E0] =	vst v18;
	v46 =	vld.idx.msk [tilespmem:v10+s0+$0x10200], $0xffff  }
0xfd: {  	v17 =	vmul.f32 $8.000000000e+00, v36;
	[tilespmem:s2+$0x84B0] =	vst v16;
	v16 =	vld.idx.msk [tilespmem:v6+s0+$0x10420], $0xffff  }
0xfe: {  	v47 =	vld.idx.msk [tilespmem:v6+s0+$0x10860], $0xffff  }
0xff: {  	[tilespmem:s2+$0x84C0] =	vst v17;
	v17 =	vld.idx.msk [tilespmem:v6+s0+$0x10530], $0xffff;
	v44 =	vmul.f32 $8.000000000e+00, v41  }
0x100: {  	v43 =	vld.idx.msk [tilespmem:v6+s0+$0x10640], $0xffff;
	v22 =	vmul.f32 $8.000000000e+00, v45  }
0x101: {  	v21 =	vmul.f32 $8.000000000e+00, v49;
	v49 =	vld [tilespmem:s31+$0x2200];
	[tilespmem:s2+$0x8510] =	vst v44  }
0x102: {  	v18 =	vmul.f32 $8.000000000e+00, v46;
	[tilespmem:s2+$0x8550] =	vst v22;
	v48 =	vld.idx.msk [tilespmem:v7+s0+$0x10310], $0xffff  }
0x103: {  	v16 =	vmul.f32 $8.000000000e+00, v16;
	[tilespmem:s2+$0x8570] =	vst v21;
	v52 =	vld.idx.msk [tilespmem:v7+s0+$0x10750], $0xffff  }
0x104: {  	v17 =	vmul.f32 $8.000000000e+00, v17;
	[tilespmem:s2+$0x8700] =	vst v18;
	v56 =	vld.idx.msk [tilespmem:v7+s0+$0x10970], $0xffff  }
0x105: {  	[tilespmem:s2+$0x8520] =	vst v16;
	v16 =	vmul.f32 $8.000000000e+00, v43;
	v53 =	vld.idx.msk [tilespmem:v11+s0+$0x10200], $0xffff  }
0x106: {  	v19 =	vmul.f32 $8.000000000e+00, v47;
	[tilespmem:s2+$0x8530] =	vst v17;
	v17 =	vld.idx.msk [tilespmem:v7+s0+$0x10420], $0xffff  }
0x107: {  	[tilespmem:s2+$0x8540] =	vst v16;
	v16 =	vld.idx.msk [tilespmem:v7+s0+$0x10530], $0xffff  }
0x108: {  	[tilespmem:s2+$0x8560] =	vst v19;
	v50 =	vld.idx.msk [tilespmem:v7+s0+$0x10640], $0xffff;
	v51 =	vmul.f32 $8.000000000e+00, v48  }
0x109: {  	[tilespmem:s0+$0x10A80] =	vst v49;
	v20 =	vmul.f32 $8.000000000e+00, v52  }
0x10a: {  	v54 =	vld.idx.msk [tilespmem:v7+s0+$0x10860], $0xffff;
	v22 =	vmul.f32 $8.000000000e+00, v56;
	[tilespmem:s2+$0x8590] =	vst v51  }
0x10b: {  	v19 =	vmul.f32 $8.000000000e+00, v53;
	v53 =	vld [tilespmem:s31+$0x2240];
	v17 =	vmul.f32 $8.000000000e+00, v17;
	[tilespmem:s2+$0x85D0] =	vst v20  }
0x10c: {  	[tilespmem:s2+$0x85F0] =	vst v22;
	v55 =	vld.idx.msk [tilespmem:v8+s0+$0x10310], $0xffff;
	v16 =	vmul.f32 $8.000000000e+00, v16  }
0x10d: {  	v59 =	vld.idx.msk [tilespmem:v8+s0+$0x10750], $0xffff;
	[tilespmem:s2+$0x85A0] =	vst v17;
	v17 =	vmul.f32 $8.000000000e+00, v50  }
0x10e: {  	[tilespmem:s2+$0x85B0] =	vst v16;
	v16 =	vld.idx.msk [tilespmem:v8+s0+$0x10420], $0xffff  }
0x10f: {  	v18 =	vmul.f32 $8.000000000e+00, v54;
	[tilespmem:s2+$0x85C0] =	vst v17;
	v17 =	vld.idx.msk [tilespmem:v8+s0+$0x10530], $0xffff  }
0x110: {  	[tilespmem:s2+$0x8780] =	vst v19;
	v57 =	vld.idx.msk [tilespmem:v8+s0+$0x10640], $0xffff  }
0x111: {  	v63 =	vld.idx.msk [tilespmem:v8+s0+$0x10970], $0xffff;
	[tilespmem:s2+$0x85E0] =	vst v18;
	v58 =	vmul.f32 $8.000000000e+00, v55  }
0x112: {  	v60 =	vld.idx.msk [tilespmem:v12+s0+$0x10200], $0xffff;
	[tilespmem:s0+$0x10A91] =	vst v53;
	v21 =	vmul.f32 $8.000000000e+00, v59  }
0x113: {  	v61 =	vld.idx.msk [tilespmem:v8+s0+$0x10860], $0xffff;
	[tilespmem:s2+$0x8610] =	vst v58;
	v16 =	vmul.f32 $8.000000000e+00, v16  }
0x114: {  	[tilespmem:s2+$0x8650] =	vst v21;
	v62 =	vld.idx.msk [tilespmem:v9+s0+$0x10310], $0xffff;
	v17 =	vmul.f32 $8.000000000e+00, v17  }
0x115: {  	v26 =	vld.idx.msk [tilespmem:v9+s0+$0x10750], $0xffff;
	[tilespmem:s2+$0x8620] =	vst v16;
	v16 =	vmul.f32 $8.000000000e+00, v57  }
0x116: {  	v20 =	vmul.f32 $8.000000000e+00, v63;
	[tilespmem:s2+$0x8630] =	vst v17;
	v17 =	vld.idx.msk [tilespmem:v9+s0+$0x10420], $0xffff  }
0x117: {  	v18 =	vmul.f32 $8.000000000e+00, v60;
	[tilespmem:s2+$0x8640] =	vst v16;
	v16 =	vld.idx.msk [tilespmem:v9+s0+$0x10530], $0xffff  }
0x118: {  	v19 =	vmul.f32 $8.000000000e+00, v61;
	[tilespmem:s2+$0x8670] =	vst v20;
	v24 =	vld.idx.msk [tilespmem:v9+s0+$0x10640], $0xffff  }
0x119: {  	[tilespmem:s2+$0x8800] =	vst v18;
	v30 =	vld.idx.msk [tilespmem:v9+s0+$0x10970], $0xffff;
	v25 =	vmul.f32 $8.000000000e+00, v62  }
0x11a: {  	[tilespmem:s2+$0x8660] =	vst v19;
	v27 =	vld.idx.msk [tilespmem:v13+s0+$0x10200], $0xffff;
	v22 =	vmul.f32 $8.000000000e+00, v26  }
0x11b: {  	v28 =	vld.idx.msk [tilespmem:v9+s0+$0x10860], $0xffff;
	[tilespmem:s2+$0x8690] =	vst v25;
	v17 =	vmul.f32 $8.000000000e+00, v17  }
0x11c: {  	[tilespmem:s2+$0x86D0] =	vst v22;
	v29 =	vld.idx.msk [tilespmem:v10+s0+$0x10310], $0xffff;
	v16 =	vmul.f32 $8.000000000e+00, v16  }
0x11d: {  	v33 =	vld.idx.msk [tilespmem:v10+s0+$0x10750], $0xffff;
	[tilespmem:s2+$0x86A0] =	vst v17;
	v17 =	vmul.f32 $8.000000000e+00, v24  }
0x11e: {  	v21 =	vmul.f32 $8.000000000e+00, v30;
	[tilespmem:s2+$0x86B0] =	vst v16;
	v16 =	vld.idx.msk [tilespmem:v10+s0+$0x10420], $0xffff  }
0x11f: {  	v19 =	vmul.f32 $8.000000000e+00, v27;
	[tilespmem:s2+$0x86C0] =	vst v17;
	v17 =	vld.idx.msk [tilespmem:v10+s0+$0x10530], $0xffff  }
0x120: {  	v18 =	vmul.f32 $8.000000000e+00, v28;
	[tilespmem:s2+$0x86F0] =	vst v21;
	v31 =	vld.idx.msk [tilespmem:v10+s0+$0x10640], $0xffff  }
0x121: {  	[tilespmem:s2+$0x8880] =	vst v19;
	v37 =	vld.idx.msk [tilespmem:v10+s0+$0x10970], $0xffff;
	v32 =	vmul.f32 $8.000000000e+00, v29  }
0x122: {  	[tilespmem:s2+$0x86E0] =	vst v18;
	v34 =	vld.idx.msk [tilespmem:v14+s0+$0x10200], $0xffff;
	v20 =	vmul.f32 $8.000000000e+00, v33  }
0x123: {  	v35 =	vld.idx.msk [tilespmem:v10+s0+$0x10860], $0xffff;
	[tilespmem:s2+$0x8710] =	vst v32;
	v16 =	vmul.f32 $8.000000000e+00, v16  }
0x124: {  	[tilespmem:s2+$0x8750] =	vst v20;
	v36 =	vld.idx.msk [tilespmem:v11+s0+$0x10310], $0xffff;
	v17 =	vmul.f32 $8.000000000e+00, v17  }
0x125: {  	v40 =	vld.idx.msk [tilespmem:v11+s0+$0x10750], $0xffff;
	[tilespmem:s2+$0x8720] =	vst v16;
	v16 =	vmul.f32 $8.000000000e+00, v31  }
0x126: {  	v22 =	vmul.f32 $8.000000000e+00, v37;
	[tilespmem:s2+$0x8730] =	vst v17;
	v17 =	vld.idx.msk [tilespmem:v11+s0+$0x10420], $0xffff  }
0x127: {  	v18 =	vmul.f32 $8.000000000e+00, v34;
	[tilespmem:s2+$0x8740] =	vst v16;
	v16 =	vld.idx.msk [tilespmem:v11+s0+$0x10530], $0xffff  }
0x128: {  	v58 =	vld [tilespmem:s31+$0x2280];
	v19 =	vmul.f32 $8.000000000e+00, v35;
	[tilespmem:s2+$0x8770] =	vst v22  }
0x129: {  	[tilespmem:s2+$0x8900] =	vst v18;
	v38 =	vld.idx.msk [tilespmem:v11+s0+$0x10640], $0xffff;
	v39 =	vmul.f32 $8.000000000e+00, v36  }
0x12a: {  	v44 =	vld.idx.msk [tilespmem:v11+s0+$0x10970], $0xffff;
	[tilespmem:s2+$0x8760] =	vst v19;
	v21 =	vmul.f32 $8.000000000e+00, v40  }
0x12b: {  	v42 =	vld.idx.msk [tilespmem:v11+s0+$0x10860], $0xffff;
	[tilespmem:s2+$0x8790] =	vst v39;
	v17 =	vmul.f32 $8.000000000e+00, v17  }
0x12c: {  	[tilespmem:s2+$0x87D0] =	vst v21;
	v43 =	vld.idx.msk [tilespmem:v12+s0+$0x10310], $0xffff;
	v16 =	vmul.f32 $8.000000000e+00, v16  }
0x12d: {  	v47 =	vld.idx.msk [tilespmem:v12+s0+$0x10750], $0xffff;
	[tilespmem:s2+$0x87A0] =	vst v17  }
0x12e: {  	v17 =	vmul.f32 $8.000000000e+00, v38;
	[tilespmem:s2+$0x87B0] =	vst v16;
	v16 =	vld.idx.msk [tilespmem:v12+s0+$0x10420], $0xffff  }
0x12f: {  	[tilespmem:s0+$0x10AA2] =	vst v58;
	v41 =	vld.idx.msk [tilespmem:v15+s0+$0x10200], $0xffff;
	v48 =	vmul.f32 $8.000000000e+00, v44  }
0x130: {  	v18 =	vmul.f32 $8.000000000e+00, v42;
	[tilespmem:s2+$0x87C0] =	vst v17;
	v17 =	vld.idx.msk [tilespmem:v12+s0+$0x10530], $0xffff  }
0x131: {  	[tilespmem:s2+$0x87F0] =	vst v48;
	v45 =	vld.idx.msk [tilespmem:v12+s0+$0x10640], $0xffff;
	v46 =	vmul.f32 $8.000000000e+00, v43  }
0x132: {  	v63 =	vld [tilespmem:s31+$0x22C0];
	[tilespmem:s2+$0x87E0] =	vst v18;
	v22 =	vmul.f32 $8.000000000e+00, v47  }
0x133: {  	v50 =	vld.idx.msk [tilespmem:v12+s0+$0x10860], $0xffff;
	[tilespmem:s2+$0x8810] =	vst v46;
	v16 =	vmul.f32 $8.000000000e+00, v16  }
0x134: {  	v19 =	vmul.f32 $8.000000000e+00, v41;
	[tilespmem:s2+$0x8850] =	vst v22;
	v51 =	vld.idx.msk [tilespmem:v13+s0+$0x10310], $0xffff  }
0x135: {  	v17 =	vmul.f32 $8.000000000e+00, v17;
	[tilespmem:s2+$0x8820] =	vst v16;
	v16 =	vld.idx.msk [tilespmem:v12+s0+$0x10970], $0xffff  }
0x136: {  	[tilespmem:s2+$0x8980] =	vst v19;
	v55 =	vld.idx.msk [tilespmem:v13+s0+$0x10750], $0xffff;
	v21 =	vmul.f32 $8.000000000e+00, v45  }
0x137: {  	[tilespmem:s2+$0x8830] =	vst v17;
	v17 =	vld.idx.msk [tilespmem:v13+s0+$0x10420], $0xffff  }
0x138: {  	v19 =	vmul.f32 $8.000000000e+00, v50;
	v52 =	vld.idx.msk [tilespmem:v13+s0+$0x10530], $0xffff;
	[tilespmem:s2+$0x8840] =	vst v21  }
0x139: {  	[tilespmem:s0+$0x10AB3] =	vst v63;
	v54 =	vld.idx.msk [tilespmem:v13+s0+$0x10640], $0xffff;
	v18 =	vmul.f32 $8.000000000e+00, v51  }
0x13a: {  	v27 =	vld [tilespmem:s31+$0x2300];
	[tilespmem:s2+$0x8860] =	vst v19;
	v16 =	vmul.f32 $8.000000000e+00, v16  }
0x13b: {  	v56 =	vld.idx.msk [tilespmem:v13+s0+$0x10860], $0xffff;
	v19 =	vmul.f32 $8.000000000e+00, v55;
	[tilespmem:s2+$0x8890] =	vst v18  }
0x13c: {  	v17 =	vmul.f32 $8.000000000e+00, v17;
	[tilespmem:s2+$0x8870] =	vst v16;
	v16 =	vld.idx.msk [tilespmem:v14+s0+$0x10310], $0xffff  }
0x13d: {  	[tilespmem:s2+$0x88D0] =	vst v19;
	v20 =	vmul.f32 $8.000000000e+00, v52;
	v57 =	vld.idx.msk [tilespmem:v13+s0+$0x10970], $0xffff  }
0x13e: {  	v61 =	vld.idx.msk [tilespmem:v14+s0+$0x10750], $0xffff;
	[tilespmem:s2+$0x88A0] =	vst v17;
	v17 =	vmul.f32 $8.000000000e+00, v54  }
0x13f: {  	[tilespmem:s2+$0x88B0] =	vst v20;
	v59 =	vld.idx.msk [tilespmem:v14+s0+$0x10420], $0xffff  }
0x140: {  	v18 =	vmul.f32 $8.000000000e+00, v56;
	[tilespmem:s2+$0x88C0] =	vst v17;
	v17 =	vld.idx.msk [tilespmem:v14+s0+$0x10530], $0xffff  }
0x141: {  	[tilespmem:s0+$0x10AC4] =	vst v27;
	v16 =	vmul.f32 $8.000000000e+00, v16  }
0x142: {  	[tilespmem:s2+$0x88E0] =	vst v18;
	v60 =	vld.idx.msk [tilespmem:v14+s0+$0x10640], $0xffff;
	v21 =	vmul.f32 $8.000000000e+00, v57  }
0x143: {  	v18 =	vmul.f32 $8.000000000e+00, v61;
	[tilespmem:s2+$0x8910] =	vst v16  }
0x144: {  	v62 =	vld.idx.msk [tilespmem:v14+s0+$0x10860], $0xffff;
	v20 =	vmul.f32 $8.000000000e+00, v59;
	[tilespmem:s2+$0x88F0] =	vst v21  }
0x145: {  	[tilespmem:s2+$0x8950] =	vst v18;
	v16 =	vmul.f32 $8.000000000e+00, v17;
	v17 =	vld.idx.msk [tilespmem:v14+s0+$0x10970], $0xffff  }
0x146: {  	v18 =	vld [tilespmem:s31+$0x2340];
	[tilespmem:s2+$0x8920] =	vst v20  }
0x147: {  	v19 =	vmul.f32 $8.000000000e+00, v60;
	[tilespmem:s2+$0x8930] =	vst v16;
	v16 =	vld.idx.msk [tilespmem:v15+s0+$0x10420], $0xffff  }
0x148: {  	v24 =	vld.idx.msk [tilespmem:v15+s0+$0x10310], $0xffff  }
0x149: {  	v22 =	vmul.f32 $8.000000000e+00, v62;
	[tilespmem:s2+$0x8940] =	vst v19;
	v25 =	vld.idx.msk [tilespmem:v15+s0+$0x10530], $0xffff  }
0x14a: {  	v26 =	vld.idx.msk [tilespmem:v15+s0+$0x10640], $0xffff;
	v17 =	vmul.f32 $8.000000000e+00, v17  }
0x14b: {  	v28 =	vld.idx.msk [tilespmem:v15+s0+$0x10750], $0xffff;
	[tilespmem:s2+$0x8960] =	vst v22  }
0x14c: {  	v16 =	vmul.f32 $8.000000000e+00, v16;
	[tilespmem:s2+$0x8970] =	vst v17;
	v17 =	vld.idx.msk [tilespmem:v15+s0+$0x10860], $0xffff  }
0x14d: {  	[tilespmem:s0+$0x10AD5] =	vst v18;
	v20 =	vmul.f32 $8.000000000e+00, v24;
	v29 =	vld.idx.msk [tilespmem:v15+s0+$0x10970], $0xffff  }
0x14e: {  	[tilespmem:s2+$0x89A0] =	vst v16;
	v16 =	vmul.f32 $8.000000000e+00, v25  }
0x14f: {  	[tilespmem:s2+$0x8990] =	vst v20;
	v30 =	vmul.f32 $8.000000000e+00, v26  }
0x150: {  	[tilespmem:s2+$0x89B0] =	vst v16;
	v16 =	vmul.f32 $8.000000000e+00, v28  }
0x151: {  	[tilespmem:s2+$0x89C0] =	vst v30;
	v17 =	vmul.f32 $8.000000000e+00, v17  }
0x152: {  	[tilespmem:s2+$0x89D0] =	vst v16;
	v16 =	vmul.f32 $8.000000000e+00, v29  }
0x153: {  	[tilespmem:s2+$0x89E0] =	vst v17  }
0x154: {  	[tilespmem:s2+$0x89F0] =	vst v16  }
0x155: {  	v16 =	vld [tilespmem:s31+$0x2380]  }
0x156: {  	v17 =	vld [tilespmem:s31+$0x2600];
	_ =	sdelay $0x4  }
0x157: {  	[tilespmem:s0+$0x10B90] =	vst v17  }
0x158: {  	v17 =	vld [tilespmem:s31+$0x2640];
	_ =	sdelay $0x4  }
0x159: {  	[tilespmem:s0+$0x10BA1] =	vst v17  }
0x15a: {  	v17 =	vld [tilespmem:s31+$0x2680];
	_ =	sdelay $0x4  }
0x15b: {  	[tilespmem:s0+$0x10BB2] =	vst v17  }
0x15c: {  	v17 =	vld [tilespmem:s31+$0x26C0];
	_ =	sdelay $0x4  }
0x15d: {  	[tilespmem:s0+$0x10BC3] =	vst v17  }
0x15e: {  	v17 =	vld [tilespmem:s31+$0x2700];
	_ =	sdelay $0x4  }
0x15f: {  	[tilespmem:s0+$0x10BD4] =	vst v17  }
0x160: {  	v17 =	vld [tilespmem:s31+$0x2740];
	_ =	sdelay $0x4  }
0x161: {  	v32 =	vld [tilespmem:s31+$0x2A00];
	[tilespmem:s0+$0x10BE5] =	vst v17  }
0x162: {  	v17 =	vld [tilespmem:s31+$0x2780]  }
0x163: {  	v33 =	vld [tilespmem:s31+$0x2E00]  }
0x164: {  	v34 =	vld [tilespmem:s31+$0x3200]  }
0x165: {  	v35 =	vld [tilespmem:s31+$0x3600]  }
0x166: {  	v36 =	vld [tilespmem:s31+$0x3A00];
	[tilespmem:s0+$0x10AE6] =	vst v16  }
0x167: {  	v37 =	vld [tilespmem:s31+$0x3E00];
	[tilespmem:s0+$0x10BF6] =	vst v17  }
0x168: {  	[tilespmem:s0+$0x10CA0] =	vst v32;
	v17 =	vld [tilespmem:s31+$0x27C0]  }
0x169: {  	[tilespmem:s0+$0x10DB0] =	vst v33;
	v16 =	vld [tilespmem:s31+$0x23C0]  }
0x16a: {  	[tilespmem:s0+$0x10EC0] =	vst v34;
	v38 =	vld [tilespmem:s31+$0x2A40]  }
0x16b: {  	[tilespmem:s0+$0x10FD0] =	vst v35;
	v39 =	vld [tilespmem:s31+$0x2E40]  }
0x16c: {  	[tilespmem:s0+$0x110E0] =	vst v36;
	v40 =	vld [tilespmem:s31+$0x3240]  }
0x16d: {  	v41 =	vld [tilespmem:s31+$0x3640];
	[tilespmem:s0+$0x10C07] =	vst v17  }
0x16e: {  	[tilespmem:s0+$0x111F0] =	vst v37;
	v17 =	vld [tilespmem:s31+$0x2800]  }
0x16f: {  	v42 =	vld [tilespmem:s31+$0x3A40];
	[tilespmem:s0+$0x10AF7] =	vst v16  }
0x170: {  	v43 =	vld [tilespmem:s31+$0x3E40];
	[tilespmem:s0+$0x10CB1] =	vst v38  }
0x171: {  	[tilespmem:s0+$0x10DC1] =	vst v39;
	v16 =	vld [tilespmem:s31+$0x2400]  }
0x172: {  	[tilespmem:s0+$0x10ED1] =	vst v40;
	v44 =	vld [tilespmem:s31+$0x2A80]  }
0x173: {  	v45 =	vld [tilespmem:s31+$0x2E80];
	[tilespmem:s0+$0x10C18] =	vst v17  }
0x174: {  	[tilespmem:s0+$0x10FE1] =	vst v41;
	v17 =	vld [tilespmem:s31+$0x2840]  }
0x175: {  	[tilespmem:s0+$0x110F1] =	vst v42;
	v46 =	vld [tilespmem:s31+$0x3280]  }
0x176: {  	[tilespmem:s0+$0x11201] =	vst v43;
	v47 =	vld [tilespmem:s31+$0x3680]  }
0x177: {  	v48 =	vld [tilespmem:s31+$0x3A80];
	[tilespmem:s0+$0x10B08] =	vst v16  }
0x178: {  	v49 =	vld [tilespmem:s31+$0x3E80];
	[tilespmem:s0+$0x10CC2] =	vst v44  }
0x179: {  	v16 =	vld [tilespmem:s31+$0x2440];
	[tilespmem:s0+$0x10C29] =	vst v17  }
0x17a: {  	[tilespmem:s0+$0x10DD2] =	vst v45;
	v17 =	vld [tilespmem:s31+$0x2880]  }
0x17b: {  	[tilespmem:s0+$0x10EE2] =	vst v46;
	v50 =	vld [tilespmem:s31+$0x2AC0]  }
0x17c: {  	[tilespmem:s0+$0x10FF2] =	vst v47;
	v51 =	vld [tilespmem:s31+$0x2EC0]  }
0x17d: {  	[tilespmem:s0+$0x11102] =	vst v48;
	v52 =	vld [tilespmem:s31+$0x32C0]  }
0x17e: {  	[tilespmem:s0+$0x11212] =	vst v49;
	v53 =	vld [tilespmem:s31+$0x36C0]  }
0x17f: {  	v54 =	vld [tilespmem:s31+$0x3AC0];
	[tilespmem:s0+$0x10C3A] =	vst v17  }
0x180: {  	[tilespmem:s0+$0x10B19] =	vst v16;
	v17 =	vld [tilespmem:s31+$0x28C0]  }
0x181: {  	v55 =	vld [tilespmem:s31+$0x3EC0];
	[tilespmem:s0+$0x10CD3] =	vst v50  }
0x182: {  	[tilespmem:s0+$0x10DE3] =	vst v51;
	v16 =	vld [tilespmem:s31+$0x2480]  }
0x183: {  	[tilespmem:s0+$0x10EF3] =	vst v52;
	v56 =	vld [tilespmem:s31+$0x2B00]  }
0x184: {  	[tilespmem:s0+$0x11003] =	vst v53;
	v57 =	vld [tilespmem:s31+$0x2F00]  }
0x185: {  	v58 =	vld [tilespmem:s31+$0x3300];
	[tilespmem:s0+$0x10C4B] =	vst v17  }
0x186: {  	[tilespmem:s0+$0x11113] =	vst v54;
	v17 =	vld [tilespmem:s31+$0x2900]  }
0x187: {  	[tilespmem:s0+$0x11223] =	vst v55;
	v59 =	vld [tilespmem:s31+$0x3700]  }
0x188: {  	v60 =	vld [tilespmem:s31+$0x3B00];
	[tilespmem:s0+$0x10B2A] =	vst v16  }
0x189: {  	v61 =	vld [tilespmem:s31+$0x3F00];
	[tilespmem:s0+$0x10CE4] =	vst v56  }
0x18a: {  	[tilespmem:s0+$0x10DF4] =	vst v57;
	v16 =	vld [tilespmem:s31+$0x24C0]  }
0x18b: {  	v62 =	vld [tilespmem:s31+$0x2B40];
	[tilespmem:s0+$0x10C5C] =	vst v17  }
0x18c: {  	[tilespmem:s0+$0x10F04] =	vst v58;
	v17 =	vld [tilespmem:s31+$0x2940]  }
0x18d: {  	[tilespmem:s0+$0x11014] =	vst v59;
	v63 =	vld [tilespmem:s31+$0x2F40]  }
0x18e: {  	[tilespmem:s0+$0x11124] =	vst v60;
	v24 =	vld [tilespmem:s31+$0x3340]  }
0x18f: {  	[tilespmem:s0+$0x11234] =	vst v61;
	v25 =	vld [tilespmem:s31+$0x3740]  }
0x190: {  	v26 =	vld [tilespmem:s31+$0x3B40];
	[tilespmem:s0+$0x10B3B] =	vst v16  }
0x191: {  	v27 =	vld [tilespmem:s31+$0x3F40];
	[tilespmem:s0+$0x10C6D] =	vst v17  }
0x192: {  	[tilespmem:s0+$0x10CF5] =	vst v62;
	v17 =	vld [tilespmem:s31+$0x2980]  }
0x193: {  	[tilespmem:s0+$0x10E05] =	vst v63;
	v16 =	vld [tilespmem:s31+$0x2500]  }
0x194: {  	[tilespmem:s0+$0x10F15] =	vst v24;
	v28 =	vld [tilespmem:s31+$0x2B80]  }
0x195: {  	[tilespmem:s0+$0x11025] =	vst v25;
	v29 =	vld [tilespmem:s31+$0x2F80]  }
0x196: {  	[tilespmem:s0+$0x11135] =	vst v26;
	v30 =	vld [tilespmem:s31+$0x3380]  }
0x197: {  	v32 =	vld [tilespmem:s31+$0x3B80];
	[tilespmem:s0+$0x10C7E] =	vst v17  }
0x198: {  	[tilespmem:s0+$0x11245] =	vst v27;
	v31 =	vld [tilespmem:s31+$0x29C0]  }
0x199: {  	v33 =	vld [tilespmem:s31+$0x3F80];
	[tilespmem:s0+$0x10B4C] =	vst v16  }
0x19a: {  	[tilespmem:s0+$0x10D06] =	vst v28;
	v16 =	vld [tilespmem:s31+$0x2540]  }
0x19b: {  	[tilespmem:s0+$0x10E16] =	vst v29;
	v34 =	vld [tilespmem:s31+$0x2BC0]  }
0x19c: {  	[tilespmem:s0+$0x10F26] =	vst v30;
	v35 =	vld [tilespmem:s31+$0x2FC0]  }
0x19d: {  	[tilespmem:s0+$0x10C8F] =	vst v31;
	v31 =	vld [tilespmem:s31+$0x3780]  }
0x19e: {  	[tilespmem:s0+$0x11146] =	vst v32;
	v36 =	vld [tilespmem:s31+$0x33C0]  }
0x19f: {  	[tilespmem:s0+$0x11256] =	vst v33;
	v38 =	vld [tilespmem:s31+$0x3BC0]  }
0x1a0: {  	v39 =	vld [tilespmem:s31+$0x3FC0];
	[tilespmem:s0+$0x10B5D] =	vst v16  }
0x1a1: {  	[tilespmem:s0+$0x10D17] =	vst v34;
	v16 =	vld [tilespmem:s31+$0x2580]  }
0x1a2: {  	v40 =	vld [tilespmem:s31+$0x2C00];
	[tilespmem:s0+$0x11036] =	vst v31  }
0x1a3: {  	[tilespmem:s0+$0x10E27] =	vst v35;
	v37 =	vld [tilespmem:s31+$0x37C0]  }
0x1a4: {  	[tilespmem:s0+$0x10F37] =	vst v36;
	v41 =	vld [tilespmem:s31+$0x3000]  }
0x1a5: {  	[tilespmem:s0+$0x11157] =	vst v38;
	v42 =	vld [tilespmem:s31+$0x3400]  }
0x1a6: {  	[tilespmem:s0+$0x11267] =	vst v39;
	v44 =	vld [tilespmem:s31+$0x3C00]  }
0x1a7: {  	v45 =	vld [tilespmem:s31+$0x4000];
	[tilespmem:s0+$0x10B6E] =	vst v16  }
0x1a8: {  	v16 =	vld [tilespmem:s31+$0x25C0];
	[tilespmem:s0+$0x11047] =	vst v37  }
0x1a9: {  	[tilespmem:s0+$0x10D28] =	vst v40;
	v43 =	vld [tilespmem:s31+$0x3800]  }
0x1aa: {  	[tilespmem:s0+$0x10F48] =	vst v42;
	v46 =	vld [tilespmem:s31+$0x2C40]  }
0x1ab: {  	[tilespmem:s0+$0x11168] =	vst v44;
	v48 =	vld [tilespmem:s31+$0x3440]  }
0x1ac: {  	[tilespmem:s0+$0x10E38] =	vst v41;
	v50 =	vld [tilespmem:s31+$0x3C40]  }
0x1ad: {  	[tilespmem:s0+$0x11278] =	vst v45;
	v47 =	vld [tilespmem:s31+$0x3040]  }
0x1ae: {  	v51 =	vld [tilespmem:s31+$0x4040];
	[tilespmem:s0+$0x11058] =	vst v43  }
0x1af: {  	[tilespmem:s0+$0x10D39] =	vst v46;
	v49 =	vld [tilespmem:s31+$0x3840]  }
0x1b0: {  	[tilespmem:s0+$0x10F59] =	vst v48;
	v52 =	vld [tilespmem:s31+$0x2C80]  }
0x1b1: {  	[tilespmem:s0+$0x11179] =	vst v50;
	v54 =	vld [tilespmem:s31+$0x3480]  }
0x1b2: {  	[tilespmem:s0+$0x10E49] =	vst v47;
	v56 =	vld [tilespmem:s31+$0x3C80]  }
0x1b3: {  	[tilespmem:s0+$0x11289] =	vst v51;
	v53 =	vld [tilespmem:s31+$0x3080]  }
0x1b4: {  	v57 =	vld [tilespmem:s31+$0x4080];
	[tilespmem:s0+$0x11069] =	vst v49  }
0x1b5: {  	[tilespmem:s0+$0x10D4A] =	vst v52;
	v55 =	vld [tilespmem:s31+$0x3880]  }
0x1b6: {  	[tilespmem:s0+$0x10F6A] =	vst v54;
	v58 =	vld [tilespmem:s31+$0x2CC0]  }
0x1b7: {  	[tilespmem:s0+$0x1118A] =	vst v56;
	v60 =	vld [tilespmem:s31+$0x34C0]  }
0x1b8: {  	[tilespmem:s0+$0x10E5A] =	vst v53;
	v62 =	vld [tilespmem:s31+$0x3CC0]  }
0x1b9: {  	[tilespmem:s0+$0x1129A] =	vst v57;
	v59 =	vld [tilespmem:s31+$0x30C0]  }
0x1ba: {  	v63 =	vld [tilespmem:s31+$0x40C0];
	[tilespmem:s0+$0x1107A] =	vst v55  }
0x1bb: {  	[tilespmem:s0+$0x10D5B] =	vst v58;
	v61 =	vld [tilespmem:s31+$0x38C0]  }
0x1bc: {  	[tilespmem:s0+$0x10F7B] =	vst v60;
	v24 =	vld [tilespmem:s31+$0x2D00]  }
0x1bd: {  	[tilespmem:s0+$0x1119B] =	vst v62;
	v26 =	vld [tilespmem:s31+$0x3500]  }
0x1be: {  	[tilespmem:s0+$0x10E6B] =	vst v59;
	v28 =	vld [tilespmem:s31+$0x3D00]  }
0x1bf: {  	[tilespmem:s0+$0x112AB] =	vst v63;
	v25 =	vld [tilespmem:s31+$0x3100]  }
0x1c0: {  	v29 =	vld [tilespmem:s31+$0x4100];
	[tilespmem:s0+$0x1108B] =	vst v61  }
0x1c1: {  	[tilespmem:s0+$0x10D6C] =	vst v24;
	v27 =	vld [tilespmem:s31+$0x3900]  }
0x1c2: {  	[tilespmem:s0+$0x10F8C] =	vst v26;
	v30 =	vld [tilespmem:s31+$0x2D40]  }
0x1c3: {  	[tilespmem:s0+$0x111AC] =	vst v28;
	v32 =	vld [tilespmem:s31+$0x3540]  }
0x1c4: {  	[tilespmem:s0+$0x10E7C] =	vst v25;
	v34 =	vld [tilespmem:s31+$0x3D40]  }
0x1c5: {  	[tilespmem:s0+$0x112BC] =	vst v29;
	v31 =	vld [tilespmem:s31+$0x3140]  }
0x1c6: {  	v35 =	vld [tilespmem:s31+$0x4140];
	[tilespmem:s0+$0x1109C] =	vst v27  }
0x1c7: {  	[tilespmem:s0+$0x10D7D] =	vst v30;
	v33 =	vld [tilespmem:s31+$0x3940]  }
0x1c8: {  	[tilespmem:s0+$0x10F9D] =	vst v32;
	v36 =	vld [tilespmem:s31+$0x2D80]  }
0x1c9: {  	[tilespmem:s0+$0x111BD] =	vst v34;
	v38 =	vld [tilespmem:s31+$0x3580]  }
0x1ca: {  	v40 =	vld [tilespmem:s31+$0x3D80];
	[tilespmem:s0+$0x10E8D] =	vst v31  }
0x1cb: {  	[tilespmem:s0+$0x112CD] =	vst v35;
	v37 =	vld [tilespmem:s31+$0x3180]  }
0x1cc: {  	v41 =	vld [tilespmem:s31+$0x4180];
	[tilespmem:s0+$0x110AD] =	vst v33  }
0x1cd: {  	[tilespmem:s0+$0x10B7F] =	vst v16;
	v39 =	vld [tilespmem:s31+$0x3980]  }
0x1ce: {  	v17 =	vld.idx.msk [tilespmem:v0+s0+$0x10A80], $0xffff;
	[tilespmem:s0+$0x10D8E] =	vst v36  }
0x1cf: {  	[tilespmem:s0+$0x10FAE] =	vst v38;
	v42 =	vld [tilespmem:s31+$0x2DC0]  }
0x1d0: {  	v44 =	vld [tilespmem:s31+$0x35C0];
	[tilespmem:s0+$0x10E9E] =	vst v37  }
0x1d1: {  	[tilespmem:s0+$0x111CE] =	vst v40;
	v43 =	vld [tilespmem:s31+$0x31C0]  }
0x1d2: {  	v46 =	vld [tilespmem:s31+$0x3DC0];
	[tilespmem:s0+$0x110BE] =	vst v39  }
0x1d3: {  	[tilespmem:s0+$0x112DE] =	vst v41;
	v45 =	vld [tilespmem:s31+$0x39C0]  }
0x1d4: {  	v47 =	vld [tilespmem:s31+$0x41C0]  }
0x1d5: {  	[tilespmem:s0+$0x10D9F] =	vst v42;
	v16 =	vld.idx.msk [tilespmem:v0+s0+$0x10B90], $0xffff  }
0x1d6: {  	v48 =	vld.idx.msk [tilespmem:v0+s0+$0x10CA0], $0xffff;
	[tilespmem:s0+$0x10EAF] =	vst v43  }
0x1d7: {  	[tilespmem:s0+$0x10FBF] =	vst v44;
	v49 =	vld.idx.msk [tilespmem:v0+s0+$0x10DB0], $0xffff  }
0x1d8: {  	v50 =	vld.idx.msk [tilespmem:v0+s0+$0x10EC0], $0xffff;
	[tilespmem:s0+$0x110CF] =	vst v45  }
0x1d9: {  	v17 =	vmul.f32 $8.000000000e+00, v17;
	[tilespmem:s0+$0x111DF] =	vst v46;
	v51 =	vld.idx.msk [tilespmem:v0+s0+$0x10FD0], $0xffff  }
0x1da: {  	[tilespmem:s0+$0x112EF] =	vst v47;
	v52 =	vld.idx.msk [tilespmem:v0+s0+$0x110E0], $0xffff;
	v16 =	vmul.f32 $8.000000000e+00, v16  }
0x1db: {  	[tilespmem:s2+$0xA200] =	vst v17;
	v53 =	vld.idx.msk [tilespmem:v0+s0+$0x111F0], $0xffff;
	v17 =	vmul.f32 $8.000000000e+00, v48  }
0x1dc: {  	[tilespmem:s2+$0xA210] =	vst v16;
	v16 =	vld.idx.msk [tilespmem:v1+s0+$0x10A80], $0xffff;
	v20 =	vmul.f32 $8.000000000e+00, v49  }
0x1dd: {  	v21 =	vmul.f32 $8.000000000e+00, v50;
	[tilespmem:s2+$0xA220] =	vst v17;
	v17 =	vld.idx.msk [tilespmem:v1+s0+$0x10B90], $0xffff  }
0x1de: {  	v54 =	vld.idx.msk [tilespmem:v1+s0+$0x10CA0], $0xffff;
	[tilespmem:s2+$0xA230] =	vst v20;
	v22 =	vmul.f32 $8.000000000e+00, v51  }
0x1df: {  	v18 =	vmul.f32 $8.000000000e+00, v52;
	[tilespmem:s2+$0xA240] =	vst v21;
	v55 =	vld.idx.msk [tilespmem:v1+s0+$0x10DB0], $0xffff  }
0x1e0: {  	v19 =	vmul.f32 $8.000000000e+00, v53;
	v56 =	vld.idx.msk [tilespmem:v1+s0+$0x10EC0], $0xffff;
	[tilespmem:s2+$0xA250] =	vst v22  }
0x1e1: {  	[tilespmem:s2+$0xA260] =	vst v18;
	v16 =	vmul.f32 $8.000000000e+00, v16;
	v57 =	vld.idx.msk [tilespmem:v1+s0+$0x10FD0], $0xffff  }
0x1e2: {  	[tilespmem:s2+$0xA270] =	vst v19;
	v58 =	vld.idx.msk [tilespmem:v1+s0+$0x110E0], $0xffff;
	v17 =	vmul.f32 $8.000000000e+00, v17  }
0x1e3: {  	v59 =	vld.idx.msk [tilespmem:v1+s0+$0x111F0], $0xffff;
	[tilespmem:s2+$0xA280] =	vst v16;
	v16 =	vmul.f32 $8.000000000e+00, v54  }
0x1e4: {  	[tilespmem:s2+$0xA290] =	vst v17;
	v17 =	vld.idx.msk [tilespmem:v2+s0+$0x10A80], $0xffff;
	v21 =	vmul.f32 $8.000000000e+00, v55  }
0x1e5: {  	[tilespmem:s2+$0xA2A0] =	vst v16;
	v16 =	vld.idx.msk [tilespmem:v2+s0+$0x10B90], $0xffff;
	v22 =	vmul.f32 $8.000000000e+00, v56  }
0x1e6: {  	v60 =	vld.idx.msk [tilespmem:v2+s0+$0x10CA0], $0xffff;
	[tilespmem:s2+$0xA2B0] =	vst v21;
	v18 =	vmul.f32 $8.000000000e+00, v57  }
0x1e7: {  	v19 =	vmul.f32 $8.000000000e+00, v58;
	v61 =	vld.idx.msk [tilespmem:v2+s0+$0x10DB0], $0xffff;
	[tilespmem:s2+$0xA2C0] =	vst v22  }
0x1e8: {  	v20 =	vmul.f32 $8.000000000e+00, v59;
	v62 =	vld.idx.msk [tilespmem:v2+s0+$0x10EC0], $0xffff;
	[tilespmem:s2+$0xA2D0] =	vst v18  }
0x1e9: {  	[tilespmem:s2+$0xA2E0] =	vst v19;
	v17 =	vmul.f32 $8.000000000e+00, v17;
	v63 =	vld.idx.msk [tilespmem:v2+s0+$0x10FD0], $0xffff  }
0x1ea: {  	v24 =	vld.idx.msk [tilespmem:v2+s0+$0x110E0], $0xffff;
	v16 =	vmul.f32 $8.000000000e+00, v16;
	[tilespmem:s2+$0xA2F0] =	vst v20  }
0x1eb: {  	[tilespmem:s2+$0xA300] =	vst v17;
	v17 =	vmul.f32 $8.000000000e+00, v60;
	v25 =	vld.idx.msk [tilespmem:v2+s0+$0x111F0], $0xffff  }
0x1ec: {  	[tilespmem:s2+$0xA310] =	vst v16;
	v16 =	vld.idx.msk [tilespmem:v3+s0+$0x10A80], $0xffff;
	v22 =	vmul.f32 $8.000000000e+00, v61  }
0x1ed: {  	[tilespmem:s2+$0xA320] =	vst v17;
	v17 =	vld.idx.msk [tilespmem:v3+s0+$0x10B90], $0xffff;
	v18 =	vmul.f32 $8.000000000e+00, v62  }
0x1ee: {  	v26 =	vld.idx.msk [tilespmem:v3+s0+$0x10CA0], $0xffff;
	[tilespmem:s2+$0xA330] =	vst v22;
	v19 =	vmul.f32 $8.000000000e+00, v63  }
0x1ef: {  	v20 =	vmul.f32 $8.000000000e+00, v24;
	v27 =	vld.idx.msk [tilespmem:v3+s0+$0x10DB0], $0xffff;
	[tilespmem:s2+$0xA340] =	vst v18  }
0x1f0: {  	v21 =	vmul.f32 $8.000000000e+00, v25;
	v28 =	vld.idx.msk [tilespmem:v3+s0+$0x10EC0], $0xffff;
	[tilespmem:s2+$0xA350] =	vst v19  }
0x1f1: {  	v16 =	vmul.f32 $8.000000000e+00, v16;
	[tilespmem:s2+$0xA360] =	vst v20;
	v29 =	vld.idx.msk [tilespmem:v3+s0+$0x10FD0], $0xffff  }
0x1f2: {  	v17 =	vmul.f32 $8.000000000e+00, v17;
	v30 =	vld.idx.msk [tilespmem:v3+s0+$0x110E0], $0xffff;
	[tilespmem:s2+$0xA370] =	vst v21  }
0x1f3: {  	[tilespmem:s2+$0xA380] =	vst v16;
	v16 =	vmul.f32 $8.000000000e+00, v26;
	v31 =	vld.idx.msk [tilespmem:v3+s0+$0x111F0], $0xffff  }
0x1f4: {  	[tilespmem:s2+$0xA390] =	vst v17;
	v17 =	vld.idx.msk [tilespmem:v4+s0+$0x10A80], $0xffff;
	v18 =	vmul.f32 $8.000000000e+00, v27  }
0x1f5: {  	[tilespmem:s2+$0xA3A0] =	vst v16;
	v16 =	vld.idx.msk [tilespmem:v4+s0+$0x10B90], $0xffff;
	v19 =	vmul.f32 $8.000000000e+00, v28  }
0x1f6: {  	v32 =	vld.idx.msk [tilespmem:v4+s0+$0x10CA0], $0xffff;
	[tilespmem:s2+$0xA3B0] =	vst v18;
	v20 =	vmul.f32 $8.000000000e+00, v29  }
0x1f7: {  	v21 =	vmul.f32 $8.000000000e+00, v30;
	v33 =	vld.idx.msk [tilespmem:v4+s0+$0x10DB0], $0xffff;
	[tilespmem:s2+$0xA3C0] =	vst v19  }
0x1f8: {  	v22 =	vmul.f32 $8.000000000e+00, v31;
	v34 =	vld.idx.msk [tilespmem:v4+s0+$0x10EC0], $0xffff;
	[tilespmem:s2+$0xA3D0] =	vst v20  }
0x1f9: {  	v17 =	vmul.f32 $8.000000000e+00, v17;
	[tilespmem:s2+$0xA3E0] =	vst v21;
	v35 =	vld.idx.msk [tilespmem:v4+s0+$0x10FD0], $0xffff  }
0x1fa: {  	v16 =	vmul.f32 $8.000000000e+00, v16;
	v36 =	vld.idx.msk [tilespmem:v4+s0+$0x110E0], $0xffff;
	[tilespmem:s2+$0xA3F0] =	vst v22  }
0x1fb: {  	[tilespmem:s2+$0xA400] =	vst v17;
	v17 =	vmul.f32 $8.000000000e+00, v32;
	v37 =	vld.idx.msk [tilespmem:v4+s0+$0x111F0], $0xffff  }
0x1fc: {  	[tilespmem:s2+$0xA410] =	vst v16;
	v16 =	vld.idx.msk [tilespmem:v5+s0+$0x10A80], $0xffff;
	v19 =	vmul.f32 $8.000000000e+00, v33  }
0x1fd: {  	[tilespmem:s2+$0xA420] =	vst v17;
	v17 =	vld.idx.msk [tilespmem:v5+s0+$0x10B90], $0xffff;
	v20 =	vmul.f32 $8.000000000e+00, v34  }
0x1fe: {  	v38 =	vld.idx.msk [tilespmem:v5+s0+$0x10CA0], $0xffff;
	[tilespmem:s2+$0xA430] =	vst v19;
	v21 =	vmul.f32 $8.000000000e+00, v35  }
0x1ff: {  	v22 =	vmul.f32 $8.000000000e+00, v36;
	v39 =	vld.idx.msk [tilespmem:v5+s0+$0x10DB0], $0xffff;
	[tilespmem:s2+$0xA440] =	vst v20  }
0x200: {  	v18 =	vmul.f32 $8.000000000e+00, v37;
	v40 =	vld.idx.msk [tilespmem:v5+s0+$0x10EC0], $0xffff;
	[tilespmem:s2+$0xA450] =	vst v21  }
0x201: {  	v16 =	vmul.f32 $8.000000000e+00, v16;
	[tilespmem:s2+$0xA460] =	vst v22;
	v41 =	vld.idx.msk [tilespmem:v5+s0+$0x10FD0], $0xffff  }
0x202: {  	v17 =	vmul.f32 $8.000000000e+00, v17;
	v42 =	vld.idx.msk [tilespmem:v5+s0+$0x110E0], $0xffff;
	[tilespmem:s2+$0xA470] =	vst v18  }
0x203: {  	[tilespmem:s2+$0xA480] =	vst v16;
	v16 =	vmul.f32 $8.000000000e+00, v38;
	v43 =	vld.idx.msk [tilespmem:v5+s0+$0x111F0], $0xffff  }
0x204: {  	[tilespmem:s2+$0xA490] =	vst v17;
	v17 =	vld.idx.msk [tilespmem:v6+s0+$0x10A80], $0xffff;
	v20 =	vmul.f32 $8.000000000e+00, v39  }
0x205: {  	[tilespmem:s2+$0xA4A0] =	vst v16;
	v16 =	vld.idx.msk [tilespmem:v6+s0+$0x10B90], $0xffff;
	v21 =	vmul.f32 $8.000000000e+00, v40  }
0x206: {  	v44 =	vld.idx.msk [tilespmem:v6+s0+$0x10CA0], $0xffff;
	[tilespmem:s2+$0xA4B0] =	vst v20;
	v22 =	vmul.f32 $8.000000000e+00, v41  }
0x207: {  	v18 =	vmul.f32 $8.000000000e+00, v42;
	v45 =	vld.idx.msk [tilespmem:v6+s0+$0x10DB0], $0xffff;
	[tilespmem:s2+$0xA4C0] =	vst v21  }
0x208: {  	v19 =	vmul.f32 $8.000000000e+00, v43;
	v46 =	vld.idx.msk [tilespmem:v6+s0+$0x10EC0], $0xffff;
	[tilespmem:s2+$0xA4D0] =	vst v22  }
0x209: {  	v17 =	vmul.f32 $8.000000000e+00, v17;
	[tilespmem:s2+$0xA4E0] =	vst v18;
	v47 =	vld.idx.msk [tilespmem:v6+s0+$0x10FD0], $0xffff  }
0x20a: {  	v16 =	vmul.f32 $8.000000000e+00, v16;
	v48 =	vld.idx.msk [tilespmem:v6+s0+$0x110E0], $0xffff;
	[tilespmem:s2+$0xA4F0] =	vst v19  }
0x20b: {  	[tilespmem:s2+$0xA500] =	vst v17;
	v17 =	vmul.f32 $8.000000000e+00, v44;
	v49 =	vld.idx.msk [tilespmem:v6+s0+$0x111F0], $0xffff  }
0x20c: {  	[tilespmem:s2+$0xA510] =	vst v16;
	v16 =	vld.idx.msk [tilespmem:v7+s0+$0x10A80], $0xffff;
	v21 =	vmul.f32 $8.000000000e+00, v45  }
0x20d: {  	[tilespmem:s2+$0xA520] =	vst v17;
	v17 =	vld.idx.msk [tilespmem:v7+s0+$0x10B90], $0xffff;
	v22 =	vmul.f32 $8.000000000e+00, v46  }
0x20e: {  	v50 =	vld.idx.msk [tilespmem:v7+s0+$0x10CA0], $0xffff;
	[tilespmem:s2+$0xA530] =	vst v21;
	v18 =	vmul.f32 $8.000000000e+00, v47  }
0x20f: {  	v19 =	vmul.f32 $8.000000000e+00, v48;
	v51 =	vld.idx.msk [tilespmem:v7+s0+$0x10DB0], $0xffff;
	[tilespmem:s2+$0xA540] =	vst v22  }
0x210: {  	v20 =	vmul.f32 $8.000000000e+00, v49;
	v52 =	vld.idx.msk [tilespmem:v7+s0+$0x10EC0], $0xffff;
	[tilespmem:s2+$0xA550] =	vst v18  }
0x211: {  	v16 =	vmul.f32 $8.000000000e+00, v16;
	[tilespmem:s2+$0xA560] =	vst v19;
	v53 =	vld.idx.msk [tilespmem:v7+s0+$0x10FD0], $0xffff  }
0x212: {  	v17 =	vmul.f32 $8.000000000e+00, v17;
	v54 =	vld.idx.msk [tilespmem:v7+s0+$0x110E0], $0xffff;
	[tilespmem:s2+$0xA570] =	vst v20  }
0x213: {  	[tilespmem:s2+$0xA580] =	vst v16;
	v16 =	vmul.f32 $8.000000000e+00, v50;
	v55 =	vld.idx.msk [tilespmem:v7+s0+$0x111F0], $0xffff  }
0x214: {  	[tilespmem:s2+$0xA590] =	vst v17;
	v17 =	vld.idx.msk [tilespmem:v8+s0+$0x10A80], $0xffff;
	v22 =	vmul.f32 $8.000000000e+00, v51  }
0x215: {  	[tilespmem:s2+$0xA5A0] =	vst v16;
	v16 =	vld.idx.msk [tilespmem:v8+s0+$0x10B90], $0xffff;
	v18 =	vmul.f32 $8.000000000e+00, v52  }
0x216: {  	v56 =	vld.idx.msk [tilespmem:v8+s0+$0x10CA0], $0xffff;
	[tilespmem:s2+$0xA5B0] =	vst v22;
	v19 =	vmul.f32 $8.000000000e+00, v53  }
0x217: {  	v20 =	vmul.f32 $8.000000000e+00, v54;
	v57 =	vld.idx.msk [tilespmem:v8+s0+$0x10DB0], $0xffff;
	[tilespmem:s2+$0xA5C0] =	vst v18  }
0x218: {  	v21 =	vmul.f32 $8.000000000e+00, v55;
	v58 =	vld.idx.msk [tilespmem:v8+s0+$0x10EC0], $0xffff;
	[tilespmem:s2+$0xA5D0] =	vst v19  }
0x219: {  	v17 =	vmul.f32 $8.000000000e+00, v17;
	[tilespmem:s2+$0xA5E0] =	vst v20;
	v59 =	vld.idx.msk [tilespmem:v8+s0+$0x10FD0], $0xffff  }
0x21a: {  	v16 =	vmul.f32 $8.000000000e+00, v16;
	v60 =	vld.idx.msk [tilespmem:v8+s0+$0x110E0], $0xffff;
	[tilespmem:s2+$0xA5F0] =	vst v21  }
0x21b: {  	[tilespmem:s2+$0xA600] =	vst v17;
	v17 =	vmul.f32 $8.000000000e+00, v56;
	v61 =	vld.idx.msk [tilespmem:v8+s0+$0x111F0], $0xffff  }
0x21c: {  	[tilespmem:s2+$0xA610] =	vst v16;
	v16 =	vld.idx.msk [tilespmem:v9+s0+$0x10A80], $0xffff;
	v18 =	vmul.f32 $8.000000000e+00, v57  }
0x21d: {  	[tilespmem:s2+$0xA620] =	vst v17;
	v17 =	vld.idx.msk [tilespmem:v9+s0+$0x10B90], $0xffff;
	v19 =	vmul.f32 $8.000000000e+00, v58  }
0x21e: {  	v62 =	vld.idx.msk [tilespmem:v9+s0+$0x10CA0], $0xffff;
	[tilespmem:s2+$0xA630] =	vst v18;
	v20 =	vmul.f32 $8.000000000e+00, v59  }
0x21f: {  	v21 =	vmul.f32 $8.000000000e+00, v60;
	v63 =	vld.idx.msk [tilespmem:v9+s0+$0x10DB0], $0xffff;
	[tilespmem:s2+$0xA640] =	vst v19  }
0x220: {  	v22 =	vmul.f32 $8.000000000e+00, v61;
	v24 =	vld.idx.msk [tilespmem:v9+s0+$0x10EC0], $0xffff;
	[tilespmem:s2+$0xA650] =	vst v20  }
0x221: {  	v16 =	vmul.f32 $8.000000000e+00, v16;
	[tilespmem:s2+$0xA660] =	vst v21;
	v25 =	vld.idx.msk [tilespmem:v9+s0+$0x10FD0], $0xffff  }
0x222: {  	v17 =	vmul.f32 $8.000000000e+00, v17;
	v26 =	vld.idx.msk [tilespmem:v9+s0+$0x110E0], $0xffff;
	[tilespmem:s2+$0xA670] =	vst v22  }
0x223: {  	[tilespmem:s2+$0xA680] =	vst v16;
	v16 =	vmul.f32 $8.000000000e+00, v62;
	v27 =	vld.idx.msk [tilespmem:v9+s0+$0x111F0], $0xffff  }
0x224: {  	[tilespmem:s2+$0xA690] =	vst v17;
	v17 =	vld.idx.msk [tilespmem:v10+s0+$0x10A80], $0xffff;
	v19 =	vmul.f32 $8.000000000e+00, v63  }
0x225: {  	[tilespmem:s2+$0xA6A0] =	vst v16;
	v16 =	vld.idx.msk [tilespmem:v10+s0+$0x10B90], $0xffff;
	v20 =	vmul.f32 $8.000000000e+00, v24  }
0x226: {  	v28 =	vld.idx.msk [tilespmem:v10+s0+$0x10CA0], $0xffff;
	[tilespmem:s2+$0xA6B0] =	vst v19;
	v21 =	vmul.f32 $8.000000000e+00, v25  }
0x227: {  	v22 =	vmul.f32 $8.000000000e+00, v26;
	v29 =	vld.idx.msk [tilespmem:v10+s0+$0x10DB0], $0xffff;
	[tilespmem:s2+$0xA6C0] =	vst v20  }
0x228: {  	v18 =	vmul.f32 $8.000000000e+00, v27;
	v30 =	vld.idx.msk [tilespmem:v10+s0+$0x10EC0], $0xffff;
	[tilespmem:s2+$0xA6D0] =	vst v21  }
0x229: {  	v17 =	vmul.f32 $8.000000000e+00, v17;
	[tilespmem:s2+$0xA6E0] =	vst v22;
	v31 =	vld.idx.msk [tilespmem:v10+s0+$0x10FD0], $0xffff  }
0x22a: {  	v16 =	vmul.f32 $8.000000000e+00, v16;
	v32 =	vld.idx.msk [tilespmem:v10+s0+$0x110E0], $0xffff;
	[tilespmem:s2+$0xA6F0] =	vst v18  }
0x22b: {  	[tilespmem:s2+$0xA700] =	vst v17;
	v17 =	vmul.f32 $8.000000000e+00, v28;
	v33 =	vld.idx.msk [tilespmem:v10+s0+$0x111F0], $0xffff  }
0x22c: {  	[tilespmem:s2+$0xA710] =	vst v16;
	v16 =	vld.idx.msk [tilespmem:v11+s0+$0x10A80], $0xffff;
	v20 =	vmul.f32 $8.000000000e+00, v29  }
0x22d: {  	[tilespmem:s2+$0xA720] =	vst v17;
	v17 =	vld.idx.msk [tilespmem:v11+s0+$0x10B90], $0xffff;
	v21 =	vmul.f32 $8.000000000e+00, v30  }
0x22e: {  	v34 =	vld.idx.msk [tilespmem:v11+s0+$0x10CA0], $0xffff;
	[tilespmem:s2+$0xA730] =	vst v20;
	v22 =	vmul.f32 $8.000000000e+00, v31  }
0x22f: {  	v18 =	vmul.f32 $8.000000000e+00, v32;
	v35 =	vld.idx.msk [tilespmem:v11+s0+$0x10DB0], $0xffff;
	[tilespmem:s2+$0xA740] =	vst v21  }
0x230: {  	v19 =	vmul.f32 $8.000000000e+00, v33;
	v36 =	vld.idx.msk [tilespmem:v11+s0+$0x10EC0], $0xffff;
	[tilespmem:s2+$0xA750] =	vst v22  }
0x231: {  	v16 =	vmul.f32 $8.000000000e+00, v16;
	[tilespmem:s2+$0xA760] =	vst v18;
	v37 =	vld.idx.msk [tilespmem:v11+s0+$0x10FD0], $0xffff  }
0x232: {  	v17 =	vmul.f32 $8.000000000e+00, v17;
	v38 =	vld.idx.msk [tilespmem:v11+s0+$0x110E0], $0xffff;
	[tilespmem:s2+$0xA770] =	vst v19  }
0x233: {  	[tilespmem:s2+$0xA780] =	vst v16;
	v16 =	vmul.f32 $8.000000000e+00, v34;
	v39 =	vld.idx.msk [tilespmem:v11+s0+$0x111F0], $0xffff  }
0x234: {  	[tilespmem:s2+$0xA790] =	vst v17;
	v17 =	vld.idx.msk [tilespmem:v12+s0+$0x10A80], $0xffff;
	v21 =	vmul.f32 $8.000000000e+00, v35  }
0x235: {  	[tilespmem:s2+$0xA7A0] =	vst v16;
	v16 =	vld.idx.msk [tilespmem:v12+s0+$0x10B90], $0xffff;
	v22 =	vmul.f32 $8.000000000e+00, v36  }
0x236: {  	v40 =	vld.idx.msk [tilespmem:v12+s0+$0x10CA0], $0xffff;
	[tilespmem:s2+$0xA7B0] =	vst v21;
	v18 =	vmul.f32 $8.000000000e+00, v37  }
0x237: {  	v19 =	vmul.f32 $8.000000000e+00, v38;
	v41 =	vld.idx.msk [tilespmem:v12+s0+$0x10DB0], $0xffff;
	[tilespmem:s2+$0xA7C0] =	vst v22  }
0x238: {  	v20 =	vmul.f32 $8.000000000e+00, v39;
	v42 =	vld.idx.msk [tilespmem:v12+s0+$0x10EC0], $0xffff;
	[tilespmem:s2+$0xA7D0] =	vst v18  }
0x239: {  	v17 =	vmul.f32 $8.000000000e+00, v17;
	[tilespmem:s2+$0xA7E0] =	vst v19;
	v43 =	vld.idx.msk [tilespmem:v12+s0+$0x10FD0], $0xffff  }
0x23a: {  	v16 =	vmul.f32 $8.000000000e+00, v16;
	v44 =	vld.idx.msk [tilespmem:v12+s0+$0x110E0], $0xffff;
	[tilespmem:s2+$0xA7F0] =	vst v20  }
0x23b: {  	[tilespmem:s2+$0xA800] =	vst v17;
	v17 =	vmul.f32 $8.000000000e+00, v40;
	v45 =	vld.idx.msk [tilespmem:v12+s0+$0x111F0], $0xffff  }
0x23c: {  	[tilespmem:s2+$0xA810] =	vst v16;
	v16 =	vld.idx.msk [tilespmem:v13+s0+$0x10A80], $0xffff;
	v22 =	vmul.f32 $8.000000000e+00, v41  }
0x23d: {  	[tilespmem:s2+$0xA820] =	vst v17;
	v17 =	vld.idx.msk [tilespmem:v13+s0+$0x10B90], $0xffff;
	v18 =	vmul.f32 $8.000000000e+00, v42  }
0x23e: {  	v46 =	vld.idx.msk [tilespmem:v13+s0+$0x10CA0], $0xffff;
	[tilespmem:s2+$0xA830] =	vst v22;
	v19 =	vmul.f32 $8.000000000e+00, v43  }
0x23f: {  	v20 =	vmul.f32 $8.000000000e+00, v44;
	v47 =	vld.idx.msk [tilespmem:v13+s0+$0x10DB0], $0xffff;
	[tilespmem:s2+$0xA840] =	vst v18  }
0x240: {  	v21 =	vmul.f32 $8.000000000e+00, v45;
	v48 =	vld.idx.msk [tilespmem:v13+s0+$0x10EC0], $0xffff;
	[tilespmem:s2+$0xA850] =	vst v19  }
0x241: {  	v16 =	vmul.f32 $8.000000000e+00, v16;
	[tilespmem:s2+$0xA860] =	vst v20;
	v49 =	vld.idx.msk [tilespmem:v13+s0+$0x10FD0], $0xffff  }
0x242: {  	v17 =	vmul.f32 $8.000000000e+00, v17;
	v50 =	vld.idx.msk [tilespmem:v13+s0+$0x110E0], $0xffff;
	[tilespmem:s2+$0xA870] =	vst v21  }
0x243: {  	[tilespmem:s2+$0xA880] =	vst v16;
	v16 =	vmul.f32 $8.000000000e+00, v46;
	v51 =	vld.idx.msk [tilespmem:v13+s0+$0x111F0], $0xffff  }
0x244: {  	[tilespmem:s2+$0xA890] =	vst v17;
	v17 =	vld.idx.msk [tilespmem:v14+s0+$0x10A80], $0xffff;
	v18 =	vmul.f32 $8.000000000e+00, v47  }
0x245: {  	[tilespmem:s2+$0xA8A0] =	vst v16;
	v16 =	vld.idx.msk [tilespmem:v14+s0+$0x10B90], $0xffff;
	v19 =	vmul.f32 $8.000000000e+00, v48  }
0x246: {  	v52 =	vld.idx.msk [tilespmem:v14+s0+$0x10CA0], $0xffff;
	[tilespmem:s2+$0xA8B0] =	vst v18;
	v20 =	vmul.f32 $8.000000000e+00, v49  }
0x247: {  	v21 =	vmul.f32 $8.000000000e+00, v50;
	v53 =	vld.idx.msk [tilespmem:v14+s0+$0x10DB0], $0xffff;
	[tilespmem:s2+$0xA8C0] =	vst v19  }
0x248: {  	v22 =	vmul.f32 $8.000000000e+00, v51;
	v54 =	vld.idx.msk [tilespmem:v14+s0+$0x10EC0], $0xffff;
	[tilespmem:s2+$0xA8D0] =	vst v20  }
0x249: {  	v17 =	vmul.f32 $8.000000000e+00, v17;
	[tilespmem:s2+$0xA8E0] =	vst v21;
	v55 =	vld.idx.msk [tilespmem:v14+s0+$0x10FD0], $0xffff  }
0x24a: {  	v16 =	vmul.f32 $8.000000000e+00, v16;
	v56 =	vld.idx.msk [tilespmem:v14+s0+$0x110E0], $0xffff;
	[tilespmem:s2+$0xA8F0] =	vst v22  }
0x24b: {  	[tilespmem:s2+$0xA900] =	vst v17;
	v17 =	vmul.f32 $8.000000000e+00, v52;
	v57 =	vld.idx.msk [tilespmem:v14+s0+$0x111F0], $0xffff  }
0x24c: {  	[tilespmem:s2+$0xA910] =	vst v16;
	v16 =	vld.idx.msk [tilespmem:v15+s0+$0x10A80], $0xffff;
	v19 =	vmul.f32 $8.000000000e+00, v53  }
0x24d: {  	[tilespmem:s2+$0xA920] =	vst v17;
	v17 =	vld.idx.msk [tilespmem:v15+s0+$0x10B90], $0xffff;
	v20 =	vmul.f32 $8.000000000e+00, v54  }
0x24e: {  	v58 =	vld.idx.msk [tilespmem:v15+s0+$0x10CA0], $0xffff;
	[tilespmem:s2+$0xA930] =	vst v19;
	v21 =	vmul.f32 $8.000000000e+00, v55  }
0x24f: {  	v22 =	vmul.f32 $8.000000000e+00, v56;
	v59 =	vld.idx.msk [tilespmem:v15+s0+$0x10DB0], $0xffff;
	[tilespmem:s2+$0xA940] =	vst v20  }
0x250: {  	v18 =	vmul.f32 $8.000000000e+00, v57;
	v60 =	vld.idx.msk [tilespmem:v15+s0+$0x10EC0], $0xffff;
	[tilespmem:s2+$0xA950] =	vst v21  }
0x251: {  	v16 =	vmul.f32 $8.000000000e+00, v16;
	[tilespmem:s2+$0xA960] =	vst v22;
	v61 =	vld.idx.msk [tilespmem:v15+s0+$0x10FD0], $0xffff  }
0x252: {  	v17 =	vmul.f32 $8.000000000e+00, v17;
	v62 =	vld.idx.msk [tilespmem:v15+s0+$0x110E0], $0xffff;
	[tilespmem:s2+$0xA970] =	vst v18  }
0x253: {  	[tilespmem:s2+$0xA980] =	vst v16;
	v16 =	vmul.f32 $8.000000000e+00, v58;
	v63 =	vld.idx.msk [tilespmem:v15+s0+$0x111F0], $0xffff  }
0x254: {  	[tilespmem:s2+$0xA990] =	vst v17;
	v17 =	vmul.f32 $8.000000000e+00, v59  }
0x255: {  	p2 =	slt.u32 s31, $0x30;
	[tilespmem:s2+$0xA9A0] =	vst v16;
	v16 =	vmul.f32 $8.000000000e+00, v60  }
.Ltmp4:
0x256: {  	[tilespmem:s2+$0xA9B0] =	vst v17;
	v17 =	vmul.f32 $8.000000000e+00, v61;
	(pc) =	sbr.rel @p2 .LBB2_6-.Ltmp4, $4  }
0x257: {  	[tilespmem:s2+$0xA9C0] =	vst v16;
	v16 =	vmul.f32 $8.000000000e+00, v62  }
0x258: {  	[tilespmem:s2+$0xA9D0] =	vst v17;
	v17 =	vmul.f32 $8.000000000e+00, v63  }
0x259: {  	s0 =	sadd.s32 $0x10, s31;
	[tilespmem:s2+$0xA9E0] =	vst v16  }
0x25a: {  	s31 =	smov.u32 s0;
	[tilespmem:s2+$0xA9F0] =	vst v17  }
0x25b: {  	s0 =	sshll.u32 s29, $0x14  }
0x25c: {  	s0 =	sor.u32 s7, s0  }
0x25d: {  	s31 =	sshrl.u32 s0, $0x3  }
0x25e: {  	s0 =	sadd.s32 s1, s31  }
0x25f: {  	[hbm4b:s0+s16] =	stream.strided.scatter [tilespmem:s18], [sflag:$0x5], $0x2000, s17, s16, $0x38;
	[tilespmem:$0x14600] =	vst v63  }
0x260: {  	s0 =	sadd.s32 $0x80, s0  }
0x261: {  	[hbm4b:s0+s16] =	stream.strided.scatter [tilespmem:s19], [sflag:$0x5], $0x2000, s17, s16, $0x38;
	[tilespmem:$0x14600] =	vst v63  }
0x262: {  	_ =	swait.ge [sflag:s20], $0x100  }
0x263: {  	[sflag:s20] =	ssyncset.done $0x0  }
0x264: {  	[sflag:s20] =	ssyncadd.s32 $0xFFFFFF00  }
0x265: {  	[tilespmem:s21], [sflag:$0x4] =	stream.indirect.gather [hbm4b:s5+s12], $0x40, s12, s12, $0xb8;
	[tilespmem:$0x14600] =	vst v63  }
0x266: {  	s2 =	simm.s32 @!p0 $0x0;
	s0 =	sadd.s32 @!p0 s10, s30;
	_ =	swait.ge [sflag:s22], $0x4000  }
0x267: {  	p1 =	por p0, !p1;
	s0 =	sshrl.u32 @!p0 s0, $0x3;
	[sflag:s22] =	ssyncset.done $0x0  }
0x268: {  	s30 =	simm.s32 @!p0 $0x100;
	s0 =	sadd.s32 @!p0 s4, s0;
	[sflag:s22] =	ssyncadd.s32 $0xFFFFC000  }
0x269: {  	[tilespmem:s30], [sflag:$0x2] =	stream.linear.gather @!p0 [hbm4b:s0+s2], $0x100, $0x38;
	[tilespmem:$0x14600] =	vst v63  }
0x26a: {  	_ =	swait.ge @p1 [sflag:s26], $0x2000  }
0x26b: {  	[sflag:s26] =	ssyncset.done @p1 $0x0  }
0x26c: {  	[sflag:s26] =	ssyncadd.s32 @p1 $0xFFFFE000  }
0x26d: {  	_ =	swait.ge @p1 [sflag:s26], $0x2000  }
0x26e: {  	[sflag:s26] =	ssyncset.done @p1 $0x0  }
0x26f: {  	s30 =	simm.s32 $0x0;
	[sflag:s26] =	ssyncadd.s32 @p1 $0xFFFFE000  }
.LBB2_8:
0x270: {  	v16 =	vld [tilespmem:s30+$0x4200];
	_ =	sdelay $0x1  }
0x271: {  	s0 =	smul.u32 $0x440, s30;
	_ =	sdelay $0x1  }
0x272: {  	s0 =	sshra.s32 s0, $0x2  }
0x273: {  	[tilespmem:s0+$0x10200] =	vst v16  }
0x274: {  	v16 =	vld [tilespmem:s30+$0x4240];
	_ =	sdelay $0x4  }
0x275: {  	[tilespmem:s0+$0x10211] =	vst v16  }
0x276: {  	v16 =	vld [tilespmem:s30+$0x4280];
	_ =	sdelay $0x4  }
0x277: {  	[tilespmem:s0+$0x10222] =	vst v16  }
0x278: {  	v16 =	vld [tilespmem:s30+$0x42C0];
	_ =	sdelay $0x4  }
0x279: {  	[tilespmem:s0+$0x10233] =	vst v16  }
0x27a: {  	v16 =	vld [tilespmem:s30+$0x4300];
	_ =	sdelay $0x4  }
0x27b: {  	[tilespmem:s0+$0x10244] =	vst v16  }
0x27c: {  	v16 =	vld [tilespmem:s30+$0x4340];
	_ =	sdelay $0x4  }
0x27d: {  	[tilespmem:s0+$0x10255] =	vst v16  }
0x27e: {  	v16 =	vld [tilespmem:s30+$0x4380];
	_ =	sdelay $0x4  }
0x27f: {  	[tilespmem:s0+$0x10266] =	vst v16  }
0x280: {  	v16 =	vld [tilespmem:s30+$0x43C0];
	_ =	sdelay $0x4  }
0x281: {  	[tilespmem:s0+$0x10277] =	vst v16  }
0x282: {  	v16 =	vld [tilespmem:s30+$0x4400];
	_ =	sdelay $0x4  }
0x283: {  	[tilespmem:s0+$0x10288] =	vst v16  }
0x284: {  	v16 =	vld [tilespmem:s30+$0x4440];
	_ =	sdelay $0x4  }
0x285: {  	[tilespmem:s0+$0x10299] =	vst v16  }
0x286: {  	v16 =	vld [tilespmem:s30+$0x4480];
	_ =	sdelay $0x4  }
0x287: {  	[tilespmem:s0+$0x102AA] =	vst v16  }
0x288: {  	v16 =	vld [tilespmem:s30+$0x44C0];
	_ =	sdelay $0x4  }
0x289: {  	[tilespmem:s0+$0x102BB] =	vst v16  }
0x28a: {  	v16 =	vld [tilespmem:s30+$0x4500]  }
0x28b: {  	v17 =	vld [tilespmem:s30+$0x4600]  }
0x28c: {  	v19 =	vld [tilespmem:s30+$0x4A00]  }
0x28d: {  	v30 =	vld [tilespmem:s30+$0x4E00]  }
0x28e: {  	v20 =	vld [tilespmem:s30+$0x5200]  }
0x28f: {  	v31 =	vld [tilespmem:s30+$0x5600]  }
0x290: {  	v32 =	vld [tilespmem:s30+$0x5A00];
	[tilespmem:s0+$0x10310] =	vst v17  }
0x291: {  	v33 =	vld [tilespmem:s30+$0x5E00];
	[tilespmem:s0+$0x102CC] =	vst v16  }
0x292: {  	[tilespmem:s0+$0x10420] =	vst v19;
	v17 =	vld [tilespmem:s30+$0x4640]  }
0x293: {  	[tilespmem:s0+$0x10530] =	vst v30;
	v16 =	vld [tilespmem:s30+$0x4540]  }
0x294: {  	[tilespmem:s0+$0x10640] =	vst v20;
	v21 =	vld [tilespmem:s30+$0x4A40]  }
0x295: {  	[tilespmem:s0+$0x10750] =	vst v31;
	v22 =	vld [tilespmem:s30+$0x4E40]  }
0x296: {  	[tilespmem:s0+$0x10860] =	vst v32;
	v34 =	vld [tilespmem:s30+$0x5240]  }
0x297: {  	[tilespmem:s0+$0x10970] =	vst v33;
	v35 =	vld [tilespmem:s30+$0x5640]  }
0x298: {  	v37 =	vld [tilespmem:s30+$0x5A40];
	[tilespmem:s0+$0x10321] =	vst v17  }
0x299: {  	v39 =	vld [tilespmem:s30+$0x5E40];
	[tilespmem:s0+$0x102DD] =	vst v16  }
0x29a: {  	[tilespmem:s0+$0x10431] =	vst v21;
	v17 =	vld [tilespmem:s30+$0x4680]  }
0x29b: {  	[tilespmem:s0+$0x10541] =	vst v22;
	v16 =	vld [tilespmem:s30+$0x4580]  }
0x29c: {  	[tilespmem:s0+$0x10651] =	vst v34;
	v36 =	vld [tilespmem:s30+$0x4A80]  }
0x29d: {  	[tilespmem:s0+$0x10761] =	vst v35;
	v38 =	vld [tilespmem:s30+$0x4E80]  }
0x29e: {  	[tilespmem:s0+$0x10871] =	vst v37;
	v40 =	vld [tilespmem:s30+$0x5280]  }
0x29f: {  	[tilespmem:s0+$0x10981] =	vst v39;
	v41 =	vld [tilespmem:s30+$0x5680]  }
0x2a0: {  	v43 =	vld [tilespmem:s30+$0x5A80];
	[tilespmem:s0+$0x10332] =	vst v17  }
0x2a1: {  	v45 =	vld [tilespmem:s30+$0x5E80];
	[tilespmem:s0+$0x102EE] =	vst v16  }
0x2a2: {  	[tilespmem:s0+$0x10442] =	vst v36;
	v17 =	vld [tilespmem:s30+$0x46C0]  }
0x2a3: {  	[tilespmem:s0+$0x10552] =	vst v38;
	v16 =	vld [tilespmem:s30+$0x45C0]  }
0x2a4: {  	[tilespmem:s0+$0x10662] =	vst v40;
	v42 =	vld [tilespmem:s30+$0x4AC0]  }
0x2a5: {  	[tilespmem:s0+$0x10772] =	vst v41;
	v44 =	vld [tilespmem:s30+$0x4EC0]  }
0x2a6: {  	[tilespmem:s0+$0x10882] =	vst v43;
	v46 =	vld [tilespmem:s30+$0x52C0]  }
0x2a7: {  	[tilespmem:s0+$0x10992] =	vst v45;
	v47 =	vld [tilespmem:s30+$0x56C0]  }
0x2a8: {  	v49 =	vld [tilespmem:s30+$0x5AC0];
	[tilespmem:s0+$0x10343] =	vst v17  }
0x2a9: {  	v51 =	vld [tilespmem:s30+$0x5EC0];
	[tilespmem:s0+$0x102FF] =	vst v16  }
0x2aa: {  	[tilespmem:s0+$0x10453] =	vst v42;
	v17 =	vld [tilespmem:s30+$0x4700]  }
0x2ab: {  	[tilespmem:s0+$0x10563] =	vst v44;
	v16 =	vld.idx.msk [tilespmem:v0+s0+$0x10200], $0xffff  }
0x2ac: {  	[tilespmem:s0+$0x10673] =	vst v46;
	v48 =	vld [tilespmem:s30+$0x4B00]  }
0x2ad: {  	[tilespmem:s0+$0x10783] =	vst v47;
	v50 =	vld [tilespmem:s30+$0x4F00]  }
0x2ae: {  	[tilespmem:s0+$0x10893] =	vst v49;
	v52 =	vld [tilespmem:s30+$0x5300]  }
0x2af: {  	[tilespmem:s0+$0x109A3] =	vst v51;
	v53 =	vld [tilespmem:s30+$0x5700]  }
0x2b0: {  	v55 =	vld [tilespmem:s30+$0x5B00];
	[tilespmem:s0+$0x10354] =	vst v17  }
0x2b1: {  	v57 =	vld [tilespmem:s30+$0x5F00];
	[tilespmem:s0+$0x10464] =	vst v48  }
0x2b2: {  	[tilespmem:s0+$0x10574] =	vst v50;
	v17 =	vld [tilespmem:s30+$0x4740]  }
0x2b3: {  	[tilespmem:s0+$0x10684] =	vst v52;
	v54 =	vld [tilespmem:s30+$0x4B40]  }
0x2b4: {  	[tilespmem:s0+$0x10794] =	vst v53;
	v56 =	vld [tilespmem:s30+$0x4F40]  }
0x2b5: {  	s2 =	sshll.u32 s30, $0x7;
	v16 =	vmul.f32 $8.000000000e+00, v16;
	[tilespmem:s0+$0x108A4] =	vst v55;
	v58 =	vld [tilespmem:s30+$0x5340]  }
0x2b6: {  	s2 =	sand.u32 $0x3FFFFF80, s2;
	[tilespmem:s0+$0x109B4] =	vst v57;
	v59 =	vld [tilespmem:s30+$0x5740]  }
0x2b7: {  	v61 =	vld [tilespmem:s30+$0x5B40];
	[tilespmem:s2+$0xC200] =	vst v16  }
0x2b8: {  	v16 =	vld.idx.msk [tilespmem:v1+s0+$0x10200], $0xffff;
	[tilespmem:s0+$0x10365] =	vst v17  }
0x2b9: {  	v63 =	vld [tilespmem:s30+$0x5F40];
	[tilespmem:s0+$0x10475] =	vst v54  }
0x2ba: {  	[tilespmem:s0+$0x10585] =	vst v56;
	v17 =	vld [tilespmem:s30+$0x4780]  }
0x2bb: {  	[tilespmem:s0+$0x10695] =	vst v58;
	v60 =	vld [tilespmem:s30+$0x4B80]  }
0x2bc: {  	[tilespmem:s0+$0x107A5] =	vst v59;
	v62 =	vld [tilespmem:s30+$0x4F80]  }
0x2bd: {  	[tilespmem:s0+$0x108B5] =	vst v61;
	v24 =	vld [tilespmem:s30+$0x5380];
	v16 =	vmul.f32 $8.000000000e+00, v16  }
0x2be: {  	[tilespmem:s0+$0x109C5] =	vst v63;
	v25 =	vld [tilespmem:s30+$0x5780]  }
0x2bf: {  	v27 =	vld [tilespmem:s30+$0x5B80];
	[tilespmem:s2+$0xC280] =	vst v16  }
0x2c0: {  	v29 =	vld [tilespmem:s30+$0x5F80];
	[tilespmem:s0+$0x10376] =	vst v17  }
0x2c1: {  	v16 =	vld.idx.msk [tilespmem:v2+s0+$0x10200], $0xffff;
	[tilespmem:s0+$0x10486] =	vst v60  }
0x2c2: {  	[tilespmem:s0+$0x10596] =	vst v62;
	v17 =	vld [tilespmem:s30+$0x47C0]  }
0x2c3: {  	[tilespmem:s0+$0x106A6] =	vst v24;
	v26 =	vld [tilespmem:s30+$0x4BC0]  }
0x2c4: {  	[tilespmem:s0+$0x107B6] =	vst v25;
	v28 =	vld [tilespmem:s30+$0x4FC0]  }
0x2c5: {  	[tilespmem:s0+$0x108C6] =	vst v27;
	v30 =	vld [tilespmem:s30+$0x53C0]  }
0x2c6: {  	[tilespmem:s0+$0x109D6] =	vst v29;
	v31 =	vld [tilespmem:s30+$0x57C0];
	v16 =	vmul.f32 $8.000000000e+00, v16  }
0x2c7: {  	v33 =	vld [tilespmem:s30+$0x5BC0];
	[tilespmem:s0+$0x10387] =	vst v17  }
0x2c8: {  	v35 =	vld [tilespmem:s30+$0x5FC0];
	[tilespmem:s2+$0xC300] =	vst v16  }
0x2c9: {  	[tilespmem:s0+$0x10497] =	vst v26;
	v17 =	vld [tilespmem:s30+$0x4800]  }
0x2ca: {  	[tilespmem:s0+$0x105A7] =	vst v28;
	v32 =	vld [tilespmem:s30+$0x4C00]  }
0x2cb: {  	[tilespmem:s0+$0x106B7] =	vst v30;
	v34 =	vld [tilespmem:s30+$0x5000]  }
0x2cc: {  	[tilespmem:s0+$0x107C7] =	vst v31;
	v36 =	vld [tilespmem:s30+$0x5400]  }
0x2cd: {  	[tilespmem:s0+$0x108D7] =	vst v33;
	v37 =	vld [tilespmem:s30+$0x5800]  }
0x2ce: {  	[tilespmem:s0+$0x109E7] =	vst v35;
	v39 =	vld [tilespmem:s30+$0x5C00]  }
0x2cf: {  	v41 =	vld [tilespmem:s30+$0x6000];
	[tilespmem:s0+$0x10398] =	vst v17  }
0x2d0: {  	[tilespmem:s0+$0x104A8] =	vst v32;
	v17 =	vld [tilespmem:s30+$0x4840]  }
0x2d1: {  	[tilespmem:s0+$0x105B8] =	vst v34;
	v38 =	vld [tilespmem:s30+$0x4C40]  }
0x2d2: {  	[tilespmem:s0+$0x106C8] =	vst v36;
	v40 =	vld [tilespmem:s30+$0x5040]  }
0x2d3: {  	[tilespmem:s0+$0x107D8] =	vst v37;
	v42 =	vld [tilespmem:s30+$0x5440]  }
0x2d4: {  	[tilespmem:s0+$0x108E8] =	vst v39;
	v43 =	vld [tilespmem:s30+$0x5840]  }
0x2d5: {  	[tilespmem:s0+$0x109F8] =	vst v41;
	v45 =	vld [tilespmem:s30+$0x5C40]  }
0x2d6: {  	v47 =	vld [tilespmem:s30+$0x6040];
	[tilespmem:s0+$0x103A9] =	vst v17  }
0x2d7: {  	[tilespmem:s0+$0x104B9] =	vst v38;
	v17 =	vld [tilespmem:s30+$0x4880]  }
0x2d8: {  	[tilespmem:s0+$0x105C9] =	vst v40;
	v44 =	vld [tilespmem:s30+$0x4C80]  }
0x2d9: {  	[tilespmem:s0+$0x106D9] =	vst v42;
	v46 =	vld [tilespmem:s30+$0x5080]  }
0x2da: {  	[tilespmem:s0+$0x107E9] =	vst v43;
	v48 =	vld [tilespmem:s30+$0x5480]  }
0x2db: {  	[tilespmem:s0+$0x108F9] =	vst v45;
	v49 =	vld [tilespmem:s30+$0x5880]  }
0x2dc: {  	[tilespmem:s0+$0x10A09] =	vst v47;
	v51 =	vld [tilespmem:s30+$0x5C80]  }
0x2dd: {  	v53 =	vld [tilespmem:s30+$0x6080];
	[tilespmem:s0+$0x103BA] =	vst v17  }
0x2de: {  	[tilespmem:s0+$0x104CA] =	vst v44;
	v17 =	vld [tilespmem:s30+$0x48C0]  }
0x2df: {  	[tilespmem:s0+$0x105DA] =	vst v46;
	v50 =	vld [tilespmem:s30+$0x4CC0]  }
0x2e0: {  	[tilespmem:s0+$0x106EA] =	vst v48;
	v52 =	vld [tilespmem:s30+$0x50C0]  }
0x2e1: {  	[tilespmem:s0+$0x107FA] =	vst v49;
	v54 =	vld [tilespmem:s30+$0x54C0]  }
0x2e2: {  	[tilespmem:s0+$0x1090A] =	vst v51;
	v55 =	vld [tilespmem:s30+$0x58C0]  }
0x2e3: {  	[tilespmem:s0+$0x10A1A] =	vst v53;
	v57 =	vld [tilespmem:s30+$0x5CC0]  }
0x2e4: {  	v59 =	vld [tilespmem:s30+$0x60C0];
	[tilespmem:s0+$0x103CB] =	vst v17  }
0x2e5: {  	[tilespmem:s0+$0x104DB] =	vst v50;
	v17 =	vld [tilespmem:s30+$0x4900]  }
0x2e6: {  	[tilespmem:s0+$0x105EB] =	vst v52;
	v56 =	vld [tilespmem:s30+$0x4D00]  }
0x2e7: {  	[tilespmem:s0+$0x106FB] =	vst v54;
	v58 =	vld [tilespmem:s30+$0x5100]  }
0x2e8: {  	[tilespmem:s0+$0x1080B] =	vst v55;
	v60 =	vld [tilespmem:s30+$0x5500]  }
0x2e9: {  	[tilespmem:s0+$0x1091B] =	vst v57;
	v61 =	vld [tilespmem:s30+$0x5900]  }
0x2ea: {  	[tilespmem:s0+$0x10A2B] =	vst v59;
	v63 =	vld [tilespmem:s30+$0x5D00]  }
0x2eb: {  	v25 =	vld [tilespmem:s30+$0x6100];
	[tilespmem:s0+$0x103DC] =	vst v17  }
0x2ec: {  	[tilespmem:s0+$0x104EC] =	vst v56;
	v17 =	vld [tilespmem:s30+$0x4940]  }
0x2ed: {  	[tilespmem:s0+$0x105FC] =	vst v58;
	v62 =	vld [tilespmem:s30+$0x4D40]  }
0x2ee: {  	[tilespmem:s0+$0x1070C] =	vst v60;
	v24 =	vld [tilespmem:s30+$0x5140]  }
0x2ef: {  	[tilespmem:s0+$0x1081C] =	vst v61;
	v26 =	vld [tilespmem:s30+$0x5540]  }
0x2f0: {  	[tilespmem:s0+$0x1092C] =	vst v63;
	v27 =	vld [tilespmem:s30+$0x5940]  }
0x2f1: {  	[tilespmem:s0+$0x10A3C] =	vst v25;
	v29 =	vld [tilespmem:s30+$0x5D40]  }
0x2f2: {  	v31 =	vld [tilespmem:s30+$0x6140];
	[tilespmem:s0+$0x103ED] =	vst v17  }
0x2f3: {  	[tilespmem:s0+$0x104FD] =	vst v62;
	v17 =	vld [tilespmem:s30+$0x4980]  }
0x2f4: {  	[tilespmem:s0+$0x1060D] =	vst v24;
	v28 =	vld [tilespmem:s30+$0x4D80]  }
0x2f5: {  	[tilespmem:s0+$0x1082D] =	vst v27;
	v30 =	vld [tilespmem:s30+$0x5180]  }
0x2f6: {  	[tilespmem:s0+$0x1093D] =	vst v29;
	v33 =	vld [tilespmem:s30+$0x5980]  }
0x2f7: {  	[tilespmem:s0+$0x1071D] =	vst v26;
	v35 =	vld [tilespmem:s30+$0x5D80]  }
0x2f8: {  	[tilespmem:s0+$0x10A4D] =	vst v31;
	v32 =	vld [tilespmem:s30+$0x5580]  }
0x2f9: {  	v37 =	vld [tilespmem:s30+$0x6180];
	[tilespmem:s0+$0x103FE] =	vst v17  }
0x2fa: {  	v17 =	vld.idx.msk [tilespmem:v3+s0+$0x10200], $0xffff;
	[tilespmem:s0+$0x1050E] =	vst v28  }
0x2fb: {  	[tilespmem:s0+$0x1083E] =	vst v33;
	v18 =	vld [tilespmem:s30+$0x49C0]  }
0x2fc: {  	[tilespmem:s0+$0x1094E] =	vst v35;
	v39 =	vld [tilespmem:s30+$0x59C0]  }
0x2fd: {  	[tilespmem:s0+$0x1061E] =	vst v30;
	v41 =	vld [tilespmem:s30+$0x5DC0]  }
0x2fe: {  	[tilespmem:s0+$0x10A5E] =	vst v37;
	v34 =	vld [tilespmem:s30+$0x4DC0]  }
0x2ff: {  	[tilespmem:s0+$0x1072E] =	vst v32;
	v43 =	vld [tilespmem:s30+$0x61C0]  }
0x300: {  	v36 =	vld [tilespmem:s30+$0x51C0];
	[tilespmem:s0+$0x1040F] =	vst v18  }
0x301: {  	v38 =	vld [tilespmem:s30+$0x55C0];
	v17 =	vmul.f32 $8.000000000e+00, v17;
	[tilespmem:s0+$0x1084F] =	vst v39  }
0x302: {  	[tilespmem:s0+$0x1095F] =	vst v41;
	v16 =	vld.idx.msk [tilespmem:v0+s0+$0x10310], $0xffff  }
0x303: {  	[tilespmem:s2+$0xC380] =	vst v17;
	v17 =	vld.idx.msk [tilespmem:v0+s0+$0x10750], $0xffff  }
0x304: {  	[tilespmem:s0+$0x10A6F] =	vst v43;
	v46 =	vld.idx.msk [tilespmem:v0+s0+$0x10860], $0xffff  }
0x305: {  	v48 =	vld.idx.msk [tilespmem:v0+s0+$0x10970], $0xffff  }
0x306: {  	[tilespmem:s0+$0x1051F] =	vst v34;
	v45 =	vld.idx.msk [tilespmem:v4+s0+$0x10200], $0xffff  }
0x307: {  	[tilespmem:s0+$0x1062F] =	vst v36;
	v40 =	vld.idx.msk [tilespmem:v0+s0+$0x10420], $0xffff;
	v16 =	vmul.f32 $8.000000000e+00, v16  }
0x308: {  	[tilespmem:s0+$0x1073F] =	vst v38;
	v42 =	vld.idx.msk [tilespmem:v0+s0+$0x10530], $0xffff;
	v17 =	vmul.f32 $8.000000000e+00, v17  }
0x309: {  	v44 =	vld.idx.msk [tilespmem:v0+s0+$0x10640], $0xffff;
	v21 =	vmul.f32 $8.000000000e+00, v46;
	[tilespmem:s2+$0xC210] =	vst v16  }
0x30a: {  	v19 =	vmul.f32 $8.000000000e+00, v48;
	[tilespmem:s2+$0xC250] =	vst v17;
	v47 =	vld.idx.msk [tilespmem:v1+s0+$0x10310], $0xffff  }
0x30b: {  	v18 =	vmul.f32 $8.000000000e+00, v45;
	[tilespmem:s2+$0xC260] =	vst v21;
	v51 =	vld.idx.msk [tilespmem:v1+s0+$0x10750], $0xffff  }
0x30c: {  	v16 =	vmul.f32 $8.000000000e+00, v40;
	[tilespmem:s2+$0xC270] =	vst v19;
	v54 =	vld.idx.msk [tilespmem:v1+s0+$0x10860], $0xffff  }
0x30d: {  	v22 =	vmul.f32 $8.000000000e+00, v42;
	[tilespmem:s2+$0xC400] =	vst v18;
	v56 =	vld.idx.msk [tilespmem:v1+s0+$0x10970], $0xffff  }
0x30e: {  	[tilespmem:s2+$0xC220] =	vst v16;
	v16 =	vmul.f32 $8.000000000e+00, v44;
	v52 =	vld.idx.msk [tilespmem:v5+s0+$0x10200], $0xffff  }
0x30f: {  	[tilespmem:s2+$0xC230] =	vst v22;
	v49 =	vld.idx.msk [tilespmem:v1+s0+$0x10420], $0xffff;
	v50 =	vmul.f32 $8.000000000e+00, v47  }
0x310: {  	[tilespmem:s2+$0xC240] =	vst v16;
	v16 =	vld.idx.msk [tilespmem:v1+s0+$0x10530], $0xffff;
	v20 =	vmul.f32 $8.000000000e+00, v51  }
0x311: {  	v22 =	vmul.f32 $8.000000000e+00, v54;
	[tilespmem:s2+$0xC290] =	vst v50  }
0x312: {  	v17 =	vld.idx.msk [tilespmem:v1+s0+$0x10640], $0xffff;
	v18 =	vmul.f32 $8.000000000e+00, v56;
	[tilespmem:s2+$0xC2D0] =	vst v20  }
0x313: {  	v21 =	vmul.f32 $8.000000000e+00, v52;
	[tilespmem:s2+$0xC2E0] =	vst v22;
	v55 =	vld.idx.msk [tilespmem:v2+s0+$0x10310], $0xffff  }
0x314: {  	v53 =	vmul.f32 $8.000000000e+00, v49;
	[tilespmem:s2+$0xC2F0] =	vst v18;
	v58 =	vld.idx.msk [tilespmem:v2+s0+$0x10750], $0xffff  }
0x315: {  	v16 =	vmul.f32 $8.000000000e+00, v16;
	[tilespmem:s2+$0xC480] =	vst v21;
	v62 =	vld.idx.msk [tilespmem:v2+s0+$0x10970], $0xffff  }
0x316: {  	[tilespmem:s2+$0xC2A0] =	vst v53;
	v59 =	vld.idx.msk [tilespmem:v6+s0+$0x10200], $0xffff  }
0x317: {  	v17 =	vmul.f32 $8.000000000e+00, v17;
	[tilespmem:s2+$0xC2B0] =	vst v16;
	v16 =	vld.idx.msk [tilespmem:v2+s0+$0x10420], $0xffff  }
0x318: {  	v60 =	vld.idx.msk [tilespmem:v2+s0+$0x10860], $0xffff;
	v19 =	vmul.f32 $8.000000000e+00, v55  }
0x319: {  	[tilespmem:s2+$0xC2C0] =	vst v17;
	v17 =	vld.idx.msk [tilespmem:v2+s0+$0x10530], $0xffff;
	v21 =	vmul.f32 $8.000000000e+00, v58  }
0x31a: {  	v20 =	vmul.f32 $8.000000000e+00, v62;
	[tilespmem:s2+$0xC310] =	vst v19  }
0x31b: {  	v57 =	vld.idx.msk [tilespmem:v2+s0+$0x10640], $0xffff;
	v22 =	vmul.f32 $8.000000000e+00, v59;
	[tilespmem:s2+$0xC350] =	vst v21  }
0x31c: {  	v16 =	vmul.f32 $8.000000000e+00, v16;
	[tilespmem:s2+$0xC370] =	vst v20;
	v61 =	vld.idx.msk [tilespmem:v3+s0+$0x10310], $0xffff  }
0x31d: {  	v19 =	vmul.f32 $8.000000000e+00, v60;
	[tilespmem:s2+$0xC500] =	vst v22;
	v24 =	vld.idx.msk [tilespmem:v3+s0+$0x10750], $0xffff  }
0x31e: {  	v17 =	vmul.f32 $8.000000000e+00, v17;
	v28 =	vld.idx.msk [tilespmem:v3+s0+$0x10970], $0xffff;
	[tilespmem:s2+$0xC320] =	vst v16  }
0x31f: {  	[tilespmem:s2+$0xC360] =	vst v19;
	v25 =	vld.idx.msk [tilespmem:v7+s0+$0x10200], $0xffff  }
0x320: {  	v16 =	vmul.f32 $8.000000000e+00, v57;
	[tilespmem:s2+$0xC330] =	vst v17;
	v17 =	vld.idx.msk [tilespmem:v3+s0+$0x10420], $0xffff  }
0x321: {  	v26 =	vld.idx.msk [tilespmem:v3+s0+$0x10860], $0xffff;
	v18 =	vmul.f32 $8.000000000e+00, v61  }
0x322: {  	[tilespmem:s2+$0xC340] =	vst v16;
	v16 =	vld.idx.msk [tilespmem:v3+s0+$0x10530], $0xffff;
	v22 =	vmul.f32 $8.000000000e+00, v24  }
0x323: {  	v21 =	vmul.f32 $8.000000000e+00, v28;
	[tilespmem:s2+$0xC390] =	vst v18  }
0x324: {  	v63 =	vld.idx.msk [tilespmem:v3+s0+$0x10640], $0xffff;
	v19 =	vmul.f32 $8.000000000e+00, v25;
	[tilespmem:s2+$0xC3D0] =	vst v22  }
0x325: {  	v17 =	vmul.f32 $8.000000000e+00, v17;
	[tilespmem:s2+$0xC3F0] =	vst v21;
	v27 =	vld.idx.msk [tilespmem:v4+s0+$0x10310], $0xffff  }
0x326: {  	v18 =	vmul.f32 $8.000000000e+00, v26;
	[tilespmem:s2+$0xC580] =	vst v19;
	v31 =	vld.idx.msk [tilespmem:v4+s0+$0x10750], $0xffff  }
0x327: {  	v16 =	vmul.f32 $8.000000000e+00, v16;
	v35 =	vld.idx.msk [tilespmem:v4+s0+$0x10970], $0xffff;
	[tilespmem:s2+$0xC3A0] =	vst v17  }
0x328: {  	[tilespmem:s2+$0xC3E0] =	vst v18;
	v32 =	vld.idx.msk [tilespmem:v8+s0+$0x10200], $0xffff  }
0x329: {  	v17 =	vmul.f32 $8.000000000e+00, v63;
	[tilespmem:s2+$0xC3B0] =	vst v16;
	v16 =	vld.idx.msk [tilespmem:v4+s0+$0x10420], $0xffff  }
0x32a: {  	v33 =	vld.idx.msk [tilespmem:v4+s0+$0x10860], $0xffff;
	v30 =	vmul.f32 $8.000000000e+00, v27  }
0x32b: {  	[tilespmem:s2+$0xC3C0] =	vst v17;
	v17 =	vld.idx.msk [tilespmem:v4+s0+$0x10530], $0xffff;
	v20 =	vmul.f32 $8.000000000e+00, v31  }
0x32c: {  	v22 =	vmul.f32 $8.000000000e+00, v35;
	[tilespmem:s2+$0xC410] =	vst v30  }
0x32d: {  	v29 =	vld.idx.msk [tilespmem:v4+s0+$0x10640], $0xffff;
	v18 =	vmul.f32 $8.000000000e+00, v32;
	[tilespmem:s2+$0xC450] =	vst v20  }
0x32e: {  	v16 =	vmul.f32 $8.000000000e+00, v16;
	[tilespmem:s2+$0xC470] =	vst v22;
	v34 =	vld.idx.msk [tilespmem:v5+s0+$0x10310], $0xffff  }
0x32f: {  	v19 =	vmul.f32 $8.000000000e+00, v33;
	[tilespmem:s2+$0xC600] =	vst v18;
	v38 =	vld.idx.msk [tilespmem:v5+s0+$0x10750], $0xffff  }
0x330: {  	v17 =	vmul.f32 $8.000000000e+00, v17;
	v42 =	vld.idx.msk [tilespmem:v5+s0+$0x10970], $0xffff;
	[tilespmem:s2+$0xC420] =	vst v16  }
0x331: {  	[tilespmem:s2+$0xC460] =	vst v19;
	v39 =	vld.idx.msk [tilespmem:v9+s0+$0x10200], $0xffff  }
0x332: {  	v16 =	vmul.f32 $8.000000000e+00, v29;
	[tilespmem:s2+$0xC430] =	vst v17;
	v17 =	vld.idx.msk [tilespmem:v5+s0+$0x10420], $0xffff  }
0x333: {  	v40 =	vld.idx.msk [tilespmem:v5+s0+$0x10860], $0xffff;
	v37 =	vmul.f32 $8.000000000e+00, v34  }
0x334: {  	[tilespmem:s2+$0xC440] =	vst v16;
	v16 =	vld.idx.msk [tilespmem:v5+s0+$0x10530], $0xffff;
	v21 =	vmul.f32 $8.000000000e+00, v38  }
0x335: {  	v20 =	vmul.f32 $8.000000000e+00, v42;
	[tilespmem:s2+$0xC490] =	vst v37  }
0x336: {  	v36 =	vld.idx.msk [tilespmem:v5+s0+$0x10640], $0xffff;
	v19 =	vmul.f32 $8.000000000e+00, v39;
	[tilespmem:s2+$0xC4D0] =	vst v21  }
0x337: {  	v17 =	vmul.f32 $8.000000000e+00, v17;
	[tilespmem:s2+$0xC4F0] =	vst v20;
	v41 =	vld.idx.msk [tilespmem:v6+s0+$0x10310], $0xffff  }
0x338: {  	v18 =	vmul.f32 $8.000000000e+00, v40;
	[tilespmem:s2+$0xC680] =	vst v19;
	v45 =	vld.idx.msk [tilespmem:v6+s0+$0x10750], $0xffff  }
0x339: {  	v16 =	vmul.f32 $8.000000000e+00, v16;
	v49 =	vld.idx.msk [tilespmem:v6+s0+$0x10970], $0xffff;
	[tilespmem:s2+$0xC4A0] =	vst v17  }
0x33a: {  	[tilespmem:s2+$0xC4E0] =	vst v18;
	v46 =	vld.idx.msk [tilespmem:v10+s0+$0x10200], $0xffff  }
0x33b: {  	v17 =	vmul.f32 $8.000000000e+00, v36;
	[tilespmem:s2+$0xC4B0] =	vst v16;
	v16 =	vld.idx.msk [tilespmem:v6+s0+$0x10420], $0xffff  }
0x33c: {  	v47 =	vld.idx.msk [tilespmem:v6+s0+$0x10860], $0xffff  }
0x33d: {  	[tilespmem:s2+$0xC4C0] =	vst v17;
	v17 =	vld.idx.msk [tilespmem:v6+s0+$0x10530], $0xffff;
	v44 =	vmul.f32 $8.000000000e+00, v41  }
0x33e: {  	v43 =	vld.idx.msk [tilespmem:v6+s0+$0x10640], $0xffff;
	v22 =	vmul.f32 $8.000000000e+00, v45  }
0x33f: {  	v21 =	vmul.f32 $8.000000000e+00, v49;
	v49 =	vld [tilespmem:s30+$0x6200];
	[tilespmem:s2+$0xC510] =	vst v44  }
0x340: {  	v18 =	vmul.f32 $8.000000000e+00, v46;
	[tilespmem:s2+$0xC550] =	vst v22;
	v48 =	vld.idx.msk [tilespmem:v7+s0+$0x10310], $0xffff  }
0x341: {  	v16 =	vmul.f32 $8.000000000e+00, v16;
	[tilespmem:s2+$0xC570] =	vst v21;
	v52 =	vld.idx.msk [tilespmem:v7+s0+$0x10750], $0xffff  }
0x342: {  	v17 =	vmul.f32 $8.000000000e+00, v17;
	[tilespmem:s2+$0xC700] =	vst v18;
	v56 =	vld.idx.msk [tilespmem:v7+s0+$0x10970], $0xffff  }
0x343: {  	[tilespmem:s2+$0xC520] =	vst v16;
	v16 =	vmul.f32 $8.000000000e+00, v43;
	v53 =	vld.idx.msk [tilespmem:v11+s0+$0x10200], $0xffff  }
0x344: {  	v19 =	vmul.f32 $8.000000000e+00, v47;
	[tilespmem:s2+$0xC530] =	vst v17;
	v17 =	vld.idx.msk [tilespmem:v7+s0+$0x10420], $0xffff  }
0x345: {  	[tilespmem:s2+$0xC540] =	vst v16;
	v16 =	vld.idx.msk [tilespmem:v7+s0+$0x10530], $0xffff  }
0x346: {  	[tilespmem:s2+$0xC560] =	vst v19;
	v50 =	vld.idx.msk [tilespmem:v7+s0+$0x10640], $0xffff;
	v51 =	vmul.f32 $8.000000000e+00, v48  }
0x347: {  	[tilespmem:s0+$0x10A80] =	vst v49;
	v20 =	vmul.f32 $8.000000000e+00, v52  }
0x348: {  	v54 =	vld.idx.msk [tilespmem:v7+s0+$0x10860], $0xffff;
	v22 =	vmul.f32 $8.000000000e+00, v56;
	[tilespmem:s2+$0xC590] =	vst v51  }
0x349: {  	v19 =	vmul.f32 $8.000000000e+00, v53;
	v53 =	vld [tilespmem:s30+$0x6240];
	v17 =	vmul.f32 $8.000000000e+00, v17;
	[tilespmem:s2+$0xC5D0] =	vst v20  }
0x34a: {  	[tilespmem:s2+$0xC5F0] =	vst v22;
	v55 =	vld.idx.msk [tilespmem:v8+s0+$0x10310], $0xffff;
	v16 =	vmul.f32 $8.000000000e+00, v16  }
0x34b: {  	v59 =	vld.idx.msk [tilespmem:v8+s0+$0x10750], $0xffff;
	[tilespmem:s2+$0xC5A0] =	vst v17;
	v17 =	vmul.f32 $8.000000000e+00, v50  }
0x34c: {  	[tilespmem:s2+$0xC5B0] =	vst v16;
	v16 =	vld.idx.msk [tilespmem:v8+s0+$0x10420], $0xffff  }
0x34d: {  	v18 =	vmul.f32 $8.000000000e+00, v54;
	[tilespmem:s2+$0xC5C0] =	vst v17;
	v17 =	vld.idx.msk [tilespmem:v8+s0+$0x10530], $0xffff  }
0x34e: {  	[tilespmem:s2+$0xC780] =	vst v19;
	v57 =	vld.idx.msk [tilespmem:v8+s0+$0x10640], $0xffff  }
0x34f: {  	v63 =	vld.idx.msk [tilespmem:v8+s0+$0x10970], $0xffff;
	[tilespmem:s2+$0xC5E0] =	vst v18;
	v58 =	vmul.f32 $8.000000000e+00, v55  }
0x350: {  	v60 =	vld.idx.msk [tilespmem:v12+s0+$0x10200], $0xffff;
	[tilespmem:s0+$0x10A91] =	vst v53;
	v21 =	vmul.f32 $8.000000000e+00, v59  }
0x351: {  	v61 =	vld.idx.msk [tilespmem:v8+s0+$0x10860], $0xffff;
	[tilespmem:s2+$0xC610] =	vst v58;
	v16 =	vmul.f32 $8.000000000e+00, v16  }
0x352: {  	[tilespmem:s2+$0xC650] =	vst v21;
	v62 =	vld.idx.msk [tilespmem:v9+s0+$0x10310], $0xffff;
	v17 =	vmul.f32 $8.000000000e+00, v17  }
0x353: {  	v26 =	vld.idx.msk [tilespmem:v9+s0+$0x10750], $0xffff;
	[tilespmem:s2+$0xC620] =	vst v16;
	v16 =	vmul.f32 $8.000000000e+00, v57  }
0x354: {  	v20 =	vmul.f32 $8.000000000e+00, v63;
	[tilespmem:s2+$0xC630] =	vst v17;
	v17 =	vld.idx.msk [tilespmem:v9+s0+$0x10420], $0xffff  }
0x355: {  	v18 =	vmul.f32 $8.000000000e+00, v60;
	[tilespmem:s2+$0xC640] =	vst v16;
	v16 =	vld.idx.msk [tilespmem:v9+s0+$0x10530], $0xffff  }
0x356: {  	v19 =	vmul.f32 $8.000000000e+00, v61;
	[tilespmem:s2+$0xC670] =	vst v20;
	v24 =	vld.idx.msk [tilespmem:v9+s0+$0x10640], $0xffff  }
0x357: {  	[tilespmem:s2+$0xC800] =	vst v18;
	v30 =	vld.idx.msk [tilespmem:v9+s0+$0x10970], $0xffff;
	v25 =	vmul.f32 $8.000000000e+00, v62  }
0x358: {  	[tilespmem:s2+$0xC660] =	vst v19;
	v27 =	vld.idx.msk [tilespmem:v13+s0+$0x10200], $0xffff;
	v22 =	vmul.f32 $8.000000000e+00, v26  }
0x359: {  	v28 =	vld.idx.msk [tilespmem:v9+s0+$0x10860], $0xffff;
	[tilespmem:s2+$0xC690] =	vst v25;
	v17 =	vmul.f32 $8.000000000e+00, v17  }
0x35a: {  	[tilespmem:s2+$0xC6D0] =	vst v22;
	v29 =	vld.idx.msk [tilespmem:v10+s0+$0x10310], $0xffff;
	v16 =	vmul.f32 $8.000000000e+00, v16  }
0x35b: {  	v33 =	vld.idx.msk [tilespmem:v10+s0+$0x10750], $0xffff;
	[tilespmem:s2+$0xC6A0] =	vst v17;
	v17 =	vmul.f32 $8.000000000e+00, v24  }
0x35c: {  	v21 =	vmul.f32 $8.000000000e+00, v30;
	[tilespmem:s2+$0xC6B0] =	vst v16;
	v16 =	vld.idx.msk [tilespmem:v10+s0+$0x10420], $0xffff  }
0x35d: {  	v19 =	vmul.f32 $8.000000000e+00, v27;
	[tilespmem:s2+$0xC6C0] =	vst v17;
	v17 =	vld.idx.msk [tilespmem:v10+s0+$0x10530], $0xffff  }
0x35e: {  	v18 =	vmul.f32 $8.000000000e+00, v28;
	[tilespmem:s2+$0xC6F0] =	vst v21;
	v31 =	vld.idx.msk [tilespmem:v10+s0+$0x10640], $0xffff  }
0x35f: {  	[tilespmem:s2+$0xC880] =	vst v19;
	v37 =	vld.idx.msk [tilespmem:v10+s0+$0x10970], $0xffff;
	v32 =	vmul.f32 $8.000000000e+00, v29  }
0x360: {  	[tilespmem:s2+$0xC6E0] =	vst v18;
	v34 =	vld.idx.msk [tilespmem:v14+s0+$0x10200], $0xffff;
	v20 =	vmul.f32 $8.000000000e+00, v33  }
0x361: {  	v35 =	vld.idx.msk [tilespmem:v10+s0+$0x10860], $0xffff;
	[tilespmem:s2+$0xC710] =	vst v32;
	v16 =	vmul.f32 $8.000000000e+00, v16  }
0x362: {  	[tilespmem:s2+$0xC750] =	vst v20;
	v36 =	vld.idx.msk [tilespmem:v11+s0+$0x10310], $0xffff;
	v17 =	vmul.f32 $8.000000000e+00, v17  }
0x363: {  	v40 =	vld.idx.msk [tilespmem:v11+s0+$0x10750], $0xffff;
	[tilespmem:s2+$0xC720] =	vst v16;
	v16 =	vmul.f32 $8.000000000e+00, v31  }
0x364: {  	v22 =	vmul.f32 $8.000000000e+00, v37;
	[tilespmem:s2+$0xC730] =	vst v17;
	v17 =	vld.idx.msk [tilespmem:v11+s0+$0x10420], $0xffff  }
0x365: {  	v18 =	vmul.f32 $8.000000000e+00, v34;
	[tilespmem:s2+$0xC740] =	vst v16;
	v16 =	vld.idx.msk [tilespmem:v11+s0+$0x10530], $0xffff  }
0x366: {  	v58 =	vld [tilespmem:s30+$0x6280];
	v19 =	vmul.f32 $8.000000000e+00, v35;
	[tilespmem:s2+$0xC770] =	vst v22  }
0x367: {  	[tilespmem:s2+$0xC900] =	vst v18;
	v38 =	vld.idx.msk [tilespmem:v11+s0+$0x10640], $0xffff;
	v39 =	vmul.f32 $8.000000000e+00, v36  }
0x368: {  	v44 =	vld.idx.msk [tilespmem:v11+s0+$0x10970], $0xffff;
	[tilespmem:s2+$0xC760] =	vst v19;
	v21 =	vmul.f32 $8.000000000e+00, v40  }
0x369: {  	v42 =	vld.idx.msk [tilespmem:v11+s0+$0x10860], $0xffff;
	[tilespmem:s2+$0xC790] =	vst v39;
	v17 =	vmul.f32 $8.000000000e+00, v17  }
0x36a: {  	[tilespmem:s2+$0xC7D0] =	vst v21;
	v43 =	vld.idx.msk [tilespmem:v12+s0+$0x10310], $0xffff;
	v16 =	vmul.f32 $8.000000000e+00, v16  }
0x36b: {  	v47 =	vld.idx.msk [tilespmem:v12+s0+$0x10750], $0xffff;
	[tilespmem:s2+$0xC7A0] =	vst v17  }
0x36c: {  	v17 =	vmul.f32 $8.000000000e+00, v38;
	[tilespmem:s2+$0xC7B0] =	vst v16;
	v16 =	vld.idx.msk [tilespmem:v12+s0+$0x10420], $0xffff  }
0x36d: {  	[tilespmem:s0+$0x10AA2] =	vst v58;
	v41 =	vld.idx.msk [tilespmem:v15+s0+$0x10200], $0xffff;
	v48 =	vmul.f32 $8.000000000e+00, v44  }
0x36e: {  	v18 =	vmul.f32 $8.000000000e+00, v42;
	[tilespmem:s2+$0xC7C0] =	vst v17;
	v17 =	vld.idx.msk [tilespmem:v12+s0+$0x10530], $0xffff  }
0x36f: {  	[tilespmem:s2+$0xC7F0] =	vst v48;
	v45 =	vld.idx.msk [tilespmem:v12+s0+$0x10640], $0xffff;
	v46 =	vmul.f32 $8.000000000e+00, v43  }
0x370: {  	v63 =	vld [tilespmem:s30+$0x62C0];
	[tilespmem:s2+$0xC7E0] =	vst v18;
	v22 =	vmul.f32 $8.000000000e+00, v47  }
0x371: {  	v50 =	vld.idx.msk [tilespmem:v12+s0+$0x10860], $0xffff;
	[tilespmem:s2+$0xC810] =	vst v46;
	v16 =	vmul.f32 $8.000000000e+00, v16  }
0x372: {  	v19 =	vmul.f32 $8.000000000e+00, v41;
	[tilespmem:s2+$0xC850] =	vst v22;
	v51 =	vld.idx.msk [tilespmem:v13+s0+$0x10310], $0xffff  }
0x373: {  	v17 =	vmul.f32 $8.000000000e+00, v17;
	[tilespmem:s2+$0xC820] =	vst v16;
	v16 =	vld.idx.msk [tilespmem:v12+s0+$0x10970], $0xffff  }
0x374: {  	[tilespmem:s2+$0xC980] =	vst v19;
	v55 =	vld.idx.msk [tilespmem:v13+s0+$0x10750], $0xffff;
	v21 =	vmul.f32 $8.000000000e+00, v45  }
0x375: {  	[tilespmem:s2+$0xC830] =	vst v17;
	v17 =	vld.idx.msk [tilespmem:v13+s0+$0x10420], $0xffff  }
0x376: {  	v19 =	vmul.f32 $8.000000000e+00, v50;
	v52 =	vld.idx.msk [tilespmem:v13+s0+$0x10530], $0xffff;
	[tilespmem:s2+$0xC840] =	vst v21  }
0x377: {  	[tilespmem:s0+$0x10AB3] =	vst v63;
	v54 =	vld.idx.msk [tilespmem:v13+s0+$0x10640], $0xffff;
	v18 =	vmul.f32 $8.000000000e+00, v51  }
0x378: {  	v27 =	vld [tilespmem:s30+$0x6300];
	[tilespmem:s2+$0xC860] =	vst v19;
	v16 =	vmul.f32 $8.000000000e+00, v16  }
0x379: {  	v56 =	vld.idx.msk [tilespmem:v13+s0+$0x10860], $0xffff;
	v19 =	vmul.f32 $8.000000000e+00, v55;
	[tilespmem:s2+$0xC890] =	vst v18  }
0x37a: {  	v17 =	vmul.f32 $8.000000000e+00, v17;
	[tilespmem:s2+$0xC870] =	vst v16;
	v16 =	vld.idx.msk [tilespmem:v14+s0+$0x10310], $0xffff  }
0x37b: {  	[tilespmem:s2+$0xC8D0] =	vst v19;
	v20 =	vmul.f32 $8.000000000e+00, v52;
	v57 =	vld.idx.msk [tilespmem:v13+s0+$0x10970], $0xffff  }
0x37c: {  	v61 =	vld.idx.msk [tilespmem:v14+s0+$0x10750], $0xffff;
	[tilespmem:s2+$0xC8A0] =	vst v17;
	v17 =	vmul.f32 $8.000000000e+00, v54  }
0x37d: {  	[tilespmem:s2+$0xC8B0] =	vst v20;
	v59 =	vld.idx.msk [tilespmem:v14+s0+$0x10420], $0xffff  }
0x37e: {  	v18 =	vmul.f32 $8.000000000e+00, v56;
	[tilespmem:s2+$0xC8C0] =	vst v17;
	v17 =	vld.idx.msk [tilespmem:v14+s0+$0x10530], $0xffff  }
0x37f: {  	[tilespmem:s0+$0x10AC4] =	vst v27;
	v16 =	vmul.f32 $8.000000000e+00, v16  }
0x380: {  	[tilespmem:s2+$0xC8E0] =	vst v18;
	v60 =	vld.idx.msk [tilespmem:v14+s0+$0x10640], $0xffff;
	v21 =	vmul.f32 $8.000000000e+00, v57  }
0x381: {  	v18 =	vmul.f32 $8.000000000e+00, v61;
	[tilespmem:s2+$0xC910] =	vst v16  }
0x382: {  	v62 =	vld.idx.msk [tilespmem:v14+s0+$0x10860], $0xffff;
	v20 =	vmul.f32 $8.000000000e+00, v59;
	[tilespmem:s2+$0xC8F0] =	vst v21  }
0x383: {  	[tilespmem:s2+$0xC950] =	vst v18;
	v16 =	vmul.f32 $8.000000000e+00, v17;
	v17 =	vld.idx.msk [tilespmem:v14+s0+$0x10970], $0xffff  }
0x384: {  	v18 =	vld [tilespmem:s30+$0x6340];
	[tilespmem:s2+$0xC920] =	vst v20  }
0x385: {  	v19 =	vmul.f32 $8.000000000e+00, v60;
	[tilespmem:s2+$0xC930] =	vst v16;
	v16 =	vld.idx.msk [tilespmem:v15+s0+$0x10420], $0xffff  }
0x386: {  	v24 =	vld.idx.msk [tilespmem:v15+s0+$0x10310], $0xffff  }
0x387: {  	v22 =	vmul.f32 $8.000000000e+00, v62;
	[tilespmem:s2+$0xC940] =	vst v19;
	v25 =	vld.idx.msk [tilespmem:v15+s0+$0x10530], $0xffff  }
0x388: {  	v26 =	vld.idx.msk [tilespmem:v15+s0+$0x10640], $0xffff;
	v17 =	vmul.f32 $8.000000000e+00, v17  }
0x389: {  	v28 =	vld.idx.msk [tilespmem:v15+s0+$0x10750], $0xffff;
	[tilespmem:s2+$0xC960] =	vst v22  }
0x38a: {  	v16 =	vmul.f32 $8.000000000e+00, v16;
	[tilespmem:s2+$0xC970] =	vst v17;
	v17 =	vld.idx.msk [tilespmem:v15+s0+$0x10860], $0xffff  }
0x38b: {  	[tilespmem:s0+$0x10AD5] =	vst v18;
	v20 =	vmul.f32 $8.000000000e+00, v24;
	v29 =	vld.idx.msk [tilespmem:v15+s0+$0x10970], $0xffff  }
0x38c: {  	[tilespmem:s2+$0xC9A0] =	vst v16;
	v16 =	vmul.f32 $8.000000000e+00, v25  }
0x38d: {  	[tilespmem:s2+$0xC990] =	vst v20;
	v30 =	vmul.f32 $8.000000000e+00, v26  }
0x38e: {  	[tilespmem:s2+$0xC9B0] =	vst v16;
	v16 =	vmul.f32 $8.000000000e+00, v28  }
0x38f: {  	[tilespmem:s2+$0xC9C0] =	vst v30;
	v17 =	vmul.f32 $8.000000000e+00, v17  }
0x390: {  	[tilespmem:s2+$0xC9D0] =	vst v16;
	v16 =	vmul.f32 $8.000000000e+00, v29  }
0x391: {  	[tilespmem:s2+$0xC9E0] =	vst v17  }
0x392: {  	[tilespmem:s2+$0xC9F0] =	vst v16  }
0x393: {  	v16 =	vld [tilespmem:s30+$0x6380]  }
0x394: {  	v17 =	vld [tilespmem:s30+$0x6600];
	_ =	sdelay $0x4  }
0x395: {  	[tilespmem:s0+$0x10B90] =	vst v17  }
0x396: {  	v17 =	vld [tilespmem:s30+$0x6640];
	_ =	sdelay $0x4  }
0x397: {  	[tilespmem:s0+$0x10BA1] =	vst v17  }
0x398: {  	v17 =	vld [tilespmem:s30+$0x6680];
	_ =	sdelay $0x4  }
0x399: {  	[tilespmem:s0+$0x10BB2] =	vst v17  }
0x39a: {  	v17 =	vld [tilespmem:s30+$0x66C0];
	_ =	sdelay $0x4  }
0x39b: {  	[tilespmem:s0+$0x10BC3] =	vst v17  }
0x39c: {  	v17 =	vld [tilespmem:s30+$0x6700];
	_ =	sdelay $0x4  }
0x39d: {  	[tilespmem:s0+$0x10BD4] =	vst v17  }
0x39e: {  	v17 =	vld [tilespmem:s30+$0x6740];
	_ =	sdelay $0x4  }
0x39f: {  	v32 =	vld [tilespmem:s30+$0x6A00];
	[tilespmem:s0+$0x10BE5] =	vst v17  }
0x3a0: {  	v17 =	vld [tilespmem:s30+$0x6780]  }
0x3a1: {  	v33 =	vld [tilespmem:s30+$0x6E00]  }
0x3a2: {  	v34 =	vld [tilespmem:s30+$0x7200]  }
0x3a3: {  	v35 =	vld [tilespmem:s30+$0x7600]  }
0x3a4: {  	v36 =	vld [tilespmem:s30+$0x7A00];
	[tilespmem:s0+$0x10AE6] =	vst v16  }
0x3a5: {  	v37 =	vld [tilespmem:s30+$0x7E00];
	[tilespmem:s0+$0x10BF6] =	vst v17  }
0x3a6: {  	[tilespmem:s0+$0x10CA0] =	vst v32;
	v17 =	vld [tilespmem:s30+$0x67C0]  }
0x3a7: {  	[tilespmem:s0+$0x10DB0] =	vst v33;
	v16 =	vld [tilespmem:s30+$0x63C0]  }
0x3a8: {  	[tilespmem:s0+$0x10EC0] =	vst v34;
	v38 =	vld [tilespmem:s30+$0x6A40]  }
0x3a9: {  	[tilespmem:s0+$0x10FD0] =	vst v35;
	v39 =	vld [tilespmem:s30+$0x6E40]  }
0x3aa: {  	[tilespmem:s0+$0x110E0] =	vst v36;
	v40 =	vld [tilespmem:s30+$0x7240]  }
0x3ab: {  	v41 =	vld [tilespmem:s30+$0x7640];
	[tilespmem:s0+$0x10C07] =	vst v17  }
0x3ac: {  	[tilespmem:s0+$0x111F0] =	vst v37;
	v17 =	vld [tilespmem:s30+$0x6800]  }
0x3ad: {  	v42 =	vld [tilespmem:s30+$0x7A40];
	[tilespmem:s0+$0x10AF7] =	vst v16  }
0x3ae: {  	v43 =	vld [tilespmem:s30+$0x7E40];
	[tilespmem:s0+$0x10CB1] =	vst v38  }
0x3af: {  	[tilespmem:s0+$0x10DC1] =	vst v39;
	v16 =	vld [tilespmem:s30+$0x6400]  }
0x3b0: {  	[tilespmem:s0+$0x10ED1] =	vst v40;
	v44 =	vld [tilespmem:s30+$0x6A80]  }
0x3b1: {  	v45 =	vld [tilespmem:s30+$0x6E80];
	[tilespmem:s0+$0x10C18] =	vst v17  }
0x3b2: {  	[tilespmem:s0+$0x10FE1] =	vst v41;
	v17 =	vld [tilespmem:s30+$0x6840]  }
0x3b3: {  	[tilespmem:s0+$0x110F1] =	vst v42;
	v46 =	vld [tilespmem:s30+$0x7280]  }
0x3b4: {  	[tilespmem:s0+$0x11201] =	vst v43;
	v47 =	vld [tilespmem:s30+$0x7680]  }
0x3b5: {  	v48 =	vld [tilespmem:s30+$0x7A80];
	[tilespmem:s0+$0x10B08] =	vst v16  }
0x3b6: {  	v49 =	vld [tilespmem:s30+$0x7E80];
	[tilespmem:s0+$0x10CC2] =	vst v44  }
0x3b7: {  	v16 =	vld [tilespmem:s30+$0x6440];
	[tilespmem:s0+$0x10C29] =	vst v17  }
0x3b8: {  	[tilespmem:s0+$0x10DD2] =	vst v45;
	v17 =	vld [tilespmem:s30+$0x6880]  }
0x3b9: {  	[tilespmem:s0+$0x10EE2] =	vst v46;
	v50 =	vld [tilespmem:s30+$0x6AC0]  }
0x3ba: {  	[tilespmem:s0+$0x10FF2] =	vst v47;
	v51 =	vld [tilespmem:s30+$0x6EC0]  }
0x3bb: {  	[tilespmem:s0+$0x11102] =	vst v48;
	v52 =	vld [tilespmem:s30+$0x72C0]  }
0x3bc: {  	[tilespmem:s0+$0x11212] =	vst v49;
	v53 =	vld [tilespmem:s30+$0x76C0]  }
0x3bd: {  	v54 =	vld [tilespmem:s30+$0x7AC0];
	[tilespmem:s0+$0x10C3A] =	vst v17  }
0x3be: {  	[tilespmem:s0+$0x10B19] =	vst v16;
	v17 =	vld [tilespmem:s30+$0x68C0]  }
0x3bf: {  	v55 =	vld [tilespmem:s30+$0x7EC0];
	[tilespmem:s0+$0x10CD3] =	vst v50  }
0x3c0: {  	[tilespmem:s0+$0x10DE3] =	vst v51;
	v16 =	vld [tilespmem:s30+$0x6480]  }
0x3c1: {  	[tilespmem:s0+$0x10EF3] =	vst v52;
	v56 =	vld [tilespmem:s30+$0x6B00]  }
0x3c2: {  	[tilespmem:s0+$0x11003] =	vst v53;
	v57 =	vld [tilespmem:s30+$0x6F00]  }
0x3c3: {  	v58 =	vld [tilespmem:s30+$0x7300];
	[tilespmem:s0+$0x10C4B] =	vst v17  }
0x3c4: {  	[tilespmem:s0+$0x11113] =	vst v54;
	v17 =	vld [tilespmem:s30+$0x6900]  }
0x3c5: {  	[tilespmem:s0+$0x11223] =	vst v55;
	v59 =	vld [tilespmem:s30+$0x7700]  }
0x3c6: {  	v60 =	vld [tilespmem:s30+$0x7B00];
	[tilespmem:s0+$0x10B2A] =	vst v16  }
0x3c7: {  	v61 =	vld [tilespmem:s30+$0x7F00];
	[tilespmem:s0+$0x10CE4] =	vst v56  }
0x3c8: {  	[tilespmem:s0+$0x10DF4] =	vst v57;
	v16 =	vld [tilespmem:s30+$0x64C0]  }
0x3c9: {  	v62 =	vld [tilespmem:s30+$0x6B40];
	[tilespmem:s0+$0x10C5C] =	vst v17  }
0x3ca: {  	[tilespmem:s0+$0x10F04] =	vst v58;
	v17 =	vld [tilespmem:s30+$0x6940]  }
0x3cb: {  	[tilespmem:s0+$0x11014] =	vst v59;
	v63 =	vld [tilespmem:s30+$0x6F40]  }
0x3cc: {  	[tilespmem:s0+$0x11124] =	vst v60;
	v24 =	vld [tilespmem:s30+$0x7340]  }
0x3cd: {  	[tilespmem:s0+$0x11234] =	vst v61;
	v25 =	vld [tilespmem:s30+$0x7740]  }
0x3ce: {  	v26 =	vld [tilespmem:s30+$0x7B40];
	[tilespmem:s0+$0x10B3B] =	vst v16  }
0x3cf: {  	v27 =	vld [tilespmem:s30+$0x7F40];
	[tilespmem:s0+$0x10C6D] =	vst v17  }
0x3d0: {  	[tilespmem:s0+$0x10CF5] =	vst v62;
	v17 =	vld [tilespmem:s30+$0x6980]  }
0x3d1: {  	[tilespmem:s0+$0x10E05] =	vst v63;
	v16 =	vld [tilespmem:s30+$0x6500]  }
0x3d2: {  	[tilespmem:s0+$0x10F15] =	vst v24;
	v28 =	vld [tilespmem:s30+$0x6B80]  }
0x3d3: {  	[tilespmem:s0+$0x11025] =	vst v25;
	v29 =	vld [tilespmem:s30+$0x6F80]  }
0x3d4: {  	[tilespmem:s0+$0x11135] =	vst v26;
	v30 =	vld [tilespmem:s30+$0x7380]  }
0x3d5: {  	v32 =	vld [tilespmem:s30+$0x7B80];
	[tilespmem:s0+$0x10C7E] =	vst v17  }
0x3d6: {  	[tilespmem:s0+$0x11245] =	vst v27;
	v31 =	vld [tilespmem:s30+$0x69C0]  }
0x3d7: {  	v33 =	vld [tilespmem:s30+$0x7F80];
	[tilespmem:s0+$0x10B4C] =	vst v16  }
0x3d8: {  	[tilespmem:s0+$0x10D06] =	vst v28;
	v16 =	vld [tilespmem:s30+$0x6540]  }
0x3d9: {  	[tilespmem:s0+$0x10E16] =	vst v29;
	v34 =	vld [tilespmem:s30+$0x6BC0]  }
0x3da: {  	[tilespmem:s0+$0x10F26] =	vst v30;
	v35 =	vld [tilespmem:s30+$0x6FC0]  }
0x3db: {  	[tilespmem:s0+$0x10C8F] =	vst v31;
	v31 =	vld [tilespmem:s30+$0x7780]  }
0x3dc: {  	[tilespmem:s0+$0x11146] =	vst v32;
	v36 =	vld [tilespmem:s30+$0x73C0]  }
0x3dd: {  	[tilespmem:s0+$0x11256] =	vst v33;
	v38 =	vld [tilespmem:s30+$0x7BC0]  }
0x3de: {  	v39 =	vld [tilespmem:s30+$0x7FC0];
	[tilespmem:s0+$0x10B5D] =	vst v16  }
0x3df: {  	[tilespmem:s0+$0x10D17] =	vst v34;
	v16 =	vld [tilespmem:s30+$0x6580]  }
0x3e0: {  	v40 =	vld [tilespmem:s30+$0x6C00];
	[tilespmem:s0+$0x11036] =	vst v31  }
0x3e1: {  	[tilespmem:s0+$0x10E27] =	vst v35;
	v37 =	vld [tilespmem:s30+$0x77C0]  }
0x3e2: {  	[tilespmem:s0+$0x10F37] =	vst v36;
	v41 =	vld [tilespmem:s30+$0x7000]  }
0x3e3: {  	[tilespmem:s0+$0x11157] =	vst v38;
	v42 =	vld [tilespmem:s30+$0x7400]  }
0x3e4: {  	[tilespmem:s0+$0x11267] =	vst v39;
	v44 =	vld [tilespmem:s30+$0x7C00]  }
0x3e5: {  	v45 =	vld [tilespmem:s30+$0x8000];
	[tilespmem:s0+$0x10B6E] =	vst v16  }
0x3e6: {  	v16 =	vld [tilespmem:s30+$0x65C0];
	[tilespmem:s0+$0x11047] =	vst v37  }
0x3e7: {  	[tilespmem:s0+$0x10D28] =	vst v40;
	v43 =	vld [tilespmem:s30+$0x7800]  }
0x3e8: {  	[tilespmem:s0+$0x10F48] =	vst v42;
	v46 =	vld [tilespmem:s30+$0x6C40]  }
0x3e9: {  	[tilespmem:s0+$0x11168] =	vst v44;
	v48 =	vld [tilespmem:s30+$0x7440]  }
0x3ea: {  	[tilespmem:s0+$0x10E38] =	vst v41;
	v50 =	vld [tilespmem:s30+$0x7C40]  }
0x3eb: {  	[tilespmem:s0+$0x11278] =	vst v45;
	v47 =	vld [tilespmem:s30+$0x7040]  }
0x3ec: {  	v51 =	vld [tilespmem:s30+$0x8040];
	[tilespmem:s0+$0x11058] =	vst v43  }
0x3ed: {  	[tilespmem:s0+$0x10D39] =	vst v46;
	v49 =	vld [tilespmem:s30+$0x7840]  }
0x3ee: {  	[tilespmem:s0+$0x10F59] =	vst v48;
	v52 =	vld [tilespmem:s30+$0x6C80]  }
0x3ef: {  	[tilespmem:s0+$0x11179] =	vst v50;
	v54 =	vld [tilespmem:s30+$0x7480]  }
0x3f0: {  	[tilespmem:s0+$0x10E49] =	vst v47;
	v56 =	vld [tilespmem:s30+$0x7C80]  }
0x3f1: {  	[tilespmem:s0+$0x11289] =	vst v51;
	v53 =	vld [tilespmem:s30+$0x7080]  }
0x3f2: {  	v57 =	vld [tilespmem:s30+$0x8080];
	[tilespmem:s0+$0x11069] =	vst v49  }
0x3f3: {  	[tilespmem:s0+$0x10D4A] =	vst v52;
	v55 =	vld [tilespmem:s30+$0x7880]  }
0x3f4: {  	[tilespmem:s0+$0x10F6A] =	vst v54;
	v58 =	vld [tilespmem:s30+$0x6CC0]  }
0x3f5: {  	[tilespmem:s0+$0x1118A] =	vst v56;
	v60 =	vld [tilespmem:s30+$0x74C0]  }
0x3f6: {  	[tilespmem:s0+$0x10E5A] =	vst v53;
	v62 =	vld [tilespmem:s30+$0x7CC0]  }
0x3f7: {  	[tilespmem:s0+$0x1129A] =	vst v57;
	v59 =	vld [tilespmem:s30+$0x70C0]  }
0x3f8: {  	v63 =	vld [tilespmem:s30+$0x80C0];
	[tilespmem:s0+$0x1107A] =	vst v55  }
0x3f9: {  	[tilespmem:s0+$0x10D5B] =	vst v58;
	v61 =	vld [tilespmem:s30+$0x78C0]  }
0x3fa: {  	[tilespmem:s0+$0x10F7B] =	vst v60;
	v24 =	vld [tilespmem:s30+$0x6D00]  }
0x3fb: {  	[tilespmem:s0+$0x1119B] =	vst v62;
	v26 =	vld [tilespmem:s30+$0x7500]  }
0x3fc: {  	[tilespmem:s0+$0x10E6B] =	vst v59;
	v28 =	vld [tilespmem:s30+$0x7D00]  }
0x3fd: {  	[tilespmem:s0+$0x112AB] =	vst v63;
	v25 =	vld [tilespmem:s30+$0x7100]  }
0x3fe: {  	v29 =	vld [tilespmem:s30+$0x8100];
	[tilespmem:s0+$0x1108B] =	vst v61  }
0x3ff: {  	[tilespmem:s0+$0x10D6C] =	vst v24;
	v27 =	vld [tilespmem:s30+$0x7900]  }
0x400: {  	[tilespmem:s0+$0x10F8C] =	vst v26;
	v30 =	vld [tilespmem:s30+$0x6D40]  }
0x401: {  	[tilespmem:s0+$0x111AC] =	vst v28;
	v32 =	vld [tilespmem:s30+$0x7540]  }
0x402: {  	[tilespmem:s0+$0x10E7C] =	vst v25;
	v34 =	vld [tilespmem:s30+$0x7D40]  }
0x403: {  	[tilespmem:s0+$0x112BC] =	vst v29;
	v31 =	vld [tilespmem:s30+$0x7140]  }
0x404: {  	v35 =	vld [tilespmem:s30+$0x8140];
	[tilespmem:s0+$0x1109C] =	vst v27  }
0x405: {  	[tilespmem:s0+$0x10D7D] =	vst v30;
	v33 =	vld [tilespmem:s30+$0x7940]  }
0x406: {  	[tilespmem:s0+$0x10F9D] =	vst v32;
	v36 =	vld [tilespmem:s30+$0x6D80]  }
0x407: {  	[tilespmem:s0+$0x111BD] =	vst v34;
	v38 =	vld [tilespmem:s30+$0x7580]  }
0x408: {  	v40 =	vld [tilespmem:s30+$0x7D80];
	[tilespmem:s0+$0x10E8D] =	vst v31  }
0x409: {  	[tilespmem:s0+$0x112CD] =	vst v35;
	v37 =	vld [tilespmem:s30+$0x7180]  }
0x40a: {  	v41 =	vld [tilespmem:s30+$0x8180];
	[tilespmem:s0+$0x110AD] =	vst v33  }
0x40b: {  	[tilespmem:s0+$0x10B7F] =	vst v16;
	v39 =	vld [tilespmem:s30+$0x7980]  }
0x40c: {  	v17 =	vld.idx.msk [tilespmem:v0+s0+$0x10A80], $0xffff;
	[tilespmem:s0+$0x10D8E] =	vst v36  }
0x40d: {  	[tilespmem:s0+$0x10FAE] =	vst v38;
	v42 =	vld [tilespmem:s30+$0x6DC0]  }
0x40e: {  	v44 =	vld [tilespmem:s30+$0x75C0];
	[tilespmem:s0+$0x10E9E] =	vst v37  }
0x40f: {  	[tilespmem:s0+$0x111CE] =	vst v40;
	v43 =	vld [tilespmem:s30+$0x71C0]  }
0x410: {  	v46 =	vld [tilespmem:s30+$0x7DC0];
	[tilespmem:s0+$0x110BE] =	vst v39  }
0x411: {  	[tilespmem:s0+$0x112DE] =	vst v41;
	v45 =	vld [tilespmem:s30+$0x79C0]  }
0x412: {  	v47 =	vld [tilespmem:s30+$0x81C0]  }
0x413: {  	[tilespmem:s0+$0x10D9F] =	vst v42;
	v16 =	vld.idx.msk [tilespmem:v0+s0+$0x10B90], $0xffff  }
0x414: {  	v48 =	vld.idx.msk [tilespmem:v0+s0+$0x10CA0], $0xffff;
	[tilespmem:s0+$0x10EAF] =	vst v43  }
0x415: {  	[tilespmem:s0+$0x10FBF] =	vst v44;
	v49 =	vld.idx.msk [tilespmem:v0+s0+$0x10DB0], $0xffff  }
0x416: {  	v50 =	vld.idx.msk [tilespmem:v0+s0+$0x10EC0], $0xffff;
	[tilespmem:s0+$0x110CF] =	vst v45  }
0x417: {  	v17 =	vmul.f32 $8.000000000e+00, v17;
	[tilespmem:s0+$0x111DF] =	vst v46;
	v51 =	vld.idx.msk [tilespmem:v0+s0+$0x10FD0], $0xffff  }
0x418: {  	[tilespmem:s0+$0x112EF] =	vst v47;
	v52 =	vld.idx.msk [tilespmem:v0+s0+$0x110E0], $0xffff;
	v16 =	vmul.f32 $8.000000000e+00, v16  }
0x419: {  	[tilespmem:s2+$0xE200] =	vst v17;
	v53 =	vld.idx.msk [tilespmem:v0+s0+$0x111F0], $0xffff;
	v17 =	vmul.f32 $8.000000000e+00, v48  }
0x41a: {  	[tilespmem:s2+$0xE210] =	vst v16;
	v16 =	vld.idx.msk [tilespmem:v1+s0+$0x10A80], $0xffff;
	v20 =	vmul.f32 $8.000000000e+00, v49  }
0x41b: {  	v21 =	vmul.f32 $8.000000000e+00, v50;
	[tilespmem:s2+$0xE220] =	vst v17;
	v17 =	vld.idx.msk [tilespmem:v1+s0+$0x10B90], $0xffff  }
0x41c: {  	v54 =	vld.idx.msk [tilespmem:v1+s0+$0x10CA0], $0xffff;
	[tilespmem:s2+$0xE230] =	vst v20;
	v22 =	vmul.f32 $8.000000000e+00, v51  }
0x41d: {  	v18 =	vmul.f32 $8.000000000e+00, v52;
	[tilespmem:s2+$0xE240] =	vst v21;
	v55 =	vld.idx.msk [tilespmem:v1+s0+$0x10DB0], $0xffff  }
0x41e: {  	v19 =	vmul.f32 $8.000000000e+00, v53;
	v56 =	vld.idx.msk [tilespmem:v1+s0+$0x10EC0], $0xffff;
	[tilespmem:s2+$0xE250] =	vst v22  }
0x41f: {  	[tilespmem:s2+$0xE260] =	vst v18;
	v16 =	vmul.f32 $8.000000000e+00, v16;
	v57 =	vld.idx.msk [tilespmem:v1+s0+$0x10FD0], $0xffff  }
0x420: {  	[tilespmem:s2+$0xE270] =	vst v19;
	v58 =	vld.idx.msk [tilespmem:v1+s0+$0x110E0], $0xffff;
	v17 =	vmul.f32 $8.000000000e+00, v17  }
0x421: {  	v59 =	vld.idx.msk [tilespmem:v1+s0+$0x111F0], $0xffff;
	[tilespmem:s2+$0xE280] =	vst v16;
	v16 =	vmul.f32 $8.000000000e+00, v54  }
0x422: {  	[tilespmem:s2+$0xE290] =	vst v17;
	v17 =	vld.idx.msk [tilespmem:v2+s0+$0x10A80], $0xffff;
	v21 =	vmul.f32 $8.000000000e+00, v55  }
0x423: {  	[tilespmem:s2+$0xE2A0] =	vst v16;
	v16 =	vld.idx.msk [tilespmem:v2+s0+$0x10B90], $0xffff;
	v22 =	vmul.f32 $8.000000000e+00, v56  }
0x424: {  	v60 =	vld.idx.msk [tilespmem:v2+s0+$0x10CA0], $0xffff;
	[tilespmem:s2+$0xE2B0] =	vst v21;
	v18 =	vmul.f32 $8.000000000e+00, v57  }
0x425: {  	v19 =	vmul.f32 $8.000000000e+00, v58;
	v61 =	vld.idx.msk [tilespmem:v2+s0+$0x10DB0], $0xffff;
	[tilespmem:s2+$0xE2C0] =	vst v22  }
0x426: {  	v20 =	vmul.f32 $8.000000000e+00, v59;
	v62 =	vld.idx.msk [tilespmem:v2+s0+$0x10EC0], $0xffff;
	[tilespmem:s2+$0xE2D0] =	vst v18  }
0x427: {  	[tilespmem:s2+$0xE2E0] =	vst v19;
	v17 =	vmul.f32 $8.000000000e+00, v17;
	v63 =	vld.idx.msk [tilespmem:v2+s0+$0x10FD0], $0xffff  }
0x428: {  	v24 =	vld.idx.msk [tilespmem:v2+s0+$0x110E0], $0xffff;
	v16 =	vmul.f32 $8.000000000e+00, v16;
	[tilespmem:s2+$0xE2F0] =	vst v20  }
0x429: {  	[tilespmem:s2+$0xE300] =	vst v17;
	v17 =	vmul.f32 $8.000000000e+00, v60;
	v25 =	vld.idx.msk [tilespmem:v2+s0+$0x111F0], $0xffff  }
0x42a: {  	[tilespmem:s2+$0xE310] =	vst v16;
	v16 =	vld.idx.msk [tilespmem:v3+s0+$0x10A80], $0xffff;
	v22 =	vmul.f32 $8.000000000e+00, v61  }
0x42b: {  	[tilespmem:s2+$0xE320] =	vst v17;
	v17 =	vld.idx.msk [tilespmem:v3+s0+$0x10B90], $0xffff;
	v18 =	vmul.f32 $8.000000000e+00, v62  }
0x42c: {  	v26 =	vld.idx.msk [tilespmem:v3+s0+$0x10CA0], $0xffff;
	[tilespmem:s2+$0xE330] =	vst v22;
	v19 =	vmul.f32 $8.000000000e+00, v63  }
0x42d: {  	v20 =	vmul.f32 $8.000000000e+00, v24;
	v27 =	vld.idx.msk [tilespmem:v3+s0+$0x10DB0], $0xffff;
	[tilespmem:s2+$0xE340] =	vst v18  }
0x42e: {  	v21 =	vmul.f32 $8.000000000e+00, v25;
	v28 =	vld.idx.msk [tilespmem:v3+s0+$0x10EC0], $0xffff;
	[tilespmem:s2+$0xE350] =	vst v19  }
0x42f: {  	v16 =	vmul.f32 $8.000000000e+00, v16;
	[tilespmem:s2+$0xE360] =	vst v20;
	v29 =	vld.idx.msk [tilespmem:v3+s0+$0x10FD0], $0xffff  }
0x430: {  	v17 =	vmul.f32 $8.000000000e+00, v17;
	v30 =	vld.idx.msk [tilespmem:v3+s0+$0x110E0], $0xffff;
	[tilespmem:s2+$0xE370] =	vst v21  }
0x431: {  	[tilespmem:s2+$0xE380] =	vst v16;
	v16 =	vmul.f32 $8.000000000e+00, v26;
	v31 =	vld.idx.msk [tilespmem:v3+s0+$0x111F0], $0xffff  }
0x432: {  	[tilespmem:s2+$0xE390] =	vst v17;
	v17 =	vld.idx.msk [tilespmem:v4+s0+$0x10A80], $0xffff;
	v18 =	vmul.f32 $8.000000000e+00, v27  }
0x433: {  	[tilespmem:s2+$0xE3A0] =	vst v16;
	v16 =	vld.idx.msk [tilespmem:v4+s0+$0x10B90], $0xffff;
	v19 =	vmul.f32 $8.000000000e+00, v28  }
0x434: {  	v32 =	vld.idx.msk [tilespmem:v4+s0+$0x10CA0], $0xffff;
	[tilespmem:s2+$0xE3B0] =	vst v18;
	v20 =	vmul.f32 $8.000000000e+00, v29  }
0x435: {  	v21 =	vmul.f32 $8.000000000e+00, v30;
	v33 =	vld.idx.msk [tilespmem:v4+s0+$0x10DB0], $0xffff;
	[tilespmem:s2+$0xE3C0] =	vst v19  }
0x436: {  	v22 =	vmul.f32 $8.000000000e+00, v31;
	v34 =	vld.idx.msk [tilespmem:v4+s0+$0x10EC0], $0xffff;
	[tilespmem:s2+$0xE3D0] =	vst v20  }
0x437: {  	v17 =	vmul.f32 $8.000000000e+00, v17;
	[tilespmem:s2+$0xE3E0] =	vst v21;
	v35 =	vld.idx.msk [tilespmem:v4+s0+$0x10FD0], $0xffff  }
0x438: {  	v16 =	vmul.f32 $8.000000000e+00, v16;
	v36 =	vld.idx.msk [tilespmem:v4+s0+$0x110E0], $0xffff;
	[tilespmem:s2+$0xE3F0] =	vst v22  }
0x439: {  	[tilespmem:s2+$0xE400] =	vst v17;
	v17 =	vmul.f32 $8.000000000e+00, v32;
	v37 =	vld.idx.msk [tilespmem:v4+s0+$0x111F0], $0xffff  }
0x43a: {  	[tilespmem:s2+$0xE410] =	vst v16;
	v16 =	vld.idx.msk [tilespmem:v5+s0+$0x10A80], $0xffff;
	v19 =	vmul.f32 $8.000000000e+00, v33  }
0x43b: {  	[tilespmem:s2+$0xE420] =	vst v17;
	v17 =	vld.idx.msk [tilespmem:v5+s0+$0x10B90], $0xffff;
	v20 =	vmul.f32 $8.000000000e+00, v34  }
0x43c: {  	v38 =	vld.idx.msk [tilespmem:v5+s0+$0x10CA0], $0xffff;
	[tilespmem:s2+$0xE430] =	vst v19;
	v21 =	vmul.f32 $8.000000000e+00, v35  }
0x43d: {  	v22 =	vmul.f32 $8.000000000e+00, v36;
	v39 =	vld.idx.msk [tilespmem:v5+s0+$0x10DB0], $0xffff;
	[tilespmem:s2+$0xE440] =	vst v20  }
0x43e: {  	v18 =	vmul.f32 $8.000000000e+00, v37;
	v40 =	vld.idx.msk [tilespmem:v5+s0+$0x10EC0], $0xffff;
	[tilespmem:s2+$0xE450] =	vst v21  }
0x43f: {  	v16 =	vmul.f32 $8.000000000e+00, v16;
	[tilespmem:s2+$0xE460] =	vst v22;
	v41 =	vld.idx.msk [tilespmem:v5+s0+$0x10FD0], $0xffff  }
0x440: {  	v17 =	vmul.f32 $8.000000000e+00, v17;
	v42 =	vld.idx.msk [tilespmem:v5+s0+$0x110E0], $0xffff;
	[tilespmem:s2+$0xE470] =	vst v18  }
0x441: {  	[tilespmem:s2+$0xE480] =	vst v16;
	v16 =	vmul.f32 $8.000000000e+00, v38;
	v43 =	vld.idx.msk [tilespmem:v5+s0+$0x111F0], $0xffff  }
0x442: {  	[tilespmem:s2+$0xE490] =	vst v17;
	v17 =	vld.idx.msk [tilespmem:v6+s0+$0x10A80], $0xffff;
	v20 =	vmul.f32 $8.000000000e+00, v39  }
0x443: {  	[tilespmem:s2+$0xE4A0] =	vst v16;
	v16 =	vld.idx.msk [tilespmem:v6+s0+$0x10B90], $0xffff;
	v21 =	vmul.f32 $8.000000000e+00, v40  }
0x444: {  	v44 =	vld.idx.msk [tilespmem:v6+s0+$0x10CA0], $0xffff;
	[tilespmem:s2+$0xE4B0] =	vst v20;
	v22 =	vmul.f32 $8.000000000e+00, v41  }
0x445: {  	v18 =	vmul.f32 $8.000000000e+00, v42;
	v45 =	vld.idx.msk [tilespmem:v6+s0+$0x10DB0], $0xffff;
	[tilespmem:s2+$0xE4C0] =	vst v21  }
0x446: {  	v19 =	vmul.f32 $8.000000000e+00, v43;
	v46 =	vld.idx.msk [tilespmem:v6+s0+$0x10EC0], $0xffff;
	[tilespmem:s2+$0xE4D0] =	vst v22  }
0x447: {  	v17 =	vmul.f32 $8.000000000e+00, v17;
	[tilespmem:s2+$0xE4E0] =	vst v18;
	v47 =	vld.idx.msk [tilespmem:v6+s0+$0x10FD0], $0xffff  }
0x448: {  	v16 =	vmul.f32 $8.000000000e+00, v16;
	v48 =	vld.idx.msk [tilespmem:v6+s0+$0x110E0], $0xffff;
	[tilespmem:s2+$0xE4F0] =	vst v19  }
0x449: {  	[tilespmem:s2+$0xE500] =	vst v17;
	v17 =	vmul.f32 $8.000000000e+00, v44;
	v49 =	vld.idx.msk [tilespmem:v6+s0+$0x111F0], $0xffff  }
0x44a: {  	[tilespmem:s2+$0xE510] =	vst v16;
	v16 =	vld.idx.msk [tilespmem:v7+s0+$0x10A80], $0xffff;
	v21 =	vmul.f32 $8.000000000e+00, v45  }
0x44b: {  	[tilespmem:s2+$0xE520] =	vst v17;
	v17 =	vld.idx.msk [tilespmem:v7+s0+$0x10B90], $0xffff;
	v22 =	vmul.f32 $8.000000000e+00, v46  }
0x44c: {  	v50 =	vld.idx.msk [tilespmem:v7+s0+$0x10CA0], $0xffff;
	[tilespmem:s2+$0xE530] =	vst v21;
	v18 =	vmul.f32 $8.000000000e+00, v47  }
0x44d: {  	v19 =	vmul.f32 $8.000000000e+00, v48;
	v51 =	vld.idx.msk [tilespmem:v7+s0+$0x10DB0], $0xffff;
	[tilespmem:s2+$0xE540] =	vst v22  }
0x44e: {  	v20 =	vmul.f32 $8.000000000e+00, v49;
	v52 =	vld.idx.msk [tilespmem:v7+s0+$0x10EC0], $0xffff;
	[tilespmem:s2+$0xE550] =	vst v18  }
0x44f: {  	v16 =	vmul.f32 $8.000000000e+00, v16;
	[tilespmem:s2+$0xE560] =	vst v19;
	v53 =	vld.idx.msk [tilespmem:v7+s0+$0x10FD0], $0xffff  }
0x450: {  	v17 =	vmul.f32 $8.000000000e+00, v17;
	v54 =	vld.idx.msk [tilespmem:v7+s0+$0x110E0], $0xffff;
	[tilespmem:s2+$0xE570] =	vst v20  }
0x451: {  	[tilespmem:s2+$0xE580] =	vst v16;
	v16 =	vmul.f32 $8.000000000e+00, v50;
	v55 =	vld.idx.msk [tilespmem:v7+s0+$0x111F0], $0xffff  }
0x452: {  	[tilespmem:s2+$0xE590] =	vst v17;
	v17 =	vld.idx.msk [tilespmem:v8+s0+$0x10A80], $0xffff;
	v22 =	vmul.f32 $8.000000000e+00, v51  }
0x453: {  	[tilespmem:s2+$0xE5A0] =	vst v16;
	v16 =	vld.idx.msk [tilespmem:v8+s0+$0x10B90], $0xffff;
	v18 =	vmul.f32 $8.000000000e+00, v52  }
0x454: {  	v56 =	vld.idx.msk [tilespmem:v8+s0+$0x10CA0], $0xffff;
	[tilespmem:s2+$0xE5B0] =	vst v22;
	v19 =	vmul.f32 $8.000000000e+00, v53  }
0x455: {  	v20 =	vmul.f32 $8.000000000e+00, v54;
	v57 =	vld.idx.msk [tilespmem:v8+s0+$0x10DB0], $0xffff;
	[tilespmem:s2+$0xE5C0] =	vst v18  }
0x456: {  	v21 =	vmul.f32 $8.000000000e+00, v55;
	v58 =	vld.idx.msk [tilespmem:v8+s0+$0x10EC0], $0xffff;
	[tilespmem:s2+$0xE5D0] =	vst v19  }
0x457: {  	v17 =	vmul.f32 $8.000000000e+00, v17;
	[tilespmem:s2+$0xE5E0] =	vst v20;
	v59 =	vld.idx.msk [tilespmem:v8+s0+$0x10FD0], $0xffff  }
0x458: {  	v16 =	vmul.f32 $8.000000000e+00, v16;
	v60 =	vld.idx.msk [tilespmem:v8+s0+$0x110E0], $0xffff;
	[tilespmem:s2+$0xE5F0] =	vst v21  }
0x459: {  	[tilespmem:s2+$0xE600] =	vst v17;
	v17 =	vmul.f32 $8.000000000e+00, v56;
	v61 =	vld.idx.msk [tilespmem:v8+s0+$0x111F0], $0xffff  }
0x45a: {  	[tilespmem:s2+$0xE610] =	vst v16;
	v16 =	vld.idx.msk [tilespmem:v9+s0+$0x10A80], $0xffff;
	v18 =	vmul.f32 $8.000000000e+00, v57  }
0x45b: {  	[tilespmem:s2+$0xE620] =	vst v17;
	v17 =	vld.idx.msk [tilespmem:v9+s0+$0x10B90], $0xffff;
	v19 =	vmul.f32 $8.000000000e+00, v58  }
0x45c: {  	v62 =	vld.idx.msk [tilespmem:v9+s0+$0x10CA0], $0xffff;
	[tilespmem:s2+$0xE630] =	vst v18;
	v20 =	vmul.f32 $8.000000000e+00, v59  }
0x45d: {  	v21 =	vmul.f32 $8.000000000e+00, v60;
	v63 =	vld.idx.msk [tilespmem:v9+s0+$0x10DB0], $0xffff;
	[tilespmem:s2+$0xE640] =	vst v19  }
0x45e: {  	v22 =	vmul.f32 $8.000000000e+00, v61;
	v24 =	vld.idx.msk [tilespmem:v9+s0+$0x10EC0], $0xffff;
	[tilespmem:s2+$0xE650] =	vst v20  }
0x45f: {  	v16 =	vmul.f32 $8.000000000e+00, v16;
	[tilespmem:s2+$0xE660] =	vst v21;
	v25 =	vld.idx.msk [tilespmem:v9+s0+$0x10FD0], $0xffff  }
0x460: {  	v17 =	vmul.f32 $8.000000000e+00, v17;
	v26 =	vld.idx.msk [tilespmem:v9+s0+$0x110E0], $0xffff;
	[tilespmem:s2+$0xE670] =	vst v22  }
0x461: {  	[tilespmem:s2+$0xE680] =	vst v16;
	v16 =	vmul.f32 $8.000000000e+00, v62;
	v27 =	vld.idx.msk [tilespmem:v9+s0+$0x111F0], $0xffff  }
0x462: {  	[tilespmem:s2+$0xE690] =	vst v17;
	v17 =	vld.idx.msk [tilespmem:v10+s0+$0x10A80], $0xffff;
	v19 =	vmul.f32 $8.000000000e+00, v63  }
0x463: {  	[tilespmem:s2+$0xE6A0] =	vst v16;
	v16 =	vld.idx.msk [tilespmem:v10+s0+$0x10B90], $0xffff;
	v20 =	vmul.f32 $8.000000000e+00, v24  }
0x464: {  	v28 =	vld.idx.msk [tilespmem:v10+s0+$0x10CA0], $0xffff;
	[tilespmem:s2+$0xE6B0] =	vst v19;
	v21 =	vmul.f32 $8.000000000e+00, v25  }
0x465: {  	v22 =	vmul.f32 $8.000000000e+00, v26;
	v29 =	vld.idx.msk [tilespmem:v10+s0+$0x10DB0], $0xffff;
	[tilespmem:s2+$0xE6C0] =	vst v20  }
0x466: {  	v18 =	vmul.f32 $8.000000000e+00, v27;
	v30 =	vld.idx.msk [tilespmem:v10+s0+$0x10EC0], $0xffff;
	[tilespmem:s2+$0xE6D0] =	vst v21  }
0x467: {  	v17 =	vmul.f32 $8.000000000e+00, v17;
	[tilespmem:s2+$0xE6E0] =	vst v22;
	v31 =	vld.idx.msk [tilespmem:v10+s0+$0x10FD0], $0xffff  }
0x468: {  	v16 =	vmul.f32 $8.000000000e+00, v16;
	v32 =	vld.idx.msk [tilespmem:v10+s0+$0x110E0], $0xffff;
	[tilespmem:s2+$0xE6F0] =	vst v18  }
0x469: {  	[tilespmem:s2+$0xE700] =	vst v17;
	v17 =	vmul.f32 $8.000000000e+00, v28;
	v33 =	vld.idx.msk [tilespmem:v10+s0+$0x111F0], $0xffff  }
0x46a: {  	[tilespmem:s2+$0xE710] =	vst v16;
	v16 =	vld.idx.msk [tilespmem:v11+s0+$0x10A80], $0xffff;
	v20 =	vmul.f32 $8.000000000e+00, v29  }
0x46b: {  	[tilespmem:s2+$0xE720] =	vst v17;
	v17 =	vld.idx.msk [tilespmem:v11+s0+$0x10B90], $0xffff;
	v21 =	vmul.f32 $8.000000000e+00, v30  }
0x46c: {  	v34 =	vld.idx.msk [tilespmem:v11+s0+$0x10CA0], $0xffff;
	[tilespmem:s2+$0xE730] =	vst v20;
	v22 =	vmul.f32 $8.000000000e+00, v31  }
0x46d: {  	v18 =	vmul.f32 $8.000000000e+00, v32;
	v35 =	vld.idx.msk [tilespmem:v11+s0+$0x10DB0], $0xffff;
	[tilespmem:s2+$0xE740] =	vst v21  }
0x46e: {  	v19 =	vmul.f32 $8.000000000e+00, v33;
	v36 =	vld.idx.msk [tilespmem:v11+s0+$0x10EC0], $0xffff;
	[tilespmem:s2+$0xE750] =	vst v22  }
0x46f: {  	v16 =	vmul.f32 $8.000000000e+00, v16;
	[tilespmem:s2+$0xE760] =	vst v18;
	v37 =	vld.idx.msk [tilespmem:v11+s0+$0x10FD0], $0xffff  }
0x470: {  	v17 =	vmul.f32 $8.000000000e+00, v17;
	v38 =	vld.idx.msk [tilespmem:v11+s0+$0x110E0], $0xffff;
	[tilespmem:s2+$0xE770] =	vst v19  }
0x471: {  	[tilespmem:s2+$0xE780] =	vst v16;
	v16 =	vmul.f32 $8.000000000e+00, v34;
	v39 =	vld.idx.msk [tilespmem:v11+s0+$0x111F0], $0xffff  }
0x472: {  	[tilespmem:s2+$0xE790] =	vst v17;
	v17 =	vld.idx.msk [tilespmem:v12+s0+$0x10A80], $0xffff;
	v21 =	vmul.f32 $8.000000000e+00, v35  }
0x473: {  	[tilespmem:s2+$0xE7A0] =	vst v16;
	v16 =	vld.idx.msk [tilespmem:v12+s0+$0x10B90], $0xffff;
	v22 =	vmul.f32 $8.000000000e+00, v36  }
0x474: {  	v40 =	vld.idx.msk [tilespmem:v12+s0+$0x10CA0], $0xffff;
	[tilespmem:s2+$0xE7B0] =	vst v21;
	v18 =	vmul.f32 $8.000000000e+00, v37  }
0x475: {  	v19 =	vmul.f32 $8.000000000e+00, v38;
	v41 =	vld.idx.msk [tilespmem:v12+s0+$0x10DB0], $0xffff;
	[tilespmem:s2+$0xE7C0] =	vst v22  }
0x476: {  	v20 =	vmul.f32 $8.000000000e+00, v39;
	v42 =	vld.idx.msk [tilespmem:v12+s0+$0x10EC0], $0xffff;
	[tilespmem:s2+$0xE7D0] =	vst v18  }
0x477: {  	v17 =	vmul.f32 $8.000000000e+00, v17;
	[tilespmem:s2+$0xE7E0] =	vst v19;
	v43 =	vld.idx.msk [tilespmem:v12+s0+$0x10FD0], $0xffff  }
0x478: {  	v16 =	vmul.f32 $8.000000000e+00, v16;
	v44 =	vld.idx.msk [tilespmem:v12+s0+$0x110E0], $0xffff;
	[tilespmem:s2+$0xE7F0] =	vst v20  }
0x479: {  	[tilespmem:s2+$0xE800] =	vst v17;
	v17 =	vmul.f32 $8.000000000e+00, v40;
	v45 =	vld.idx.msk [tilespmem:v12+s0+$0x111F0], $0xffff  }
0x47a: {  	[tilespmem:s2+$0xE810] =	vst v16;
	v16 =	vld.idx.msk [tilespmem:v13+s0+$0x10A80], $0xffff;
	v22 =	vmul.f32 $8.000000000e+00, v41  }
0x47b: {  	[tilespmem:s2+$0xE820] =	vst v17;
	v17 =	vld.idx.msk [tilespmem:v13+s0+$0x10B90], $0xffff;
	v18 =	vmul.f32 $8.000000000e+00, v42  }
0x47c: {  	v46 =	vld.idx.msk [tilespmem:v13+s0+$0x10CA0], $0xffff;
	[tilespmem:s2+$0xE830] =	vst v22;
	v19 =	vmul.f32 $8.000000000e+00, v43  }
0x47d: {  	v20 =	vmul.f32 $8.000000000e+00, v44;
	v47 =	vld.idx.msk [tilespmem:v13+s0+$0x10DB0], $0xffff;
	[tilespmem:s2+$0xE840] =	vst v18  }
0x47e: {  	v21 =	vmul.f32 $8.000000000e+00, v45;
	v48 =	vld.idx.msk [tilespmem:v13+s0+$0x10EC0], $0xffff;
	[tilespmem:s2+$0xE850] =	vst v19  }
0x47f: {  	v16 =	vmul.f32 $8.000000000e+00, v16;
	[tilespmem:s2+$0xE860] =	vst v20;
	v49 =	vld.idx.msk [tilespmem:v13+s0+$0x10FD0], $0xffff  }
0x480: {  	v17 =	vmul.f32 $8.000000000e+00, v17;
	v50 =	vld.idx.msk [tilespmem:v13+s0+$0x110E0], $0xffff;
	[tilespmem:s2+$0xE870] =	vst v21  }
0x481: {  	[tilespmem:s2+$0xE880] =	vst v16;
	v16 =	vmul.f32 $8.000000000e+00, v46;
	v51 =	vld.idx.msk [tilespmem:v13+s0+$0x111F0], $0xffff  }
0x482: {  	[tilespmem:s2+$0xE890] =	vst v17;
	v17 =	vld.idx.msk [tilespmem:v14+s0+$0x10A80], $0xffff;
	v18 =	vmul.f32 $8.000000000e+00, v47  }
0x483: {  	[tilespmem:s2+$0xE8A0] =	vst v16;
	v16 =	vld.idx.msk [tilespmem:v14+s0+$0x10B90], $0xffff;
	v19 =	vmul.f32 $8.000000000e+00, v48  }
0x484: {  	v52 =	vld.idx.msk [tilespmem:v14+s0+$0x10CA0], $0xffff;
	[tilespmem:s2+$0xE8B0] =	vst v18;
	v20 =	vmul.f32 $8.000000000e+00, v49  }
0x485: {  	v21 =	vmul.f32 $8.000000000e+00, v50;
	v53 =	vld.idx.msk [tilespmem:v14+s0+$0x10DB0], $0xffff;
	[tilespmem:s2+$0xE8C0] =	vst v19  }
0x486: {  	v22 =	vmul.f32 $8.000000000e+00, v51;
	v54 =	vld.idx.msk [tilespmem:v14+s0+$0x10EC0], $0xffff;
	[tilespmem:s2+$0xE8D0] =	vst v20  }
0x487: {  	v17 =	vmul.f32 $8.000000000e+00, v17;
	[tilespmem:s2+$0xE8E0] =	vst v21;
	v55 =	vld.idx.msk [tilespmem:v14+s0+$0x10FD0], $0xffff  }
0x488: {  	v16 =	vmul.f32 $8.000000000e+00, v16;
	v56 =	vld.idx.msk [tilespmem:v14+s0+$0x110E0], $0xffff;
	[tilespmem:s2+$0xE8F0] =	vst v22  }
0x489: {  	[tilespmem:s2+$0xE900] =	vst v17;
	v17 =	vmul.f32 $8.000000000e+00, v52;
	v57 =	vld.idx.msk [tilespmem:v14+s0+$0x111F0], $0xffff  }
0x48a: {  	[tilespmem:s2+$0xE910] =	vst v16;
	v16 =	vld.idx.msk [tilespmem:v15+s0+$0x10A80], $0xffff;
	v19 =	vmul.f32 $8.000000000e+00, v53  }
0x48b: {  	[tilespmem:s2+$0xE920] =	vst v17;
	v17 =	vld.idx.msk [tilespmem:v15+s0+$0x10B90], $0xffff;
	v20 =	vmul.f32 $8.000000000e+00, v54  }
0x48c: {  	v58 =	vld.idx.msk [tilespmem:v15+s0+$0x10CA0], $0xffff;
	[tilespmem:s2+$0xE930] =	vst v19;
	v21 =	vmul.f32 $8.000000000e+00, v55  }
0x48d: {  	v22 =	vmul.f32 $8.000000000e+00, v56;
	v59 =	vld.idx.msk [tilespmem:v15+s0+$0x10DB0], $0xffff;
	[tilespmem:s2+$0xE940] =	vst v20  }
0x48e: {  	v18 =	vmul.f32 $8.000000000e+00, v57;
	v60 =	vld.idx.msk [tilespmem:v15+s0+$0x10EC0], $0xffff;
	[tilespmem:s2+$0xE950] =	vst v21  }
0x48f: {  	v16 =	vmul.f32 $8.000000000e+00, v16;
	[tilespmem:s2+$0xE960] =	vst v22;
	v61 =	vld.idx.msk [tilespmem:v15+s0+$0x10FD0], $0xffff  }
0x490: {  	v17 =	vmul.f32 $8.000000000e+00, v17;
	v62 =	vld.idx.msk [tilespmem:v15+s0+$0x110E0], $0xffff;
	[tilespmem:s2+$0xE970] =	vst v18  }
0x491: {  	[tilespmem:s2+$0xE980] =	vst v16;
	v16 =	vmul.f32 $8.000000000e+00, v58;
	v63 =	vld.idx.msk [tilespmem:v15+s0+$0x111F0], $0xffff  }
0x492: {  	[tilespmem:s2+$0xE990] =	vst v17;
	v17 =	vmul.f32 $8.000000000e+00, v59  }
0x493: {  	p1 =	slt.u32 s30, $0x30;
	[tilespmem:s2+$0xE9A0] =	vst v16;
	v16 =	vmul.f32 $8.000000000e+00, v60  }
.Ltmp5:
0x494: {  	[tilespmem:s2+$0xE9B0] =	vst v17;
	v17 =	vmul.f32 $8.000000000e+00, v61;
	(pc) =	sbr.rel @p1 .LBB2_8-.Ltmp5, $4  }
0x495: {  	[tilespmem:s2+$0xE9C0] =	vst v16;
	v16 =	vmul.f32 $8.000000000e+00, v62  }
0x496: {  	[tilespmem:s2+$0xE9D0] =	vst v17;
	v17 =	vmul.f32 $8.000000000e+00, v63  }
0x497: {  	s0 =	sadd.s32 $0x10, s30;
	[tilespmem:s2+$0xE9E0] =	vst v16  }
0x498: {  	s30 =	smov.u32 s0;
	[tilespmem:s2+$0xE9F0] =	vst v17  }
.Ltmp6:
0x499: {  	s0 =	sadd.s32 s31, s1;
	(pc) =	sbr.rel @p0 .LBB2_11-.Ltmp6, $4  }
0x49a: {  	s2 =	sadd.s32 $0x100, s0  }
0x49b: {  	[hbm4b:s2+s16] =	stream.strided.scatter [tilespmem:s23], [sflag:$0x6], $0x2000, s17, s16, $0x38;
	[tilespmem:$0x14600] =	vst v63  }
0x49c: {  	s0 =	sadd.s32 $0x180, s0  }
0x49d: {  	[hbm4b:s0+s16] =	stream.strided.scatter [tilespmem:s24], [sflag:$0x6], $0x2000, s17, s16, $0x38;
	[tilespmem:$0x14600] =	vst v63  }
.Ltmp7:
0x49e: {  	(pc) =	sbr.rel .LBB2_2-.Ltmp7, $4  }
0x49f: {  	_ =	swait.ge [sflag:s13], $0x100  }
0x4a0: {  	[sflag:s13] =	ssyncset.done $0x0  }
0x4a1: {  	s29 =	sadd.s32 $0x1, s29;
	[sflag:s13] =	ssyncadd.s32 $0xFFFFFF00  }
0x4a2: {  	[tilespmem:s14], [sflag:$0x3] =	stream.indirect.gather [hbm4b:s5+s12], $0x40, s3, s12, $0xb8;
	[tilespmem:$0x14600] =	vst v63  }
.LBB2_12:
0x4a3: {  	_ =	sfence.sel $0x180000  }
0x4a4: {  	[bflag:$0x0] =	sbarrier.arrive $0xFFFF  }
0x4a5: {  	_ =	strace $0x90000047  }
0x4a6: {  	s0 =	stileid.u32;
	[bflag:$0x2] =	sbarrier.arrive $0xFFFF  }
0x4a7: {  	p0 =	sne.s32 s0, $0x0;
	s0 =	rddreg [dreg:$0x2]  }
0x4a8: {  	s0 =	sadd.s32 @!p0 $0x100000, s0  }
0x4a9: {  	[sflag:s0] =	ssyncadd.tile.s32 @!p0 $0x1;
	_ =	shalt  }
.Lfunc_end2:
_tile_overlayer_lowered:
.L_overlay_start_2:
0x4aa: {  	(tag) =	ssettag $0x2  }
0x4ab: {  	s0 =	rddreg [dreg:$0x0];
	s2 =	stileid.u32  }
0x4ac: {  	s1 =	rddreg [dreg:$0x1];
	p0 =	sne.s32 s2, $0x0  }
0x4ad: {  	s3 =	rddreg [dreg:$0x2];
	[bflag:$0x3] =	sbarrier.arrive $0xFFFF;
	s2 =	simm.s32 @!p0 $0x1C07  }
0x4ae: {  	[timem:s3], [sflag:s2] =	dma.local @!p0 [hbm:s0], s1  }
0x4af: {  	s0 =	simm.s32 @!p0 $0x7  }
0x4b0: {  	_ =	swait.ge @!p0 [sflag:s0], s1  }
0x4b1: {  	s1 =	ssub.s32 @!p0 $0x0, s1;
	[sflag:s0] =	ssyncset.done @!p0 $0x0  }
0x4b2: {  	[sflag:s0] =	ssyncadd.s32 @!p0 s1  }
0x4b3: {  	[bflag:$0x3] =	sbarrier.arrive $0xFFFF  }
0x4b4: {  	_ =	shalt  }

</sc_bundles>
